<compile_context>
chip_gen: v7x
topology: tpu7x:2x2x1
jax: 0.10.2.dev20260603
libtpu: 0.0.44.dev20260713+nightly
codegen_flags: <defaults>
</compile_context>

<pallas_src>
import jax
import jax.numpy as jnp
from jax import lax
from jax.experimental import pallas as pl
from jax.experimental.pallas import tpu as pltpu
from jax.experimental.pallas import tpu_sc as plsc

N = 524288
B = 64
NORM = 0.10538154

NC = 2
NS = 16
L = 16
NW = NC * NS
CHUNK = N // NW
NCOMP = 6
ACC_WORDS = NCOMP * B * L
ROW = 8 * B


def _tec_body(pos_hbm, q_hbm, batch_hbm, out_hbm,
              x_v, y_v, z_v, q_v, b_v, acc_v, res_v,
              sem0, sem1, sem2, sem3, sem4, sem5, sem6, sem7, sem8, sem9):
    cid = lax.axis_index("c")
    sid = lax.axis_index("s")
    wid = cid * NS + sid
    base = wid * CHUNK

    H = CHUNK // 2
    c0 = pltpu.async_copy(pos_hbm.at[pl.ds(base, H)], x_v.at[pl.ds(0, H)], sem0)
    c1 = pltpu.async_copy(pos_hbm.at[pl.ds(N + base, H)], y_v.at[pl.ds(0, H)], sem1)
    c2 = pltpu.async_copy(pos_hbm.at[pl.ds(2 * N + base, H)], z_v.at[pl.ds(0, H)], sem2)
    c3 = pltpu.async_copy(q_hbm.at[pl.ds(base, H)], q_v.at[pl.ds(0, H)], sem3)
    c4 = pltpu.async_copy(batch_hbm.at[pl.ds(base, H)], b_v.at[pl.ds(0, H)], sem4)
    d0 = pltpu.async_copy(pos_hbm.at[pl.ds(base + H, H)], x_v.at[pl.ds(H, H)], sem5)
    d1 = pltpu.async_copy(pos_hbm.at[pl.ds(N + base + H, H)], y_v.at[pl.ds(H, H)], sem6)
    d2 = pltpu.async_copy(pos_hbm.at[pl.ds(2 * N + base + H, H)], z_v.at[pl.ds(H, H)], sem7)
    d3 = pltpu.async_copy(q_hbm.at[pl.ds(base + H, H)], q_v.at[pl.ds(H, H)], sem8)
    d4 = pltpu.async_copy(batch_hbm.at[pl.ds(base + H, H)], b_v.at[pl.ds(H, H)], sem9)

    lane = lax.iota(jnp.int32, L)
    zero = jnp.zeros((L,), jnp.float32)

    def zbody(i, _):
        w = i * (4 * L)
        acc_v[pl.ds(w, L)] = zero
        acc_v[pl.ds(w + L, L)] = zero
        acc_v[pl.ds(w + 2 * L, L)] = zero
        acc_v[pl.ds(w + 3 * L, L)] = zero
        return 0
    lax.fori_loop(0, ACC_WORDS // (4 * L), zbody, 0)

    c0.wait()
    c1.wait()
    c2.wait()
    c3.wait()
    c4.wait()

    def step(el, qsum):
        px = x_v[pl.ds(el, L)]
        py = y_v[pl.ds(el, L)]
        pz = z_v[pl.ds(el, L)]
        qv = q_v[pl.ds(el, L)]
        bv = b_v[pl.ds(el, L)]
        addr = bv * L + lane
        plsc.addupdate_scatter(acc_v, [addr], qv * px)
        plsc.addupdate_scatter(acc_v, [addr + (B * L)], qv * py)
        plsc.addupdate_scatter(acc_v, [addr + (2 * B * L)], qv * pz)
        plsc.addupdate_scatter(acc_v, [addr + (3 * B * L)], px)
        plsc.addupdate_scatter(acc_v, [addr + (4 * B * L)], py)
        plsc.addupdate_scatter(acc_v, [addr + (5 * B * L)], pz)
        return qsum + qv

    qsum0 = plsc.parallel_loop(0, H, step=L, unroll=4, carry=zero)(step)

    d0.wait()
    d1.wait()
    d2.wait()
    d3.wait()
    d4.wait()

    qsum = plsc.parallel_loop(H, CHUNK, step=L, unroll=4, carry=qsum0)(step)

    bgrp = lax.iota(jnp.int32, L) * L
    for c in range(NCOMP):
        for g in range(B // L):
            a0 = c * B * L + g * L * L
            s = zero
            for l in range(L):
                s = s + plsc.load_gather(acc_v, [bgrp + (a0 + l)])
            res_v[pl.ds(c * B + g * L, L)] = s
    qs = jnp.broadcast_to(jnp.sum(qsum), (L,))
    res_v[pl.ds(NCOMP * B, L)] = qs
    res_v[pl.ds(NCOMP * B + L, L)] = qs
    res_v[pl.ds(NCOMP * B + 2 * L, L)] = qs
    res_v[pl.ds(NCOMP * B + 3 * L, L)] = qs
    res_v[pl.ds(7 * B, L)] = zero
    res_v[pl.ds(7 * B + L, L)] = zero
    res_v[pl.ds(7 * B + 2 * L, L)] = zero
    res_v[pl.ds(7 * B + 3 * L, L)] = zero

    pltpu.sync_copy(res_v, out_hbm.at[wid])


def _partials(pos, q, batch):
    mesh = plsc.VectorSubcoreMesh(
        core_axis_name="c", subcore_axis_name="s", num_cores=NC, num_subcores=NS
    )
    return pl.kernel(
        _tec_body,
        out_type=jax.ShapeDtypeStruct((NW, ROW), jnp.float32),
        mesh=mesh,
        scratch_types=[
            pltpu.VMEM((CHUNK,), jnp.float32),
            pltpu.VMEM((CHUNK,), jnp.float32),
            pltpu.VMEM((CHUNK,), jnp.float32),
            pltpu.VMEM((CHUNK,), jnp.float32),
            pltpu.VMEM((CHUNK,), jnp.int32),
            pltpu.VMEM((ACC_WORDS,), jnp.float32),
            pltpu.VMEM((ROW,), jnp.float32),
            pltpu.SemaphoreType.DMA,
            pltpu.SemaphoreType.DMA,
            pltpu.SemaphoreType.DMA,
            pltpu.SemaphoreType.DMA,
            pltpu.SemaphoreType.DMA,
            pltpu.SemaphoreType.DMA,
            pltpu.SemaphoreType.DMA,
            pltpu.SemaphoreType.DMA,
            pltpu.SemaphoreType.DMA,
            pltpu.SemaphoreType.DMA,
        ],
        compiler_params=pltpu.CompilerParams(needs_layout_passes=False),
    )(pos, q, batch)


def kernel(positions, q, batch, cell):
    del cell
    part = _partials(positions.T.reshape(3 * N), q, batch.astype(jnp.int32))
    t = part.sum(axis=0).reshape(8, B)
    pol = (t[0:3] - (t[6] * (1.0 / N)) * t[3:6]).T * NORM
    return pol

# --- scband reference (transcript-rebuilt; emitter-appended) ---
"""Pipeline reference for scband-polarization-6674379178076 (READ-ONLY COPY).

The authoritative reference and input builder live on the scoring server;
editing this copy changes nothing except your own understanding.
"""

import jax, jax.numpy as jnp
import numpy as np

N = 524288
B = 64
NORM = 0.10538154

def setup_inputs(seed: int = 0) -> dict:
    key = jax.random.key(seed)
    k1, k2, k3 = jax.random.split(key, 3)
    positions = jax.random.normal(k1, (N, 3), dtype=jnp.float32) * 5.0
    q = jax.random.normal(k2, (N,), dtype=jnp.float32)
    batch = jnp.sort(jax.random.randint(k3, (N,), 0, B)).astype(jnp.int64)
    cell = jnp.zeros((B, 3, 3), dtype=jnp.float32)
    return {"positions": positions, "q": q, "batch": batch, "cell": cell}

def reference(positions, q, batch, cell):
    # Faithful translation of Polarization.forward with pbc=False (the
    # non-pbc branch is always taken: polarization = sum(q*r) per batch).
    qq = q
    if qq.ndim == 1:
        qq = qq[:, None]
    # remove_mean=True: subtract global mean charge over all atoms
    qq = qq - jnp.mean(qq, axis=0, keepdims=True)
    contrib = qq * positions  # [N, 3]
    # per-batch segment sum (equivalent to torch loop over unique batches)
    pol = jax.ops.segment_sum(contrib, batch, num_segments=B)  # [B, 3]
    polarization = pol * NORM
    # phase output is the scalar 0.0 in the non-pbc branch
    return polarization

if __name__ == "__main__":
    import jax
    _d = setup_inputs()
    print(jax.jit(kernel)(*tuple(_d.values())))

</pallas_src>

<mosaic_0001>
#map = affine_map<(d0, d1) -> (0)>
#map1 = affine_map<(d0, d1) -> (0, 0)>
module attributes {stable_mosaic.version = 14 : i64} {
  func.func @_tec_body(%arg0: i32, %arg1: i32, %arg2: memref<1572864xf32, #tpu.memory_space<hbm>>, %arg3: memref<524288xf32, #tpu.memory_space<hbm>>, %arg4: memref<524288xi32, #tpu.memory_space<hbm>>, %arg5: memref<32x512xf32, #tpu.memory_space<hbm>>, %arg6: memref<16384xf32, #tpu.memory_space<vmem>>, %arg7: memref<16384xf32, #tpu.memory_space<vmem>>, %arg8: memref<16384xf32, #tpu.memory_space<vmem>>, %arg9: memref<16384xf32, #tpu.memory_space<vmem>>, %arg10: memref<16384xi32, #tpu.memory_space<vmem>>, %arg11: memref<6144xf32, #tpu.memory_space<vmem>>, %arg12: memref<512xf32, #tpu.memory_space<vmem>>, %arg13: memref<!tpu.dma_semaphore, #tpu.memory_space<semaphore_mem>>, %arg14: memref<!tpu.dma_semaphore, #tpu.memory_space<semaphore_mem>>, %arg15: memref<!tpu.dma_semaphore, #tpu.memory_space<semaphore_mem>>, %arg16: memref<!tpu.dma_semaphore, #tpu.memory_space<semaphore_mem>>, %arg17: memref<!tpu.dma_semaphore, #tpu.memory_space<semaphore_mem>>, %arg18: memref<!tpu.dma_semaphore, #tpu.memory_space<semaphore_mem>>, %arg19: memref<!tpu.dma_semaphore, #tpu.memory_space<semaphore_mem>>, %arg20: memref<!tpu.dma_semaphore, #tpu.memory_space<semaphore_mem>>, %arg21: memref<!tpu.dma_semaphore, #tpu.memory_space<semaphore_mem>>, %arg22: memref<!tpu.dma_semaphore, #tpu.memory_space<semaphore_mem>>) attributes {dimension_semantics = [#tpu.dimension_semantics<core_parallel>, #tpu.dimension_semantics<subcore_parallel>], iteration_bounds = array<i64: 2, 16>, scalar_prefetch = 0 : i64, scratch_operands = 17 : i64, tpu.core_type = #tpu.core_type<sc_vector_subcore>, window_params = [{transform_indices = #map}, {transform_indices = #map}, {transform_indices = #map}, {transform_indices = #map1}]} {
    %mul3A = arith.constant 16 : i32
    %mul3A_0 = arith.muli %arg0, %mul3A : i32
    %add3A = arith.addi %mul3A_0, %arg1 : i32
    %mul3A_1 = arith.constant 16384 : i32
    %mul3A_2 = arith.muli %add3A, %mul3A_1 : i32
    %dma_start3A = arith.constant 0 : i32
    %dma_start3A_3 = tpu.memref_slice %arg6[%dma_start3A] : memref<16384xf32, #tpu.memory_space<vmem>> -> memref<8192xf32, #tpu.memory_space<vmem>>
    %dma_start3A_4 = tpu.memref_slice %arg2[%mul3A_2] : memref<1572864xf32, #tpu.memory_space<hbm>> -> memref<8192xf32, #tpu.memory_space<hbm>>
    %dma_start3A_5 = arith.constant 0 : i32
    %dma_start3A_6 = tpu.memref_slice %arg6[%dma_start3A_5] : memref<16384xf32, #tpu.memory_space<vmem>> -> memref<8192xf32, #tpu.memory_space<vmem>>
    %dma_start3A_7 = tpu.memref_slice %arg2[%mul3A_2] : memref<1572864xf32, #tpu.memory_space<hbm>> -> memref<8192xf32, #tpu.memory_space<hbm>>
    tpu.enqueue_dma source(%dma_start3A_7 : memref<8192xf32, #tpu.memory_space<hbm>>) target(%dma_start3A_6 : memref<8192xf32, #tpu.memory_space<vmem>>) target_semaphore(%arg13 : memref<!tpu.dma_semaphore, #tpu.memory_space<semaphore_mem>>)
    %add3A_8 = arith.constant 524288 : i32
    %add3A_9 = arith.addi %add3A_8, %mul3A_2 : i32
    %dma_start3A_10 = arith.constant 0 : i32
    %dma_start3A_11 = tpu.memref_slice %arg7[%dma_start3A_10] : memref<16384xf32, #tpu.memory_space<vmem>> -> memref<8192xf32, #tpu.memory_space<vmem>>
    %dma_start3A_12 = tpu.memref_slice %arg2[%add3A_9] : memref<1572864xf32, #tpu.memory_space<hbm>> -> memref<8192xf32, #tpu.memory_space<hbm>>
    %dma_start3A_13 = arith.constant 0 : i32
    %dma_start3A_14 = tpu.memref_slice %arg7[%dma_start3A_13] : memref<16384xf32, #tpu.memory_space<vmem>> -> memref<8192xf32, #tpu.memory_space<vmem>>
    %dma_start3A_15 = tpu.memref_slice %arg2[%add3A_9] : memref<1572864xf32, #tpu.memory_space<hbm>> -> memref<8192xf32, #tpu.memory_space<hbm>>
    tpu.enqueue_dma source(%dma_start3A_15 : memref<8192xf32, #tpu.memory_space<hbm>>) target(%dma_start3A_14 : memref<8192xf32, #tpu.memory_space<vmem>>) target_semaphore(%arg14 : memref<!tpu.dma_semaphore, #tpu.memory_space<semaphore_mem>>)
    %add3A_16 = arith.constant 1048576 : i32
    %add3A_17 = arith.addi %add3A_16, %mul3A_2 : i32
    %dma_start3A_18 = arith.constant 0 : i32
    %dma_start3A_19 = tpu.memref_slice %arg8[%dma_start3A_18] : memref<16384xf32, #tpu.memory_space<vmem>> -> memref<8192xf32, #tpu.memory_space<vmem>>
    %dma_start3A_20 = tpu.memref_slice %arg2[%add3A_17] : memref<1572864xf32, #tpu.memory_space<hbm>> -> memref<8192xf32, #tpu.memory_space<hbm>>
    %dma_start3A_21 = arith.constant 0 : i32
    %dma_start3A_22 = tpu.memref_slice %arg8[%dma_start3A_21] : memref<16384xf32, #tpu.memory_space<vmem>> -> memref<8192xf32, #tpu.memory_space<vmem>>
    %dma_start3A_23 = tpu.memref_slice %arg2[%add3A_17] : memref<1572864xf32, #tpu.memory_space<hbm>> -> memref<8192xf32, #tpu.memory_space<hbm>>
    tpu.enqueue_dma source(%dma_start3A_23 : memref<8192xf32, #tpu.memory_space<hbm>>) target(%dma_start3A_22 : memref<8192xf32, #tpu.memory_space<vmem>>) target_semaphore(%arg15 : memref<!tpu.dma_semaphore, #tpu.memory_space<semaphore_mem>>)
    %dma_start3A_24 = arith.constant 0 : i32
    %dma_start3A_25 = tpu.memref_slice %arg9[%dma_start3A_24] : memref<16384xf32, #tpu.memory_space<vmem>> -> memref<8192xf32, #tpu.memory_space<vmem>>
    %dma_start3A_26 = tpu.memref_slice %arg3[%mul3A_2] : memref<524288xf32, #tpu.memory_space<hbm>> -> memref<8192xf32, #tpu.memory_space<hbm>>
    %dma_start3A_27 = arith.constant 0 : i32
    %dma_start3A_28 = tpu.memref_slice %arg9[%dma_start3A_27] : memref<16384xf32, #tpu.memory_space<vmem>> -> memref<8192xf32, #tpu.memory_space<vmem>>
    %dma_start3A_29 = tpu.memref_slice %arg3[%mul3A_2] : memref<524288xf32, #tpu.memory_space<hbm>> -> memref<8192xf32, #tpu.memory_space<hbm>>
    tpu.enqueue_dma source(%dma_start3A_29 : memref<8192xf32, #tpu.memory_space<hbm>>) target(%dma_start3A_28 : memref<8192xf32, #tpu.memory_space<vmem>>) target_semaphore(%arg16 : memref<!tpu.dma_semaphore, #tpu.memory_space<semaphore_mem>>)
    %dma_start3A_30 = arith.constant 0 : i32
    %dma_start3A_31 = tpu.memref_slice %arg10[%dma_start3A_30] : memref<16384xi32, #tpu.memory_space<vmem>> -> memref<8192xi32, #tpu.memory_space<vmem>>
    %dma_start3A_32 = tpu.memref_slice %arg4[%mul3A_2] : memref<524288xi32, #tpu.memory_space<hbm>> -> memref<8192xi32, #tpu.memory_space<hbm>>
    %dma_start3A_33 = arith.constant 0 : i32
    %dma_start3A_34 = tpu.memref_slice %arg10[%dma_start3A_33] : memref<16384xi32, #tpu.memory_space<vmem>> -> memref<8192xi32, #tpu.memory_space<vmem>>
    %dma_start3A_35 = tpu.memref_slice %arg4[%mul3A_2] : memref<524288xi32, #tpu.memory_space<hbm>> -> memref<8192xi32, #tpu.memory_space<hbm>>
    tpu.enqueue_dma source(%dma_start3A_35 : memref<8192xi32, #tpu.memory_space<hbm>>) target(%dma_start3A_34 : memref<8192xi32, #tpu.memory_space<vmem>>) target_semaphore(%arg17 : memref<!tpu.dma_semaphore, #tpu.memory_space<semaphore_mem>>)
    %add3A_36 = arith.constant 8192 : i32
    %add3A_37 = arith.addi %mul3A_2, %add3A_36 : i32
    %dma_start3A_38 = arith.constant 8192 : i32
    %dma_start3A_39 = tpu.memref_slice %arg6[%dma_start3A_38] : memref<16384xf32, #tpu.memory_space<vmem>> -> memref<8192xf32, #tpu.memory_space<vmem>>
    %dma_start3A_40 = tpu.memref_slice %arg2[%add3A_37] : memref<1572864xf32, #tpu.memory_space<hbm>> -> memref<8192xf32, #tpu.memory_space<hbm>>
    %dma_start3A_41 = arith.constant 8192 : i32
    %dma_start3A_42 = tpu.memref_slice %arg6[%dma_start3A_41] : memref<16384xf32, #tpu.memory_space<vmem>> -> memref<8192xf32, #tpu.memory_space<vmem>>
    %dma_start3A_43 = tpu.memref_slice %arg2[%add3A_37] : memref<1572864xf32, #tpu.memory_space<hbm>> -> memref<8192xf32, #tpu.memory_space<hbm>>
    tpu.enqueue_dma source(%dma_start3A_43 : memref<8192xf32, #tpu.memory_space<hbm>>) target(%dma_start3A_42 : memref<8192xf32, #tpu.memory_space<vmem>>) target_semaphore(%arg18 : memref<!tpu.dma_semaphore, #tpu.memory_space<semaphore_mem>>)
    %add3A_44 = arith.constant 524288 : i32
    %add3A_45 = arith.addi %add3A_44, %mul3A_2 : i32
    %add3A_46 = arith.constant 8192 : i32
    %add3A_47 = arith.addi %add3A_45, %add3A_46 : i32
    %dma_start3A_48 = arith.constant 8192 : i32
    %dma_start3A_49 = tpu.memref_slice %arg7[%dma_start3A_48] : memref<16384xf32, #tpu.memory_space<vmem>> -> memref<8192xf32, #tpu.memory_space<vmem>>
    %dma_start3A_50 = tpu.memref_slice %arg2[%add3A_47] : memref<1572864xf32, #tpu.memory_space<hbm>> -> memref<8192xf32, #tpu.memory_space<hbm>>
    %dma_start3A_51 = arith.constant 8192 : i32
    %dma_start3A_52 = tpu.memref_slice %arg7[%dma_start3A_51] : memref<16384xf32, #tpu.memory_space<vmem>> -> memref<8192xf32, #tpu.memory_space<vmem>>
    %dma_start3A_53 = tpu.memref_slice %arg2[%add3A_47] : memref<1572864xf32, #tpu.memory_space<hbm>> -> memref<8192xf32, #tpu.memory_space<hbm>>
    tpu.enqueue_dma source(%dma_start3A_53 : memref<8192xf32, #tpu.memory_space<hbm>>) target(%dma_start3A_52 : memref<8192xf32, #tpu.memory_space<vmem>>) target_semaphore(%arg19 : memref<!tpu.dma_semaphore, #tpu.memory_space<semaphore_mem>>)
    %add3A_54 = arith.constant 1048576 : i32
    %add3A_55 = arith.addi %add3A_54, %mul3A_2 : i32
    %add3A_56 = arith.constant 8192 : i32
    %add3A_57 = arith.addi %add3A_55, %add3A_56 : i32
    %dma_start3A_58 = arith.constant 8192 : i32
    %dma_start3A_59 = tpu.memref_slice %arg8[%dma_start3A_58] : memref<16384xf32, #tpu.memory_space<vmem>> -> memref<8192xf32, #tpu.memory_space<vmem>>
    %dma_start3A_60 = tpu.memref_slice %arg2[%add3A_57] : memref<1572864xf32, #tpu.memory_space<hbm>> -> memref<8192xf32, #tpu.memory_space<hbm>>
    %dma_start3A_61 = arith.constant 8192 : i32
    %dma_start3A_62 = tpu.memref_slice %arg8[%dma_start3A_61] : memref<16384xf32, #tpu.memory_space<vmem>> -> memref<8192xf32, #tpu.memory_space<vmem>>
    %dma_start3A_63 = tpu.memref_slice %arg2[%add3A_57] : memref<1572864xf32, #tpu.memory_space<hbm>> -> memref<8192xf32, #tpu.memory_space<hbm>>
    tpu.enqueue_dma source(%dma_start3A_63 : memref<8192xf32, #tpu.memory_space<hbm>>) target(%dma_start3A_62 : memref<8192xf32, #tpu.memory_space<vmem>>) target_semaphore(%arg20 : memref<!tpu.dma_semaphore, #tpu.memory_space<semaphore_mem>>)
    %add3A_64 = arith.constant 8192 : i32
    %add3A_65 = arith.addi %mul3A_2, %add3A_64 : i32
    %dma_start3A_66 = arith.constant 8192 : i32
    %dma_start3A_67 = tpu.memref_slice %arg9[%dma_start3A_66] : memref<16384xf32, #tpu.memory_space<vmem>> -> memref<8192xf32, #tpu.memory_space<vmem>>
    %dma_start3A_68 = tpu.memref_slice %arg3[%add3A_65] : memref<524288xf32, #tpu.memory_space<hbm>> -> memref<8192xf32, #tpu.memory_space<hbm>>
    %dma_start3A_69 = arith.constant 8192 : i32
    %dma_start3A_70 = tpu.memref_slice %arg9[%dma_start3A_69] : memref<16384xf32, #tpu.memory_space<vmem>> -> memref<8192xf32, #tpu.memory_space<vmem>>
    %dma_start3A_71 = tpu.memref_slice %arg3[%add3A_65] : memref<524288xf32, #tpu.memory_space<hbm>> -> memref<8192xf32, #tpu.memory_space<hbm>>
    tpu.enqueue_dma source(%dma_start3A_71 : memref<8192xf32, #tpu.memory_space<hbm>>) target(%dma_start3A_70 : memref<8192xf32, #tpu.memory_space<vmem>>) target_semaphore(%arg21 : memref<!tpu.dma_semaphore, #tpu.memory_space<semaphore_mem>>)
    %add3A_72 = arith.constant 8192 : i32
    %add3A_73 = arith.addi %mul3A_2, %add3A_72 : i32
    %dma_start3A_74 = arith.constant 8192 : i32
    %dma_start3A_75 = tpu.memref_slice %arg10[%dma_start3A_74] : memref<16384xi32, #tpu.memory_space<vmem>> -> memref<8192xi32, #tpu.memory_space<vmem>>
    %dma_start3A_76 = tpu.memref_slice %arg4[%add3A_73] : memref<524288xi32, #tpu.memory_space<hbm>> -> memref<8192xi32, #tpu.memory_space<hbm>>
    %dma_start3A_77 = arith.constant 8192 : i32
    %dma_start3A_78 = tpu.memref_slice %arg10[%dma_start3A_77] : memref<16384xi32, #tpu.memory_space<vmem>> -> memref<8192xi32, #tpu.memory_space<vmem>>
    %dma_start3A_79 = tpu.memref_slice %arg4[%add3A_73] : memref<524288xi32, #tpu.memory_space<hbm>> -> memref<8192xi32, #tpu.memory_space<hbm>>
    tpu.enqueue_dma source(%dma_start3A_79 : memref<8192xi32, #tpu.memory_space<hbm>>) target(%dma_start3A_78 : memref<8192xi32, #tpu.memory_space<vmem>>) target_semaphore(%arg22 : memref<!tpu.dma_semaphore, #tpu.memory_space<semaphore_mem>>)
    %iota3A = tpu.iota {dimensions = array<i32: 0>} : vector<16xi32>
    %broadcast_in_dim3A = arith.constant 0.000000e+00 : f32
    %broadcast_in_dim3A_80 = vector.broadcast %broadcast_in_dim3A : f32 to vector<16xf32>
    %scan3A = arith.constant 0 : i32
    %scan3A_81 = arith.constant 0 : i32
    %scan3A_82 = arith.constant 96 : i32
    %scan3A_83 = arith.addi %scan3A_81, %scan3A_82 : i32
    %scan3A_84 = arith.constant 1 : i32
    %scan3A_85 = scf.for %scan3A_2143 = %scan3A_81 to %scan3A_83 step %scan3A_84 iter_args(%scan3A_2144 = %scan3A) -> (i32)  : i32 {
      %mul3A_2145 = arith.constant 64 : i32
      %mul3A_2146 = arith.muli %scan3A_2143, %mul3A_2145 : i32
      %swap3A_2147 = arith.index_cast %mul3A_2146 : i32 to index
      %swap3A_2148 = tpu.vector_load %arg11[%swap3A_2147] {strides = array<i32>} : memref<6144xf32, #tpu.memory_space<vmem>>, vector<16xf32>,
      tpu.vector_store %arg11[%swap3A_2147], %broadcast_in_dim3A_80 {strides = array<i32>} : memref<6144xf32, #tpu.memory_space<vmem>>, vector<16xf32>,
      %add3A_2149 = arith.constant 16 : i32
      %add3A_2150 = arith.addi %mul3A_2146, %add3A_2149 : i32
      %swap3A_2151 = arith.index_cast %add3A_2150 : i32 to index
      %swap3A_2152 = tpu.vector_load %arg11[%swap3A_2151] {strides = array<i32>} : memref<6144xf32, #tpu.memory_space<vmem>>, vector<16xf32>,
      tpu.vector_store %arg11[%swap3A_2151], %broadcast_in_dim3A_80 {strides = array<i32>} : memref<6144xf32, #tpu.memory_space<vmem>>, vector<16xf32>,
      %add3A_2153 = arith.constant 32 : i32
      %add3A_2154 = arith.addi %mul3A_2146, %add3A_2153 : i32
      %swap3A_2155 = arith.index_cast %add3A_2154 : i32 to index
      %swap3A_2156 = tpu.vector_load %arg11[%swap3A_2155] {strides = array<i32>} : memref<6144xf32, #tpu.memory_space<vmem>>, vector<16xf32>,
      tpu.vector_store %arg11[%swap3A_2155], %broadcast_in_dim3A_80 {strides = array<i32>} : memref<6144xf32, #tpu.memory_space<vmem>>, vector<16xf32>,
      %add3A_2157 = arith.constant 48 : i32
      %add3A_2158 = arith.addi %mul3A_2146, %add3A_2157 : i32
      %swap3A_2159 = arith.index_cast %add3A_2158 : i32 to index
      %swap3A_2160 = tpu.vector_load %arg11[%swap3A_2159] {strides = array<i32>} : memref<6144xf32, #tpu.memory_space<vmem>>, vector<16xf32>,
      tpu.vector_store %arg11[%swap3A_2159], %broadcast_in_dim3A_80 {strides = array<i32>} : memref<6144xf32, #tpu.memory_space<vmem>>, vector<16xf32>,
      %scan3A_2161 = arith.constant 0 : i32
      scf.yield %scan3A_2161 : i32
    }
    %scan3A_86 = arith.constant 96 : i32
    %dma_wait3A = arith.constant 0 : i32
    %dma_wait3A_87 = tpu.memref_slice %arg6[%dma_wait3A] : memref<16384xf32, #tpu.memory_space<vmem>> -> memref<8192xf32, #tpu.memory_space<vmem>>
    %dma_wait3A_88 = tpu.memref_slice %arg2[%mul3A_2] : memref<1572864xf32, #tpu.memory_space<hbm>> -> memref<8192xf32, #tpu.memory_space<hbm>>
    %dma_wait3A_89 = arith.constant 0 : i32
    %dma_wait3A_90 = tpu.memref_slice %arg6[%dma_wait3A_89] : memref<16384xf32, #tpu.memory_space<vmem>> -> memref<8192xf32, #tpu.memory_space<vmem>>
    %dma_wait3A_91 = tpu.memref_slice %arg2[%mul3A_2] : memref<1572864xf32, #tpu.memory_space<hbm>> -> memref<8192xf32, #tpu.memory_space<hbm>>
    tpu.wait_dma2 semaphore(%arg13 : memref<!tpu.dma_semaphore, #tpu.memory_space<semaphore_mem>>) src(%dma_wait3A_91 : memref<8192xf32, #tpu.memory_space<hbm>>) dst(%dma_wait3A_90 : memref<8192xf32, #tpu.memory_space<vmem>>)
    %dma_wait3A_92 = arith.constant 0 : i32
    %dma_wait3A_93 = tpu.memref_slice %arg7[%dma_wait3A_92] : memref<16384xf32, #tpu.memory_space<vmem>> -> memref<8192xf32, #tpu.memory_space<vmem>>
    %dma_wait3A_94 = tpu.memref_slice %arg2[%add3A_9] : memref<1572864xf32, #tpu.memory_space<hbm>> -> memref<8192xf32, #tpu.memory_space<hbm>>
    %dma_wait3A_95 = arith.constant 0 : i32
    %dma_wait3A_96 = tpu.memref_slice %arg7[%dma_wait3A_95] : memref<16384xf32, #tpu.memory_space<vmem>> -> memref<8192xf32, #tpu.memory_space<vmem>>
    %dma_wait3A_97 = tpu.memref_slice %arg2[%add3A_9] : memref<1572864xf32, #tpu.memory_space<hbm>> -> memref<8192xf32, #tpu.memory_space<hbm>>
    tpu.wait_dma2 semaphore(%arg14 : memref<!tpu.dma_semaphore, #tpu.memory_space<semaphore_mem>>) src(%dma_wait3A_97 : memref<8192xf32, #tpu.memory_space<hbm>>) dst(%dma_wait3A_96 : memref<8192xf32, #tpu.memory_space<vmem>>)
    %dma_wait3A_98 = arith.constant 0 : i32
    %dma_wait3A_99 = tpu.memref_slice %arg8[%dma_wait3A_98] : memref<16384xf32, #tpu.memory_space<vmem>> -> memref<8192xf32, #tpu.memory_space<vmem>>
    %dma_wait3A_100 = tpu.memref_slice %arg2[%add3A_17] : memref<1572864xf32, #tpu.memory_space<hbm>> -> memref<8192xf32, #tpu.memory_space<hbm>>
    %dma_wait3A_101 = arith.constant 0 : i32
    %dma_wait3A_102 = tpu.memref_slice %arg8[%dma_wait3A_101] : memref<16384xf32, #tpu.memory_space<vmem>> -> memref<8192xf32, #tpu.memory_space<vmem>>
    %dma_wait3A_103 = tpu.memref_slice %arg2[%add3A_17] : memref<1572864xf32, #tpu.memory_space<hbm>> -> memref<8192xf32, #tpu.memory_space<hbm>>
    tpu.wait_dma2 semaphore(%arg15 : memref<!tpu.dma_semaphore, #tpu.memory_space<semaphore_mem>>) src(%dma_wait3A_103 : memref<8192xf32, #tpu.memory_space<hbm>>) dst(%dma_wait3A_102 : memref<8192xf32, #tpu.memory_space<vmem>>)
    %dma_wait3A_104 = arith.constant 0 : i32
    %dma_wait3A_105 = tpu.memref_slice %arg9[%dma_wait3A_104] : memref<16384xf32, #tpu.memory_space<vmem>> -> memref<8192xf32, #tpu.memory_space<vmem>>
    %dma_wait3A_106 = tpu.memref_slice %arg3[%mul3A_2] : memref<524288xf32, #tpu.memory_space<hbm>> -> memref<8192xf32, #tpu.memory_space<hbm>>
    %dma_wait3A_107 = arith.constant 0 : i32
    %dma_wait3A_108 = tpu.memref_slice %arg9[%dma_wait3A_107] : memref<16384xf32, #tpu.memory_space<vmem>> -> memref<8192xf32, #tpu.memory_space<vmem>>
    %dma_wait3A_109 = tpu.memref_slice %arg3[%mul3A_2] : memref<524288xf32, #tpu.memory_space<hbm>> -> memref<8192xf32, #tpu.memory_space<hbm>>
    tpu.wait_dma2 semaphore(%arg16 : memref<!tpu.dma_semaphore, #tpu.memory_space<semaphore_mem>>) src(%dma_wait3A_109 : memref<8192xf32, #tpu.memory_space<hbm>>) dst(%dma_wait3A_108 : memref<8192xf32, #tpu.memory_space<vmem>>)
    %dma_wait3A_110 = arith.constant 0 : i32
    %dma_wait3A_111 = tpu.memref_slice %arg10[%dma_wait3A_110] : memref<16384xi32, #tpu.memory_space<vmem>> -> memref<8192xi32, #tpu.memory_space<vmem>>
    %dma_wait3A_112 = tpu.memref_slice %arg4[%mul3A_2] : memref<524288xi32, #tpu.memory_space<hbm>> -> memref<8192xi32, #tpu.memory_space<hbm>>
    %dma_wait3A_113 = arith.constant 0 : i32
    %dma_wait3A_114 = tpu.memref_slice %arg10[%dma_wait3A_113] : memref<16384xi32, #tpu.memory_space<vmem>> -> memref<8192xi32, #tpu.memory_space<vmem>>
    %dma_wait3A_115 = tpu.memref_slice %arg4[%mul3A_2] : memref<524288xi32, #tpu.memory_space<hbm>> -> memref<8192xi32, #tpu.memory_space<hbm>>
    tpu.wait_dma2 semaphore(%arg17 : memref<!tpu.dma_semaphore, #tpu.memory_space<semaphore_mem>>) src(%dma_wait3A_115 : memref<8192xi32, #tpu.memory_space<hbm>>) dst(%dma_wait3A_114 : memref<8192xi32, #tpu.memory_space<vmem>>)
    %parallel_loop3A = arith.constant 0 : i32
    %parallel_loop3A_116 = arith.constant 8192 : i32
    %parallel_loop3A_117 = arith.constant 16 : i32
    %parallel_loop3A_118 = scf.for %parallel_loop3A_2143 = %parallel_loop3A to %parallel_loop3A_116 step %parallel_loop3A_117 iter_args(%parallel_loop3A_2144 = %broadcast_in_dim3A_80) -> (vector<16xf32>)  : i32 {
      %parallel_loop3A_2145 = arith.index_cast %parallel_loop3A_2143 : i32 to index
      %parallel_loop3A_2146 = tpu.vector_load %arg6[%parallel_loop3A_2145] {strides = array<i32>} : memref<16384xf32, #tpu.memory_space<vmem>>, vector<16xf32>,
      %parallel_loop3A_2147 = arith.index_cast %parallel_loop3A_2143 : i32 to index
      %parallel_loop3A_2148 = tpu.vector_load %arg7[%parallel_loop3A_2147] {strides = array<i32>} : memref<16384xf32, #tpu.memory_space<vmem>>, vector<16xf32>,
      %parallel_loop3A_2149 = arith.index_cast %parallel_loop3A_2143 : i32 to index
      %parallel_loop3A_2150 = tpu.vector_load %arg8[%parallel_loop3A_2149] {strides = array<i32>} : memref<16384xf32, #tpu.memory_space<vmem>>, vector<16xf32>,
      %parallel_loop3A_2151 = arith.index_cast %parallel_loop3A_2143 : i32 to index
      %parallel_loop3A_2152 = tpu.vector_load %arg9[%parallel_loop3A_2151] {strides = array<i32>} : memref<16384xf32, #tpu.memory_space<vmem>>, vector<16xf32>,
      %parallel_loop3A_2153 = arith.index_cast %parallel_loop3A_2143 : i32 to index
      %parallel_loop3A_2154 = tpu.vector_load %arg10[%parallel_loop3A_2153] {strides = array<i32>} : memref<16384xi32, #tpu.memory_space<vmem>>, vector<16xi32>,
      %parallel_loop3A_2155 = arith.constant 16 : i32
      %parallel_loop3A_2156 = vector.broadcast %parallel_loop3A_2155 : i32 to vector<16xi32>
      %parallel_loop3A_2157 = arith.muli %parallel_loop3A_2154, %parallel_loop3A_2156 : vector<16xi32>
      %parallel_loop3A_2158 = arith.addi %parallel_loop3A_2157, %iota3A : vector<16xi32>
      %parallel_loop3A_2159 = arith.mulf %parallel_loop3A_2152, %parallel_loop3A_2146 : vector<16xf32>
      tpu.vector_store_idx %arg11[%parallel_loop3A_2158], %parallel_loop3A_2159 {add = true} : memref<6144xf32, #tpu.memory_space<vmem>>[vector<16xi32>], vector<16xf32>,
      %parallel_loop3A_2160 = arith.constant 1024 : i32
      %parallel_loop3A_2161 = vector.broadcast %parallel_loop3A_2160 : i32 to vector<16xi32>
      %parallel_loop3A_2162 = arith.addi %parallel_loop3A_2158, %parallel_loop3A_2161 : vector<16xi32>
      %parallel_loop3A_2163 = arith.mulf %parallel_loop3A_2152, %parallel_loop3A_2148 : vector<16xf32>
      tpu.vector_store_idx %arg11[%parallel_loop3A_2162], %parallel_loop3A_2163 {add = true} : memref<6144xf32, #tpu.memory_space<vmem>>[vector<16xi32>], vector<16xf32>,
      %parallel_loop3A_2164 = arith.constant 2048 : i32
      %parallel_loop3A_2165 = vector.broadcast %parallel_loop3A_2164 : i32 to vector<16xi32>
      %parallel_loop3A_2166 = arith.addi %parallel_loop3A_2158, %parallel_loop3A_2165 : vector<16xi32>
      %parallel_loop3A_2167 = arith.mulf %parallel_loop3A_2152, %parallel_loop3A_2150 : vector<16xf32>
      tpu.vector_store_idx %arg11[%parallel_loop3A_2166], %parallel_loop3A_2167 {add = true} : memref<6144xf32, #tpu.memory_space<vmem>>[vector<16xi32>], vector<16xf32>,
      %parallel_loop3A_2168 = arith.constant 3072 : i32
      %parallel_loop3A_2169 = vector.broadcast %parallel_loop3A_2168 : i32 to vector<16xi32>
      %parallel_loop3A_2170 = arith.addi %parallel_loop3A_2158, %parallel_loop3A_2169 : vector<16xi32>
      tpu.vector_store_idx %arg11[%parallel_loop3A_2170], %parallel_loop3A_2146 {add = true} : memref<6144xf32, #tpu.memory_space<vmem>>[vector<16xi32>], vector<16xf32>,
      %parallel_loop3A_2171 = arith.constant 4096 : i32
      %parallel_loop3A_2172 = vector.broadcast %parallel_loop3A_2171 : i32 to vector<16xi32>
      %parallel_loop3A_2173 = arith.addi %parallel_loop3A_2158, %parallel_loop3A_2172 : vector<16xi32>
      tpu.vector_store_idx %arg11[%parallel_loop3A_2173], %parallel_loop3A_2148 {add = true} : memref<6144xf32, #tpu.memory_space<vmem>>[vector<16xi32>], vector<16xf32>,
      %parallel_loop3A_2174 = arith.constant 5120 : i32
      %parallel_loop3A_2175 = vector.broadcast %parallel_loop3A_2174 : i32 to vector<16xi32>
      %parallel_loop3A_2176 = arith.addi %parallel_loop3A_2158, %parallel_loop3A_2175 : vector<16xi32>
      tpu.vector_store_idx %arg11[%parallel_loop3A_2176], %parallel_loop3A_2150 {add = true} : memref<6144xf32, #tpu.memory_space<vmem>>[vector<16xi32>], vector<16xf32>,
      %parallel_loop3A_2177 = arith.addf %parallel_loop3A_2144, %parallel_loop3A_2152 : vector<16xf32>
      scf.yield %parallel_loop3A_2177 : vector<16xf32>
    } {sc.loop_unroll_factor = 4 : i64, sc.parallel_access}
    %dma_wait3A_119 = arith.constant 8192 : i32
    %dma_wait3A_120 = tpu.memref_slice %arg6[%dma_wait3A_119] : memref<16384xf32, #tpu.memory_space<vmem>> -> memref<8192xf32, #tpu.memory_space<vmem>>
    %dma_wait3A_121 = tpu.memref_slice %arg2[%add3A_37] : memref<1572864xf32, #tpu.memory_space<hbm>> -> memref<8192xf32, #tpu.memory_space<hbm>>
    %dma_wait3A_122 = arith.constant 8192 : i32
    %dma_wait3A_123 = tpu.memref_slice %arg6[%dma_wait3A_122] : memref<16384xf32, #tpu.memory_space<vmem>> -> memref<8192xf32, #tpu.memory_space<vmem>>
    %dma_wait3A_124 = tpu.memref_slice %arg2[%add3A_37] : memref<1572864xf32, #tpu.memory_space<hbm>> -> memref<8192xf32, #tpu.memory_space<hbm>>
    tpu.wait_dma2 semaphore(%arg18 : memref<!tpu.dma_semaphore, #tpu.memory_space<semaphore_mem>>) src(%dma_wait3A_124 : memref<8192xf32, #tpu.memory_space<hbm>>) dst(%dma_wait3A_123 : memref<8192xf32, #tpu.memory_space<vmem>>)
    %dma_wait3A_125 = arith.constant 8192 : i32
    %dma_wait3A_126 = tpu.memref_slice %arg7[%dma_wait3A_125] : memref<16384xf32, #tpu.memory_space<vmem>> -> memref<8192xf32, #tpu.memory_space<vmem>>
    %dma_wait3A_127 = tpu.memref_slice %arg2[%add3A_47] : memref<1572864xf32, #tpu.memory_space<hbm>> -> memref<8192xf32, #tpu.memory_space<hbm>>
    %dma_wait3A_128 = arith.constant 8192 : i32
    %dma_wait3A_129 = tpu.memref_slice %arg7[%dma_wait3A_128] : memref<16384xf32, #tpu.memory_space<vmem>> -> memref<8192xf32, #tpu.memory_space<vmem>>
    %dma_wait3A_130 = tpu.memref_slice %arg2[%add3A_47] : memref<1572864xf32, #tpu.memory_space<hbm>> -> memref<8192xf32, #tpu.memory_space<hbm>>
    tpu.wait_dma2 semaphore(%arg19 : memref<!tpu.dma_semaphore, #tpu.memory_space<semaphore_mem>>) src(%dma_wait3A_130 : memref<8192xf32, #tpu.memory_space<hbm>>) dst(%dma_wait3A_129 : memref<8192xf32, #tpu.memory_space<vmem>>)
    %dma_wait3A_131 = arith.constant 8192 : i32
    %dma_wait3A_132 = tpu.memref_slice %arg8[%dma_wait3A_131] : memref<16384xf32, #tpu.memory_space<vmem>> -> memref<8192xf32, #tpu.memory_space<vmem>>
    %dma_wait3A_133 = tpu.memref_slice %arg2[%add3A_57] : memref<1572864xf32, #tpu.memory_space<hbm>> -> memref<8192xf32, #tpu.memory_space<hbm>>
    %dma_wait3A_134 = arith.constant 8192 : i32
    %dma_wait3A_135 = tpu.memref_slice %arg8[%dma_wait3A_134] : memref<16384xf32, #tpu.memory_space<vmem>> -> memref<8192xf32, #tpu.memory_space<vmem>>
    %dma_wait3A_136 = tpu.memref_slice %arg2[%add3A_57] : memref<1572864xf32, #tpu.memory_space<hbm>> -> memref<8192xf32, #tpu.memory_space<hbm>>
    tpu.wait_dma2 semaphore(%arg20 : memref<!tpu.dma_semaphore, #tpu.memory_space<semaphore_mem>>) src(%dma_wait3A_136 : memref<8192xf32, #tpu.memory_space<hbm>>) dst(%dma_wait3A_135 : memref<8192xf32, #tpu.memory_space<vmem>>)
    %dma_wait3A_137 = arith.constant 8192 : i32
    %dma_wait3A_138 = tpu.memref_slice %arg9[%dma_wait3A_137] : memref<16384xf32, #tpu.memory_space<vmem>> -> memref<8192xf32, #tpu.memory_space<vmem>>
    %dma_wait3A_139 = tpu.memref_slice %arg3[%add3A_65] : memref<524288xf32, #tpu.memory_space<hbm>> -> memref<8192xf32, #tpu.memory_space<hbm>>
    %dma_wait3A_140 = arith.constant 8192 : i32
    %dma_wait3A_141 = tpu.memref_slice %arg9[%dma_wait3A_140] : memref<16384xf32, #tpu.memory_space<vmem>> -> memref<8192xf32, #tpu.memory_space<vmem>>
    %dma_wait3A_142 = tpu.memref_slice %arg3[%add3A_65] : memref<524288xf32, #tpu.memory_space<hbm>> -> memref<8192xf32, #tpu.memory_space<hbm>>
    tpu.wait_dma2 semaphore(%arg21 : memref<!tpu.dma_semaphore, #tpu.memory_space<semaphore_mem>>) src(%dma_wait3A_142 : memref<8192xf32, #tpu.memory_space<hbm>>) dst(%dma_wait3A_141 : memref<8192xf32, #tpu.memory_space<vmem>>)
    %dma_wait3A_143 = arith.constant 8192 : i32
    %dma_wait3A_144 = tpu.memref_slice %arg10[%dma_wait3A_143] : memref<16384xi32, #tpu.memory_space<vmem>> -> memref<8192xi32, #tpu.memory_space<vmem>>
    %dma_wait3A_145 = tpu.memref_slice %arg4[%add3A_73] : memref<524288xi32, #tpu.memory_space<hbm>> -> memref<8192xi32, #tpu.memory_space<hbm>>
    %dma_wait3A_146 = arith.constant 8192 : i32
    %dma_wait3A_147 = tpu.memref_slice %arg10[%dma_wait3A_146] : memref<16384xi32, #tpu.memory_space<vmem>> -> memref<8192xi32, #tpu.memory_space<vmem>>
    %dma_wait3A_148 = tpu.memref_slice %arg4[%add3A_73] : memref<524288xi32, #tpu.memory_space<hbm>> -> memref<8192xi32, #tpu.memory_space<hbm>>
    tpu.wait_dma2 semaphore(%arg22 : memref<!tpu.dma_semaphore, #tpu.memory_space<semaphore_mem>>) src(%dma_wait3A_148 : memref<8192xi32, #tpu.memory_space<hbm>>) dst(%dma_wait3A_147 : memref<8192xi32, #tpu.memory_space<vmem>>)
    %parallel_loop3A_149 = arith.constant 8192 : i32
    %parallel_loop3A_150 = arith.constant 16384 : i32
    %parallel_loop3A_151 = arith.constant 16 : i32
    %parallel_loop3A_152 = scf.for %parallel_loop3A_2143 = %parallel_loop3A_149 to %parallel_loop3A_150 step %parallel_loop3A_151 iter_args(%parallel_loop3A_2144 = %parallel_loop3A_118) -> (vector<16xf32>)  : i32 {
      %parallel_loop3A_2145 = arith.index_cast %parallel_loop3A_2143 : i32 to index
      %parallel_loop3A_2146 = tpu.vector_load %arg6[%parallel_loop3A_2145] {strides = array<i32>} : memref<16384xf32, #tpu.memory_space<vmem>>, vector<16xf32>,
      %parallel_loop3A_2147 = arith.index_cast %parallel_loop3A_2143 : i32 to index
      %parallel_loop3A_2148 = tpu.vector_load %arg7[%parallel_loop3A_2147] {strides = array<i32>} : memref<16384xf32, #tpu.memory_space<vmem>>, vector<16xf32>,
      %parallel_loop3A_2149 = arith.index_cast %parallel_loop3A_2143 : i32 to index
      %parallel_loop3A_2150 = tpu.vector_load %arg8[%parallel_loop3A_2149] {strides = array<i32>} : memref<16384xf32, #tpu.memory_space<vmem>>, vector<16xf32>,
      %parallel_loop3A_2151 = arith.index_cast %parallel_loop3A_2143 : i32 to index
      %parallel_loop3A_2152 = tpu.vector_load %arg9[%parallel_loop3A_2151] {strides = array<i32>} : memref<16384xf32, #tpu.memory_space<vmem>>, vector<16xf32>,
      %parallel_loop3A_2153 = arith.index_cast %parallel_loop3A_2143 : i32 to index
      %parallel_loop3A_2154 = tpu.vector_load %arg10[%parallel_loop3A_2153] {strides = array<i32>} : memref<16384xi32, #tpu.memory_space<vmem>>, vector<16xi32>,
      %parallel_loop3A_2155 = arith.constant 16 : i32
      %parallel_loop3A_2156 = vector.broadcast %parallel_loop3A_2155 : i32 to vector<16xi32>
      %parallel_loop3A_2157 = arith.muli %parallel_loop3A_2154, %parallel_loop3A_2156 : vector<16xi32>
      %parallel_loop3A_2158 = arith.addi %parallel_loop3A_2157, %iota3A : vector<16xi32>
      %parallel_loop3A_2159 = arith.mulf %parallel_loop3A_2152, %parallel_loop3A_2146 : vector<16xf32>
      tpu.vector_store_idx %arg11[%parallel_loop3A_2158], %parallel_loop3A_2159 {add = true} : memref<6144xf32, #tpu.memory_space<vmem>>[vector<16xi32>], vector<16xf32>,
      %parallel_loop3A_2160 = arith.constant 1024 : i32
      %parallel_loop3A_2161 = vector.broadcast %parallel_loop3A_2160 : i32 to vector<16xi32>
      %parallel_loop3A_2162 = arith.addi %parallel_loop3A_2158, %parallel_loop3A_2161 : vector<16xi32>
      %parallel_loop3A_2163 = arith.mulf %parallel_loop3A_2152, %parallel_loop3A_2148 : vector<16xf32>
      tpu.vector_store_idx %arg11[%parallel_loop3A_2162], %parallel_loop3A_2163 {add = true} : memref<6144xf32, #tpu.memory_space<vmem>>[vector<16xi32>], vector<16xf32>,
      %parallel_loop3A_2164 = arith.constant 2048 : i32
      %parallel_loop3A_2165 = vector.broadcast %parallel_loop3A_2164 : i32 to vector<16xi32>
      %parallel_loop3A_2166 = arith.addi %parallel_loop3A_2158, %parallel_loop3A_2165 : vector<16xi32>
      %parallel_loop3A_2167 = arith.mulf %parallel_loop3A_2152, %parallel_loop3A_2150 : vector<16xf32>
      tpu.vector_store_idx %arg11[%parallel_loop3A_2166], %parallel_loop3A_2167 {add = true} : memref<6144xf32, #tpu.memory_space<vmem>>[vector<16xi32>], vector<16xf32>,
      %parallel_loop3A_2168 = arith.constant 3072 : i32
      %parallel_loop3A_2169 = vector.broadcast %parallel_loop3A_2168 : i32 to vector<16xi32>
      %parallel_loop3A_2170 = arith.addi %parallel_loop3A_2158, %parallel_loop3A_2169 : vector<16xi32>
      tpu.vector_store_idx %arg11[%parallel_loop3A_2170], %parallel_loop3A_2146 {add = true} : memref<6144xf32, #tpu.memory_space<vmem>>[vector<16xi32>], vector<16xf32>,
      %parallel_loop3A_2171 = arith.constant 4096 : i32
      %parallel_loop3A_2172 = vector.broadcast %parallel_loop3A_2171 : i32 to vector<16xi32>
      %parallel_loop3A_2173 = arith.addi %parallel_loop3A_2158, %parallel_loop3A_2172 : vector<16xi32>
      tpu.vector_store_idx %arg11[%parallel_loop3A_2173], %parallel_loop3A_2148 {add = true} : memref<6144xf32, #tpu.memory_space<vmem>>[vector<16xi32>], vector<16xf32>,
      %parallel_loop3A_2174 = arith.constant 5120 : i32
      %parallel_loop3A_2175 = vector.broadcast %parallel_loop3A_2174 : i32 to vector<16xi32>
      %parallel_loop3A_2176 = arith.addi %parallel_loop3A_2158, %parallel_loop3A_2175 : vector<16xi32>
      tpu.vector_store_idx %arg11[%parallel_loop3A_2176], %parallel_loop3A_2150 {add = true} : memref<6144xf32, #tpu.memory_space<vmem>>[vector<16xi32>], vector<16xf32>,
      %parallel_loop3A_2177 = arith.addf %parallel_loop3A_2144, %parallel_loop3A_2152 : vector<16xf32>
      scf.yield %parallel_loop3A_2177 : vector<16xf32>
    } {sc.loop_unroll_factor = 4 : i64, sc.parallel_access}
    %iota3A_153 = tpu.iota {dimensions = array<i32: 0>} : vector<16xi32>
    %mul3A_154 = arith.constant 16 : i32
    %mul3A_155 = vector.broadcast %mul3A_154 : i32 to vector<16xi32>
    %mul3A_156 = arith.muli %iota3A_153, %mul3A_155 : vector<16xi32>
    %add3A_157 = arith.constant 0 : i32
    %add3A_158 = vector.broadcast %add3A_157 : i32 to vector<16xi32>
    %add3A_159 = arith.addi %mul3A_156, %add3A_158 : vector<16xi32>
    %gather3A = tpu.vector_load_idx %arg11[%add3A_159] : memref<6144xf32, #tpu.memory_space<vmem>>[vector<16xi32>], vector<16xf32>,
    %add3A_160 = arith.addf %broadcast_in_dim3A_80, %gather3A : vector<16xf32>
    %add3A_161 = arith.constant 1 : i32
    %add3A_162 = vector.broadcast %add3A_161 : i32 to vector<16xi32>
    %add3A_163 = arith.addi %mul3A_156, %add3A_162 : vector<16xi32>
    %gather3A_164 = tpu.vector_load_idx %arg11[%add3A_163] : memref<6144xf32, #tpu.memory_space<vmem>>[vector<16xi32>], vector<16xf32>,
    %add3A_165 = arith.addf %add3A_160, %gather3A_164 : vector<16xf32>
    %add3A_166 = arith.constant 2 : i32
    %add3A_167 = vector.broadcast %add3A_166 : i32 to vector<16xi32>
    %add3A_168 = arith.addi %mul3A_156, %add3A_167 : vector<16xi32>
    %gather3A_169 = tpu.vector_load_idx %arg11[%add3A_168] : memref<6144xf32, #tpu.memory_space<vmem>>[vector<16xi32>], vector<16xf32>,
    %add3A_170 = arith.addf %add3A_165, %gather3A_169 : vector<16xf32>
    %add3A_171 = arith.constant 3 : i32
    %add3A_172 = vector.broadcast %add3A_171 : i32 to vector<16xi32>
    %add3A_173 = arith.addi %mul3A_156, %add3A_172 : vector<16xi32>
    %gather3A_174 = tpu.vector_load_idx %arg11[%add3A_173] : memref<6144xf32, #tpu.memory_space<vmem>>[vector<16xi32>], vector<16xf32>,
    %add3A_175 = arith.addf %add3A_170, %gather3A_174 : vector<16xf32>
    %add3A_176 = arith.constant 4 : i32
    %add3A_177 = vector.broadcast %add3A_176 : i32 to vector<16xi32>
    %add3A_178 = arith.addi %mul3A_156, %add3A_177 : vector<16xi32>
    %gather3A_179 = tpu.vector_load_idx %arg11[%add3A_178] : memref<6144xf32, #tpu.memory_space<vmem>>[vector<16xi32>], vector<16xf32>,
    %add3A_180 = arith.addf %add3A_175, %gather3A_179 : vector<16xf32>
    %add3A_181 = arith.constant 5 : i32
    %add3A_182 = vector.broadcast %add3A_181 : i32 to vector<16xi32>
    %add3A_183 = arith.addi %mul3A_156, %add3A_182 : vector<16xi32>
    %gather3A_184 = tpu.vector_load_idx %arg11[%add3A_183] : memref<6144xf32, #tpu.memory_space<vmem>>[vector<16xi32>], vector<16xf32>,
    %add3A_185 = arith.addf %add3A_180, %gather3A_184 : vector<16xf32>
    %add3A_186 = arith.constant 6 : i32
    %add3A_187 = vector.broadcast %add3A_186 : i32 to vector<16xi32>
    %add3A_188 = arith.addi %mul3A_156, %add3A_187 : vector<16xi32>
    %gather3A_189 = tpu.vector_load_idx %arg11[%add3A_188] : memref<6144xf32, #tpu.memory_space<vmem>>[vector<16xi32>], vector<16xf32>,
    %add3A_190 = arith.addf %add3A_185, %gather3A_189 : vector<16xf32>
    %add3A_191 = arith.constant 7 : i32
    %add3A_192 = vector.broadcast %add3A_191 : i32 to vector<16xi32>
    %add3A_193 = arith.addi %mul3A_156, %add3A_192 : vector<16xi32>
    %gather3A_194 = tpu.vector_load_idx %arg11[%add3A_193] : memref<6144xf32, #tpu.memory_space<vmem>>[vector<16xi32>], vector<16xf32>,
    %add3A_195 = arith.addf %add3A_190, %gather3A_194 : vector<16xf32>
    %add3A_196 = arith.constant 8 : i32
    %add3A_197 = vector.broadcast %add3A_196 : i32 to vector<16xi32>
    %add3A_198 = arith.addi %mul3A_156, %add3A_197 : vector<16xi32>
    %gather3A_199 = tpu.vector_load_idx %arg11[%add3A_198] : memref<6144xf32, #tpu.memory_space<vmem>>[vector<16xi32>], vector<16xf32>,
    %add3A_200 = arith.addf %add3A_195, %gather3A_199 : vector<16xf32>
    %add3A_201 = arith.constant 9 : i32
    %add3A_202 = vector.broadcast %add3A_201 : i32 to vector<16xi32>
    %add3A_203 = arith.addi %mul3A_156, %add3A_202 : vector<16xi32>
    %gather3A_204 = tpu.vector_load_idx %arg11[%add3A_203] : memref<6144xf32, #tpu.memory_space<vmem>>[vector<16xi32>], vector<16xf32>,
    %add3A_205 = arith.addf %add3A_200, %gather3A_204 : vector<16xf32>
    %add3A_206 = arith.constant 10 : i32
    %add3A_207 = vector.broadcast %add3A_206 : i32 to vector<16xi32>
    %add3A_208 = arith.addi %mul3A_156, %add3A_207 : vector<16xi32>
    %gather3A_209 = tpu.vector_load_idx %arg11[%add3A_208] : memref<6144xf32, #tpu.memory_space<vmem>>[vector<16xi32>], vector<16xf32>,
    %add3A_210 = arith.addf %add3A_205, %gather3A_209 : vector<16xf32>
    %add3A_211 = arith.constant 11 : i32
    %add3A_212 = vector.broadcast %add3A_211 : i32 to vector<16xi32>
    %add3A_213 = arith.addi %mul3A_156, %add3A_212 : vector<16xi32>
    %gather3A_214 = tpu.vector_load_idx %arg11[%add3A_213] : memref<6144xf32, #tpu.memory_space<vmem>>[vector<16xi32>], vector<16xf32>,
    %add3A_215 = arith.addf %add3A_210, %gather3A_214 : vector<16xf32>
    %add3A_216 = arith.constant 12 : i32
    %add3A_217 = vector.broadcast %add3A_216 : i32 to vector<16xi32>
    %add3A_218 = arith.addi %mul3A_156, %add3A_217 : vector<16xi32>
    %gather3A_219 = tpu.vector_load_idx %arg11[%add3A_218] : memref<6144xf32, #tpu.memory_space<vmem>>[vector<16xi32>], vector<16xf32>,
    %add3A_220 = arith.addf %add3A_215, %gather3A_219 : vector<16xf32>
    %add3A_221 = arith.constant 13 : i32
    %add3A_222 = vector.broadcast %add3A_221 : i32 to vector<16xi32>
    %add3A_223 = arith.addi %mul3A_156, %add3A_222 : vector<16xi32>
    %gather3A_224 = tpu.vector_load_idx %arg11[%add3A_223] : memref<6144xf32, #tpu.memory_space<vmem>>[vector<16xi32>], vector<16xf32>,
    %add3A_225 = arith.addf %add3A_220, %gather3A_224 : vector<16xf32>
    %add3A_226 = arith.constant 14 : i32
    %add3A_227 = vector.broadcast %add3A_226 : i32 to vector<16xi32>
    %add3A_228 = arith.addi %mul3A_156, %add3A_227 : vector<16xi32>
    %gather3A_229 = tpu.vector_load_idx %arg11[%add3A_228] : memref<6144xf32, #tpu.memory_space<vmem>>[vector<16xi32>], vector<16xf32>,
    %add3A_230 = arith.addf %add3A_225, %gather3A_229 : vector<16xf32>
    %add3A_231 = arith.constant 15 : i32
    %add3A_232 = vector.broadcast %add3A_231 : i32 to vector<16xi32>
    %add3A_233 = arith.addi %mul3A_156, %add3A_232 : vector<16xi32>
    %gather3A_234 = tpu.vector_load_idx %arg11[%add3A_233] : memref<6144xf32, #tpu.memory_space<vmem>>[vector<16xi32>], vector<16xf32>,
    %add3A_235 = arith.addf %add3A_230, %gather3A_234 : vector<16xf32>
    %swap3A = arith.constant 0 : index
    %swap3A_236 = tpu.vector_load %arg12[%swap3A] {strides = array<i32>} : memref<512xf32, #tpu.memory_space<vmem>>, vector<16xf32>,
    tpu.vector_store %arg12[%swap3A], %add3A_235 {strides = array<i32>} : memref<512xf32, #tpu.memory_space<vmem>>, vector<16xf32>,
    %add3A_237 = arith.constant 256 : i32
    %add3A_238 = vector.broadcast %add3A_237 : i32 to vector<16xi32>
    %add3A_239 = arith.addi %mul3A_156, %add3A_238 : vector<16xi32>
    %gather3A_240 = tpu.vector_load_idx %arg11[%add3A_239] : memref<6144xf32, #tpu.memory_space<vmem>>[vector<16xi32>], vector<16xf32>,
    %add3A_241 = arith.addf %broadcast_in_dim3A_80, %gather3A_240 : vector<16xf32>
    %add3A_242 = arith.constant 257 : i32
    %add3A_243 = vector.broadcast %add3A_242 : i32 to vector<16xi32>
    %add3A_244 = arith.addi %mul3A_156, %add3A_243 : vector<16xi32>
    %gather3A_245 = tpu.vector_load_idx %arg11[%add3A_244] : memref<6144xf32, #tpu.memory_space<vmem>>[vector<16xi32>], vector<16xf32>,
    %add3A_246 = arith.addf %add3A_241, %gather3A_245 : vector<16xf32>
    %add3A_247 = arith.constant 258 : i32
    %add3A_248 = vector.broadcast %add3A_247 : i32 to vector<16xi32>
    %add3A_249 = arith.addi %mul3A_156, %add3A_248 : vector<16xi32>
    %gather3A_250 = tpu.vector_load_idx %arg11[%add3A_249] : memref<6144xf32, #tpu.memory_space<vmem>>[vector<16xi32>], vector<16xf32>,
    %add3A_251 = arith.addf %add3A_246, %gather3A_250 : vector<16xf32>
    %add3A_252 = arith.constant 259 : i32
    %add3A_253 = vector.broadcast %add3A_252 : i32 to vector<16xi32>
    %add3A_254 = arith.addi %mul3A_156, %add3A_253 : vector<16xi32>
    %gather3A_255 = tpu.vector_load_idx %arg11[%add3A_254] : memref<6144xf32, #tpu.memory_space<vmem>>[vector<16xi32>], vector<16xf32>,
    %add3A_256 = arith.addf %add3A_251, %gather3A_255 : vector<16xf32>
    %add3A_257 = arith.constant 260 : i32
    %add3A_258 = vector.broadcast %add3A_257 : i32 to vector<16xi32>
    %add3A_259 = arith.addi %mul3A_156, %add3A_258 : vector<16xi32>
    %gather3A_260 = tpu.vector_load_idx %arg11[%add3A_259] : memref<6144xf32, #tpu.memory_space<vmem>>[vector<16xi32>], vector<16xf32>,
    %add3A_261 = arith.addf %add3A_256, %gather3A_260 : vector<16xf32>
    %add3A_262 = arith.constant 261 : i32
    %add3A_263 = vector.broadcast %add3A_262 : i32 to vector<16xi32>
    %add3A_264 = arith.addi %mul3A_156, %add3A_263 : vector<16xi32>
    %gather3A_265 = tpu.vector_load_idx %arg11[%add3A_264] : memref<6144xf32, #tpu.memory_space<vmem>>[vector<16xi32>], vector<16xf32>,
    %add3A_266 = arith.addf %add3A_261, %gather3A_265 : vector<16xf32>
    %add3A_267 = arith.constant 262 : i32
    %add3A_268 = vector.broadcast %add3A_267 : i32 to vector<16xi32>
    %add3A_269 = arith.addi %mul3A_156, %add3A_268 : vector<16xi32>
    %gather3A_270 = tpu.vector_load_idx %arg11[%add3A_269] : memref<6144xf32, #tpu.memory_space<vmem>>[vector<16xi32>], vector<16xf32>,
    %add3A_271 = arith.addf %add3A_266, %gather3A_270 : vector<16xf32>
    %add3A_272 = arith.constant 263 : i32
    %add3A_273 = vector.broadcast %add3A_272 : i32 to vector<16xi32>
    %add3A_274 = arith.addi %mul3A_156, %add3A_273 : vector<16xi32>
    %gather3A_275 = tpu.vector_load_idx %arg11[%add3A_274] : memref<6144xf32, #tpu.memory_space<vmem>>[vector<16xi32>], vector<16xf32>,
    %add3A_276 = arith.addf %add3A_271, %gather3A_275 : vector<16xf32>
    %add3A_277 = arith.constant 264 : i32
    %add3A_278 = vector.broadcast %add3A_277 : i32 to vector<16xi32>
    %add3A_279 = arith.addi %mul3A_156, %add3A_278 : vector<16xi32>
    %gather3A_280 = tpu.vector_load_idx %arg11[%add3A_279] : memref<6144xf32, #tpu.memory_space<vmem>>[vector<16xi32>], vector<16xf32>,
    %add3A_281 = arith.addf %add3A_276, %gather3A_280 : vector<16xf32>
    %add3A_282 = arith.constant 265 : i32
    %add3A_283 = vector.broadcast %add3A_282 : i32 to vector<16xi32>
    %add3A_284 = arith.addi %mul3A_156, %add3A_283 : vector<16xi32>
    %gather3A_285 = tpu.vector_load_idx %arg11[%add3A_284] : memref<6144xf32, #tpu.memory_space<vmem>>[vector<16xi32>], vector<16xf32>,
    %add3A_286 = arith.addf %add3A_281, %gather3A_285 : vector<16xf32>
    %add3A_287 = arith.constant 266 : i32
    %add3A_288 = vector.broadcast %add3A_287 : i32 to vector<16xi32>
    %add3A_289 = arith.addi %mul3A_156, %add3A_288 : vector<16xi32>
    %gather3A_290 = tpu.vector_load_idx %arg11[%add3A_289] : memref<6144xf32, #tpu.memory_space<vmem>>[vector<16xi32>], vector<16xf32>,
    %add3A_291 = arith.addf %add3A_286, %gather3A_290 : vector<16xf32>
    %add3A_292 = arith.constant 267 : i32
    %add3A_293 = vector.broadcast %add3A_292 : i32 to vector<16xi32>
    %add3A_294 = arith.addi %mul3A_156, %add3A_293 : vector<16xi32>
    %gather3A_295 = tpu.vector_load_idx %arg11[%add3A_294] : memref<6144xf32, #tpu.memory_space<vmem>>[vector<16xi32>], vector<16xf32>,
    %add3A_296 = arith.addf %add3A_291, %gather3A_295 : vector<16xf32>
    %add3A_297 = arith.constant 268 : i32
    %add3A_298 = vector.broadcast %add3A_297 : i32 to vector<16xi32>
    %add3A_299 = arith.addi %mul3A_156, %add3A_298 : vector<16xi32>
    %gather3A_300 = tpu.vector_load_idx %arg11[%add3A_299] : memref<6144xf32, #tpu.memory_space<vmem>>[vector<16xi32>], vector<16xf32>,
    %add3A_301 = arith.addf %add3A_296, %gather3A_300 : vector<16xf32>
    %add3A_302 = arith.constant 269 : i32
    %add3A_303 = vector.broadcast %add3A_302 : i32 to vector<16xi32>
    %add3A_304 = arith.addi %mul3A_156, %add3A_303 : vector<16xi32>
    %gather3A_305 = tpu.vector_load_idx %arg11[%add3A_304] : memref<6144xf32, #tpu.memory_space<vmem>>[vector<16xi32>], vector<16xf32>,
    %add3A_306 = arith.addf %add3A_301, %gather3A_305 : vector<16xf32>
    %add3A_307 = arith.constant 270 : i32
    %add3A_308 = vector.broadcast %add3A_307 : i32 to vector<16xi32>
    %add3A_309 = arith.addi %mul3A_156, %add3A_308 : vector<16xi32>
    %gather3A_310 = tpu.vector_load_idx %arg11[%add3A_309] : memref<6144xf32, #tpu.memory_space<vmem>>[vector<16xi32>], vector<16xf32>,
    %add3A_311 = arith.addf %add3A_306, %gather3A_310 : vector<16xf32>
    %add3A_312 = arith.constant 271 : i32
    %add3A_313 = vector.broadcast %add3A_312 : i32 to vector<16xi32>
    %add3A_314 = arith.addi %mul3A_156, %add3A_313 : vector<16xi32>
    %gather3A_315 = tpu.vector_load_idx %arg11[%add3A_314] : memref<6144xf32, #tpu.memory_space<vmem>>[vector<16xi32>], vector<16xf32>,
    %add3A_316 = arith.addf %add3A_311, %gather3A_315 : vector<16xf32>
    %swap3A_317 = arith.constant 16 : index
    %swap3A_318 = tpu.vector_load %arg12[%swap3A_317] {strides = array<i32>} : memref<512xf32, #tpu.memory_space<vmem>>, vector<16xf32>,
    tpu.vector_store %arg12[%swap3A_317], %add3A_316 {strides = array<i32>} : memref<512xf32, #tpu.memory_space<vmem>>, vector<16xf32>,
    %add3A_319 = arith.constant 512 : i32
    %add3A_320 = vector.broadcast %add3A_319 : i32 to vector<16xi32>
    %add3A_321 = arith.addi %mul3A_156, %add3A_320 : vector<16xi32>
    %gather3A_322 = tpu.vector_load_idx %arg11[%add3A_321] : memref<6144xf32, #tpu.memory_space<vmem>>[vector<16xi32>], vector<16xf32>,
    %add3A_323 = arith.addf %broadcast_in_dim3A_80, %gather3A_322 : vector<16xf32>
    %add3A_324 = arith.constant 513 : i32
    %add3A_325 = vector.broadcast %add3A_324 : i32 to vector<16xi32>
    %add3A_326 = arith.addi %mul3A_156, %add3A_325 : vector<16xi32>
    %gather3A_327 = tpu.vector_load_idx %arg11[%add3A_326] : memref<6144xf32, #tpu.memory_space<vmem>>[vector<16xi32>], vector<16xf32>,
    %add3A_328 = arith.addf %add3A_323, %gather3A_327 : vector<16xf32>
    %add3A_329 = arith.constant 514 : i32
    %add3A_330 = vector.broadcast %add3A_329 : i32 to vector<16xi32>
    %add3A_331 = arith.addi %mul3A_156, %add3A_330 : vector<16xi32>
    %gather3A_332 = tpu.vector_load_idx %arg11[%add3A_331] : memref<6144xf32, #tpu.memory_space<vmem>>[vector<16xi32>], vector<16xf32>,
    %add3A_333 = arith.addf %add3A_328, %gather3A_332 : vector<16xf32>
    %add3A_334 = arith.constant 515 : i32
    %add3A_335 = vector.broadcast %add3A_334 : i32 to vector<16xi32>
    %add3A_336 = arith.addi %mul3A_156, %add3A_335 : vector<16xi32>
    %gather3A_337 = tpu.vector_load_idx %arg11[%add3A_336] : memref<6144xf32, #tpu.memory_space<vmem>>[vector<16xi32>], vector<16xf32>,
    %add3A_338 = arith.addf %add3A_333, %gather3A_337 : vector<16xf32>
    %add3A_339 = arith.constant 516 : i32
    %add3A_340 = vector.broadcast %add3A_339 : i32 to vector<16xi32>
    %add3A_341 = arith.addi %mul3A_156, %add3A_340 : vector<16xi32>
    %gather3A_342 = tpu.vector_load_idx %arg11[%add3A_341] : memref<6144xf32, #tpu.memory_space<vmem>>[vector<16xi32>], vector<16xf32>,
    %add3A_343 = arith.addf %add3A_338, %gather3A_342 : vector<16xf32>
    %add3A_344 = arith.constant 517 : i32
    %add3A_345 = vector.broadcast %add3A_344 : i32 to vector<16xi32>
    %add3A_346 = arith.addi %mul3A_156, %add3A_345 : vector<16xi32>
    %gather3A_347 = tpu.vector_load_idx %arg11[%add3A_346] : memref<6144xf32, #tpu.memory_space<vmem>>[vector<16xi32>], vector<16xf32>,
    %add3A_348 = arith.addf %add3A_343, %gather3A_347 : vector<16xf32>
    %add3A_349 = arith.constant 518 : i32
    %add3A_350 = vector.broadcast %add3A_349 : i32 to vector<16xi32>
    %add3A_351 = arith.addi %mul3A_156, %add3A_350 : vector<16xi32>
    %gather3A_352 = tpu.vector_load_idx %arg11[%add3A_351] : memref<6144xf32, #tpu.memory_space<vmem>>[vector<16xi32>], vector<16xf32>,
    %add3A_353 = arith.addf %add3A_348, %gather3A_352 : vector<16xf32>
    %add3A_354 = arith.constant 519 : i32
    %add3A_355 = vector.broadcast %add3A_354 : i32 to vector<16xi32>
    %add3A_356 = arith.addi %mul3A_156, %add3A_355 : vector<16xi32>
    %gather3A_357 = tpu.vector_load_idx %arg11[%add3A_356] : memref<6144xf32, #tpu.memory_space<vmem>>[vector<16xi32>], vector<16xf32>,
    %add3A_358 = arith.addf %add3A_353, %gather3A_357 : vector<16xf32>
    %add3A_359 = arith.constant 520 : i32
    %add3A_360 = vector.broadcast %add3A_359 : i32 to vector<16xi32>
    %add3A_361 = arith.addi %mul3A_156, %add3A_360 : vector<16xi32>
    %gather3A_362 = tpu.vector_load_idx %arg11[%add3A_361] : memref<6144xf32, #tpu.memory_space<vmem>>[vector<16xi32>], vector<16xf32>,
    %add3A_363 = arith.addf %add3A_358, %gather3A_362 : vector<16xf32>
    %add3A_364 = arith.constant 521 : i32
    %add3A_365 = vector.broadcast %add3A_364 : i32 to vector<16xi32>
    %add3A_366 = arith.addi %mul3A_156, %add3A_365 : vector<16xi32>
    %gather3A_367 = tpu.vector_load_idx %arg11[%add3A_366] : memref<6144xf32, #tpu.memory_space<vmem>>[vector<16xi32>], vector<16xf32>,
    %add3A_368 = arith.addf %add3A_363, %gather3A_367 : vector<16xf32>
    %add3A_369 = arith.constant 522 : i32
    %add3A_370 = vector.broadcast %add3A_369 : i32 to vector<16xi32>
    %add3A_371 = arith.addi %mul3A_156, %add3A_370 : vector<16xi32>
    %gather3A_372 = tpu.vector_load_idx %arg11[%add3A_371] : memref<6144xf32, #tpu.memory_space<vmem>>[vector<16xi32>], vector<16xf32>,
    %add3A_373 = arith.addf %add3A_368, %gather3A_372 : vector<16xf32>
    %add3A_374 = arith.constant 523 : i32
    %add3A_375 = vector.broadcast %add3A_374 : i32 to vector<16xi32>
    %add3A_376 = arith.addi %mul3A_156, %add3A_375 : vector<16xi32>
    %gather3A_377 = tpu.vector_load_idx %arg11[%add3A_376] : memref<6144xf32, #tpu.memory_space<vmem>>[vector<16xi32>], vector<16xf32>,
    %add3A_378 = arith.addf %add3A_373, %gather3A_377 : vector<16xf32>
    %add3A_379 = arith.constant 524 : i32
    %add3A_380 = vector.broadcast %add3A_379 : i32 to vector<16xi32>
    %add3A_381 = arith.addi %mul3A_156, %add3A_380 : vector<16xi32>
    %gather3A_382 = tpu.vector_load_idx %arg11[%add3A_381] : memref<6144xf32, #tpu.memory_space<vmem>>[vector<16xi32>], vector<16xf32>,
    %add3A_383 = arith.addf %add3A_378, %gather3A_382 : vector<16xf32>
    %add3A_384 = arith.constant 525 : i32
    %add3A_385 = vector.broadcast %add3A_384 : i32 to vector<16xi32>
    %add3A_386 = arith.addi %mul3A_156, %add3A_385 : vector<16xi32>
    %gather3A_387 = tpu.vector_load_idx %arg11[%add3A_386] : memref<6144xf32, #tpu.memory_space<vmem>>[vector<16xi32>], vector<16xf32>,
    %add3A_388 = arith.addf %add3A_383, %gather3A_387 : vector<16xf32>
    %add3A_389 = arith.constant 526 : i32
    %add3A_390 = vector.broadcast %add3A_389 : i32 to vector<16xi32>
    %add3A_391 = arith.addi %mul3A_156, %add3A_390 : vector<16xi32>
    %gather3A_392 = tpu.vector_load_idx %arg11[%add3A_391] : memref<6144xf32, #tpu.memory_space<vmem>>[vector<16xi32>], vector<16xf32>,
    %add3A_393 = arith.addf %add3A_388, %gather3A_392 : vector<16xf32>
    %add3A_394 = arith.constant 527 : i32
    %add3A_395 = vector.broadcast %add3A_394 : i32 to vector<16xi32>
    %add3A_396 = arith.addi %mul3A_156, %add3A_395 : vector<16xi32>
    %gather3A_397 = tpu.vector_load_idx %arg11[%add3A_396] : memref<6144xf32, #tpu.memory_space<vmem>>[vector<16xi32>], vector<16xf32>,
    %add3A_398 = arith.addf %add3A_393, %gather3A_397 : vector<16xf32>
    %swap3A_399 = arith.constant 32 : index
    %swap3A_400 = tpu.vector_load %arg12[%swap3A_399] {strides = array<i32>} : memref<512xf32, #tpu.memory_space<vmem>>, vector<16xf32>,
    tpu.vector_store %arg12[%swap3A_399], %add3A_398 {strides = array<i32>} : memref<512xf32, #tpu.memory_space<vmem>>, vector<16xf32>,
    %add3A_401 = arith.constant 768 : i32
    %add3A_402 = vector.broadcast %add3A_401 : i32 to vector<16xi32>
    %add3A_403 = arith.addi %mul3A_156, %add3A_402 : vector<16xi32>
    %gather3A_404 = tpu.vector_load_idx %arg11[%add3A_403] : memref<6144xf32, #tpu.memory_space<vmem>>[vector<16xi32>], vector<16xf32>,
    %add3A_405 = arith.addf %broadcast_in_dim3A_80, %gather3A_404 : vector<16xf32>
    %add3A_406 = arith.constant 769 : i32
    %add3A_407 = vector.broadcast %add3A_406 : i32 to vector<16xi32>
    %add3A_408 = arith.addi %mul3A_156, %add3A_407 : vector<16xi32>
    %gather3A_409 = tpu.vector_load_idx %arg11[%add3A_408] : memref<6144xf32, #tpu.memory_space<vmem>>[vector<16xi32>], vector<16xf32>,
    %add3A_410 = arith.addf %add3A_405, %gather3A_409 : vector<16xf32>
    %add3A_411 = arith.constant 770 : i32
    %add3A_412 = vector.broadcast %add3A_411 : i32 to vector<16xi32>
    %add3A_413 = arith.addi %mul3A_156, %add3A_412 : vector<16xi32>
    %gather3A_414 = tpu.vector_load_idx %arg11[%add3A_413] : memref<6144xf32, #tpu.memory_space<vmem>>[vector<16xi32>], vector<16xf32>,
    %add3A_415 = arith.addf %add3A_410, %gather3A_414 : vector<16xf32>
    %add3A_416 = arith.constant 771 : i32
    %add3A_417 = vector.broadcast %add3A_416 : i32 to vector<16xi32>
    %add3A_418 = arith.addi %mul3A_156, %add3A_417 : vector<16xi32>
    %gather3A_419 = tpu.vector_load_idx %arg11[%add3A_418] : memref<6144xf32, #tpu.memory_space<vmem>>[vector<16xi32>], vector<16xf32>,
    %add3A_420 = arith.addf %add3A_415, %gather3A_419 : vector<16xf32>
    %add3A_421 = arith.constant 772 : i32
    %add3A_422 = vector.broadcast %add3A_421 : i32 to vector<16xi32>
    %add3A_423 = arith.addi %mul3A_156, %add3A_422 : vector<16xi32>
    %gather3A_424 = tpu.vector_load_idx %arg11[%add3A_423] : memref<6144xf32, #tpu.memory_space<vmem>>[vector<16xi32>], vector<16xf32>,
    %add3A_425 = arith.addf %add3A_420, %gather3A_424 : vector<16xf32>
    %add3A_426 = arith.constant 773 : i32
    %add3A_427 = vector.broadcast %add3A_426 : i32 to vector<16xi32>
    %add3A_428 = arith.addi %mul3A_156, %add3A_427 : vector<16xi32>
    %gather3A_429 = tpu.vector_load_idx %arg11[%add3A_428] : memref<6144xf32, #tpu.memory_space<vmem>>[vector<16xi32>], vector<16xf32>,
    %add3A_430 = arith.addf %add3A_425, %gather3A_429 : vector<16xf32>
    %add3A_431 = arith.constant 774 : i32
    %add3A_432 = vector.broadcast %add3A_431 : i32 to vector<16xi32>
    %add3A_433 = arith.addi %mul3A_156, %add3A_432 : vector<16xi32>
    %gather3A_434 = tpu.vector_load_idx %arg11[%add3A_433] : memref<6144xf32, #tpu.memory_space<vmem>>[vector<16xi32>], vector<16xf32>,
    %add3A_435 = arith.addf %add3A_430, %gather3A_434 : vector<16xf32>
    %add3A_436 = arith.constant 775 : i32
    %add3A_437 = vector.broadcast %add3A_436 : i32 to vector<16xi32>
    %add3A_438 = arith.addi %mul3A_156, %add3A_437 : vector<16xi32>
    %gather3A_439 = tpu.vector_load_idx %arg11[%add3A_438] : memref<6144xf32, #tpu.memory_space<vmem>>[vector<16xi32>], vector<16xf32>,
    %add3A_440 = arith.addf %add3A_435, %gather3A_439 : vector<16xf32>
    %add3A_441 = arith.constant 776 : i32
    %add3A_442 = vector.broadcast %add3A_441 : i32 to vector<16xi32>
    %add3A_443 = arith.addi %mul3A_156, %add3A_442 : vector<16xi32>
    %gather3A_444 = tpu.vector_load_idx %arg11[%add3A_443] : memref<6144xf32, #tpu.memory_space<vmem>>[vector<16xi32>], vector<16xf32>,
    %add3A_445 = arith.addf %add3A_440, %gather3A_444 : vector<16xf32>
    %add3A_446 = arith.constant 777 : i32
    %add3A_447 = vector.broadcast %add3A_446 : i32 to vector<16xi32>
    %add3A_448 = arith.addi %mul3A_156, %add3A_447 : vector<16xi32>
    %gather3A_449 = tpu.vector_load_idx %arg11[%add3A_448] : memref<6144xf32, #tpu.memory_space<vmem>>[vector<16xi32>], vector<16xf32>,
    %add3A_450 = arith.addf %add3A_445, %gather3A_449 : vector<16xf32>
    %add3A_451 = arith.constant 778 : i32
    %add3A_452 = vector.broadcast %add3A_451 : i32 to vector<16xi32>
    %add3A_453 = arith.addi %mul3A_156, %add3A_452 : vector<16xi32>
    %gather3A_454 = tpu.vector_load_idx %arg11[%add3A_453] : memref<6144xf32, #tpu.memory_space<vmem>>[vector<16xi32>], vector<16xf32>,
    %add3A_455 = arith.addf %add3A_450, %gather3A_454 : vector<16xf32>
    %add3A_456 = arith.constant 779 : i32
    %add3A_457 = vector.broadcast %add3A_456 : i32 to vector<16xi32>
    %add3A_458 = arith.addi %mul3A_156, %add3A_457 : vector<16xi32>
    %gather3A_459 = tpu.vector_load_idx %arg11[%add3A_458] : memref<6144xf32, #tpu.memory_space<vmem>>[vector<16xi32>], vector<16xf32>,
    %add3A_460 = arith.addf %add3A_455, %gather3A_459 : vector<16xf32>
    %add3A_461 = arith.constant 780 : i32
    %add3A_462 = vector.broadcast %add3A_461 : i32 to vector<16xi32>
    %add3A_463 = arith.addi %mul3A_156, %add3A_462 : vector<16xi32>
    %gather3A_464 = tpu.vector_load_idx %arg11[%add3A_463] : memref<6144xf32, #tpu.memory_space<vmem>>[vector<16xi32>], vector<16xf32>,
    %add3A_465 = arith.addf %add3A_460, %gather3A_464 : vector<16xf32>
    %add3A_466 = arith.constant 781 : i32
    %add3A_467 = vector.broadcast %add3A_466 : i32 to vector<16xi32>
    %add3A_468 = arith.addi %mul3A_156, %add3A_467 : vector<16xi32>
    %gather3A_469 = tpu.vector_load_idx %arg11[%add3A_468] : memref<6144xf32, #tpu.memory_space<vmem>>[vector<16xi32>], vector<16xf32>,
    %add3A_470 = arith.addf %add3A_465, %gather3A_469 : vector<16xf32>
    %add3A_471 = arith.constant 782 : i32
    %add3A_472 = vector.broadcast %add3A_471 : i32 to vector<16xi32>
    %add3A_473 = arith.addi %mul3A_156, %add3A_472 : vector<16xi32>
    %gather3A_474 = tpu.vector_load_idx %arg11[%add3A_473] : memref<6144xf32, #tpu.memory_space<vmem>>[vector<16xi32>], vector<16xf32>,
    %add3A_475 = arith.addf %add3A_470, %gather3A_474 : vector<16xf32>
    %add3A_476 = arith.constant 783 : i32
    %add3A_477 = vector.broadcast %add3A_476 : i32 to vector<16xi32>
    %add3A_478 = arith.addi %mul3A_156, %add3A_477 : vector<16xi32>
    %gather3A_479 = tpu.vector_load_idx %arg11[%add3A_478] : memref<6144xf32, #tpu.memory_space<vmem>>[vector<16xi32>], vector<16xf32>,
    %add3A_480 = arith.addf %add3A_475, %gather3A_479 : vector<16xf32>
    %swap3A_481 = arith.constant 48 : index
    %swap3A_482 = tpu.vector_load %arg12[%swap3A_481] {strides = array<i32>} : memref<512xf32, #tpu.memory_space<vmem>>, vector<16xf32>,
    tpu.vector_store %arg12[%swap3A_481], %add3A_480 {strides = array<i32>} : memref<512xf32, #tpu.memory_space<vmem>>, vector<16xf32>,
    %add3A_483 = arith.constant 1024 : i32
    %add3A_484 = vector.broadcast %add3A_483 : i32 to vector<16xi32>
    %add3A_485 = arith.addi %mul3A_156, %add3A_484 : vector<16xi32>
    %gather3A_486 = tpu.vector_load_idx %arg11[%add3A_485] : memref<6144xf32, #tpu.memory_space<vmem>>[vector<16xi32>], vector<16xf32>,
    %add3A_487 = arith.addf %broadcast_in_dim3A_80, %gather3A_486 : vector<16xf32>
    %add3A_488 = arith.constant 1025 : i32
    %add3A_489 = vector.broadcast %add3A_488 : i32 to vector<16xi32>
    %add3A_490 = arith.addi %mul3A_156, %add3A_489 : vector<16xi32>
    %gather3A_491 = tpu.vector_load_idx %arg11[%add3A_490] : memref<6144xf32, #tpu.memory_space<vmem>>[vector<16xi32>], vector<16xf32>,
    %add3A_492 = arith.addf %add3A_487, %gather3A_491 : vector<16xf32>
    %add3A_493 = arith.constant 1026 : i32
    %add3A_494 = vector.broadcast %add3A_493 : i32 to vector<16xi32>
    %add3A_495 = arith.addi %mul3A_156, %add3A_494 : vector<16xi32>
    %gather3A_496 = tpu.vector_load_idx %arg11[%add3A_495] : memref<6144xf32, #tpu.memory_space<vmem>>[vector<16xi32>], vector<16xf32>,
    %add3A_497 = arith.addf %add3A_492, %gather3A_496 : vector<16xf32>
    %add3A_498 = arith.constant 1027 : i32
    %add3A_499 = vector.broadcast %add3A_498 : i32 to vector<16xi32>
    %add3A_500 = arith.addi %mul3A_156, %add3A_499 : vector<16xi32>
    %gather3A_501 = tpu.vector_load_idx %arg11[%add3A_500] : memref<6144xf32, #tpu.memory_space<vmem>>[vector<16xi32>], vector<16xf32>,
    %add3A_502 = arith.addf %add3A_497, %gather3A_501 : vector<16xf32>
    %add3A_503 = arith.constant 1028 : i32
    %add3A_504 = vector.broadcast %add3A_503 : i32 to vector<16xi32>
    %add3A_505 = arith.addi %mul3A_156, %add3A_504 : vector<16xi32>
    %gather3A_506 = tpu.vector_load_idx %arg11[%add3A_505] : memref<6144xf32, #tpu.memory_space<vmem>>[vector<16xi32>], vector<16xf32>,
    %add3A_507 = arith.addf %add3A_502, %gather3A_506 : vector<16xf32>
    %add3A_508 = arith.constant 1029 : i32
    %add3A_509 = vector.broadcast %add3A_508 : i32 to vector<16xi32>
    %add3A_510 = arith.addi %mul3A_156, %add3A_509 : vector<16xi32>
    %gather3A_511 = tpu.vector_load_idx %arg11[%add3A_510] : memref<6144xf32, #tpu.memory_space<vmem>>[vector<16xi32>], vector<16xf32>,
    %add3A_512 = arith.addf %add3A_507, %gather3A_511 : vector<16xf32>
    %add3A_513 = arith.constant 1030 : i32
    %add3A_514 = vector.broadcast %add3A_513 : i32 to vector<16xi32>
    %add3A_515 = arith.addi %mul3A_156, %add3A_514 : vector<16xi32>
    %gather3A_516 = tpu.vector_load_idx %arg11[%add3A_515] : memref<6144xf32, #tpu.memory_space<vmem>>[vector<16xi32>], vector<16xf32>,
    %add3A_517 = arith.addf %add3A_512, %gather3A_516 : vector<16xf32>
    %add3A_518 = arith.constant 1031 : i32
    %add3A_519 = vector.broadcast %add3A_518 : i32 to vector<16xi32>
    %add3A_520 = arith.addi %mul3A_156, %add3A_519 : vector<16xi32>
    %gather3A_521 = tpu.vector_load_idx %arg11[%add3A_520] : memref<6144xf32, #tpu.memory_space<vmem>>[vector<16xi32>], vector<16xf32>,
    %add3A_522 = arith.addf %add3A_517, %gather3A_521 : vector<16xf32>
    %add3A_523 = arith.constant 1032 : i32
    %add3A_524 = vector.broadcast %add3A_523 : i32 to vector<16xi32>
    %add3A_525 = arith.addi %mul3A_156, %add3A_524 : vector<16xi32>
    %gather3A_526 = tpu.vector_load_idx %arg11[%add3A_525] : memref<6144xf32, #tpu.memory_space<vmem>>[vector<16xi32>], vector<16xf32>,
    %add3A_527 = arith.addf %add3A_522, %gather3A_526 : vector<16xf32>
    %add3A_528 = arith.constant 1033 : i32
    %add3A_529 = vector.broadcast %add3A_528 : i32 to vector<16xi32>
    %add3A_530 = arith.addi %mul3A_156, %add3A_529 : vector<16xi32>
    %gather3A_531 = tpu.vector_load_idx %arg11[%add3A_530] : memref<6144xf32, #tpu.memory_space<vmem>>[vector<16xi32>], vector<16xf32>,
    %add3A_532 = arith.addf %add3A_527, %gather3A_531 : vector<16xf32>
    %add3A_533 = arith.constant 1034 : i32
    %add3A_534 = vector.broadcast %add3A_533 : i32 to vector<16xi32>
    %add3A_535 = arith.addi %mul3A_156, %add3A_534 : vector<16xi32>
    %gather3A_536 = tpu.vector_load_idx %arg11[%add3A_535] : memref<6144xf32, #tpu.memory_space<vmem>>[vector<16xi32>], vector<16xf32>,
    %add3A_537 = arith.addf %add3A_532, %gather3A_536 : vector<16xf32>
    %add3A_538 = arith.constant 1035 : i32
    %add3A_539 = vector.broadcast %add3A_538 : i32 to vector<16xi32>
    %add3A_540 = arith.addi %mul3A_156, %add3A_539 : vector<16xi32>
    %gather3A_541 = tpu.vector_load_idx %arg11[%add3A_540] : memref<6144xf32, #tpu.memory_space<vmem>>[vector<16xi32>], vector<16xf32>,
    %add3A_542 = arith.addf %add3A_537, %gather3A_541 : vector<16xf32>
    %add3A_543 = arith.constant 1036 : i32
    %add3A_544 = vector.broadcast %add3A_543 : i32 to vector<16xi32>
    %add3A_545 = arith.addi %mul3A_156, %add3A_544 : vector<16xi32>
    %gather3A_546 = tpu.vector_load_idx %arg11[%add3A_545] : memref<6144xf32, #tpu.memory_space<vmem>>[vector<16xi32>], vector<16xf32>,
    %add3A_547 = arith.addf %add3A_542, %gather3A_546 : vector<16xf32>
    %add3A_548 = arith.constant 1037 : i32
    %add3A_549 = vector.broadcast %add3A_548 : i32 to vector<16xi32>
    %add3A_550 = arith.addi %mul3A_156, %add3A_549 : vector<16xi32>
    %gather3A_551 = tpu.vector_load_idx %arg11[%add3A_550] : memref<6144xf32, #tpu.memory_space<vmem>>[vector<16xi32>], vector<16xf32>,
    %add3A_552 = arith.addf %add3A_547, %gather3A_551 : vector<16xf32>
    %add3A_553 = arith.constant 1038 : i32
    %add3A_554 = vector.broadcast %add3A_553 : i32 to vector<16xi32>
    %add3A_555 = arith.addi %mul3A_156, %add3A_554 : vector<16xi32>
    %gather3A_556 = tpu.vector_load_idx %arg11[%add3A_555] : memref<6144xf32, #tpu.memory_space<vmem>>[vector<16xi32>], vector<16xf32>,
    %add3A_557 = arith.addf %add3A_552, %gather3A_556 : vector<16xf32>
    %add3A_558 = arith.constant 1039 : i32
    %add3A_559 = vector.broadcast %add3A_558 : i32 to vector<16xi32>
    %add3A_560 = arith.addi %mul3A_156, %add3A_559 : vector<16xi32>
    %gather3A_561 = tpu.vector_load_idx %arg11[%add3A_560] : memref<6144xf32, #tpu.memory_space<vmem>>[vector<16xi32>], vector<16xf32>,
    %add3A_562 = arith.addf %add3A_557, %gather3A_561 : vector<16xf32>
    %swap3A_563 = arith.constant 64 : index
    %swap3A_564 = tpu.vector_load %arg12[%swap3A_563] {strides = array<i32>} : memref<512xf32, #tpu.memory_space<vmem>>, vector<16xf32>,
    tpu.vector_store %arg12[%swap3A_563], %add3A_562 {strides = array<i32>} : memref<512xf32, #tpu.memory_space<vmem>>, vector<16xf32>,
    %add3A_565 = arith.constant 1280 : i32
    %add3A_566 = vector.broadcast %add3A_565 : i32 to vector<16xi32>
    %add3A_567 = arith.addi %mul3A_156, %add3A_566 : vector<16xi32>
    %gather3A_568 = tpu.vector_load_idx %arg11[%add3A_567] : memref<6144xf32, #tpu.memory_space<vmem>>[vector<16xi32>], vector<16xf32>,
    %add3A_569 = arith.addf %broadcast_in_dim3A_80, %gather3A_568 : vector<16xf32>
    %add3A_570 = arith.constant 1281 : i32
    %add3A_571 = vector.broadcast %add3A_570 : i32 to vector<16xi32>
    %add3A_572 = arith.addi %mul3A_156, %add3A_571 : vector<16xi32>
    %gather3A_573 = tpu.vector_load_idx %arg11[%add3A_572] : memref<6144xf32, #tpu.memory_space<vmem>>[vector<16xi32>], vector<16xf32>,
    %add3A_574 = arith.addf %add3A_569, %gather3A_573 : vector<16xf32>
    %add3A_575 = arith.constant 1282 : i32
    %add3A_576 = vector.broadcast %add3A_575 : i32 to vector<16xi32>
    %add3A_577 = arith.addi %mul3A_156, %add3A_576 : vector<16xi32>
    %gather3A_578 = tpu.vector_load_idx %arg11[%add3A_577] : memref<6144xf32, #tpu.memory_space<vmem>>[vector<16xi32>], vector<16xf32>,
    %add3A_579 = arith.addf %add3A_574, %gather3A_578 : vector<16xf32>
    %add3A_580 = arith.constant 1283 : i32
    %add3A_581 = vector.broadcast %add3A_580 : i32 to vector<16xi32>
    %add3A_582 = arith.addi %mul3A_156, %add3A_581 : vector<16xi32>
    %gather3A_583 = tpu.vector_load_idx %arg11[%add3A_582] : memref<6144xf32, #tpu.memory_space<vmem>>[vector<16xi32>], vector<16xf32>,
    %add3A_584 = arith.addf %add3A_579, %gather3A_583 : vector<16xf32>
    %add3A_585 = arith.constant 1284 : i32
    %add3A_586 = vector.broadcast %add3A_585 : i32 to vector<16xi32>
    %add3A_587 = arith.addi %mul3A_156, %add3A_586 : vector<16xi32>
    %gather3A_588 = tpu.vector_load_idx %arg11[%add3A_587] : memref<6144xf32, #tpu.memory_space<vmem>>[vector<16xi32>], vector<16xf32>,
    %add3A_589 = arith.addf %add3A_584, %gather3A_588 : vector<16xf32>
    %add3A_590 = arith.constant 1285 : i32
    %add3A_591 = vector.broadcast %add3A_590 : i32 to vector<16xi32>
    %add3A_592 = arith.addi %mul3A_156, %add3A_591 : vector<16xi32>
    %gather3A_593 = tpu.vector_load_idx %arg11[%add3A_592] : memref<6144xf32, #tpu.memory_space<vmem>>[vector<16xi32>], vector<16xf32>,
    %add3A_594 = arith.addf %add3A_589, %gather3A_593 : vector<16xf32>
    %add3A_595 = arith.constant 1286 : i32
    %add3A_596 = vector.broadcast %add3A_595 : i32 to vector<16xi32>
    %add3A_597 = arith.addi %mul3A_156, %add3A_596 : vector<16xi32>
    %gather3A_598 = tpu.vector_load_idx %arg11[%add3A_597] : memref<6144xf32, #tpu.memory_space<vmem>>[vector<16xi32>], vector<16xf32>,
    %add3A_599 = arith.addf %add3A_594, %gather3A_598 : vector<16xf32>
    %add3A_600 = arith.constant 1287 : i32
    %add3A_601 = vector.broadcast %add3A_600 : i32 to vector<16xi32>
    %add3A_602 = arith.addi %mul3A_156, %add3A_601 : vector<16xi32>
    %gather3A_603 = tpu.vector_load_idx %arg11[%add3A_602] : memref<6144xf32, #tpu.memory_space<vmem>>[vector<16xi32>], vector<16xf32>,
    %add3A_604 = arith.addf %add3A_599, %gather3A_603 : vector<16xf32>
    %add3A_605 = arith.constant 1288 : i32
    %add3A_606 = vector.broadcast %add3A_605 : i32 to vector<16xi32>
    %add3A_607 = arith.addi %mul3A_156, %add3A_606 : vector<16xi32>
    %gather3A_608 = tpu.vector_load_idx %arg11[%add3A_607] : memref<6144xf32, #tpu.memory_space<vmem>>[vector<16xi32>], vector<16xf32>,
    %add3A_609 = arith.addf %add3A_604, %gather3A_608 : vector<16xf32>
    %add3A_610 = arith.constant 1289 : i32
    %add3A_611 = vector.broadcast %add3A_610 : i32 to vector<16xi32>
    %add3A_612 = arith.addi %mul3A_156, %add3A_611 : vector<16xi32>
    %gather3A_613 = tpu.vector_load_idx %arg11[%add3A_612] : memref<6144xf32, #tpu.memory_space<vmem>>[vector<16xi32>], vector<16xf32>,
    %add3A_614 = arith.addf %add3A_609, %gather3A_613 : vector<16xf32>
    %add3A_615 = arith.constant 1290 : i32
    %add3A_616 = vector.broadcast %add3A_615 : i32 to vector<16xi32>
    %add3A_617 = arith.addi %mul3A_156, %add3A_616 : vector<16xi32>
    %gather3A_618 = tpu.vector_load_idx %arg11[%add3A_617] : memref<6144xf32, #tpu.memory_space<vmem>>[vector<16xi32>], vector<16xf32>,
    %add3A_619 = arith.addf %add3A_614, %gather3A_618 : vector<16xf32>
    %add3A_620 = arith.constant 1291 : i32
    %add3A_621 = vector.broadcast %add3A_620 : i32 to vector<16xi32>
    %add3A_622 = arith.addi %mul3A_156, %add3A_621 : vector<16xi32>
    %gather3A_623 = tpu.vector_load_idx %arg11[%add3A_622] : memref<6144xf32, #tpu.memory_space<vmem>>[vector<16xi32>], vector<16xf32>,
    %add3A_624 = arith.addf %add3A_619, %gather3A_623 : vector<16xf32>
    %add3A_625 = arith.constant 1292 : i32
    %add3A_626 = vector.broadcast %add3A_625 : i32 to vector<16xi32>
    %add3A_627 = arith.addi %mul3A_156, %add3A_626 : vector<16xi32>
    %gather3A_628 = tpu.vector_load_idx %arg11[%add3A_627] : memref<6144xf32, #tpu.memory_space<vmem>>[vector<16xi32>], vector<16xf32>,
    %add3A_629 = arith.addf %add3A_624, %gather3A_628 : vector<16xf32>
    %add3A_630 = arith.constant 1293 : i32
    %add3A_631 = vector.broadcast %add3A_630 : i32 to vector<16xi32>
    %add3A_632 = arith.addi %mul3A_156, %add3A_631 : vector<16xi32>
    %gather3A_633 = tpu.vector_load_idx %arg11[%add3A_632] : memref<6144xf32, #tpu.memory_space<vmem>>[vector<16xi32>], vector<16xf32>,
    %add3A_634 = arith.addf %add3A_629, %gather3A_633 : vector<16xf32>
    %add3A_635 = arith.constant 1294 : i32
    %add3A_636 = vector.broadcast %add3A_635 : i32 to vector<16xi32>
    %add3A_637 = arith.addi %mul3A_156, %add3A_636 : vector<16xi32>
    %gather3A_638 = tpu.vector_load_idx %arg11[%add3A_637] : memref<6144xf32, #tpu.memory_space<vmem>>[vector<16xi32>], vector<16xf32>,
    %add3A_639 = arith.addf %add3A_634, %gather3A_638 : vector<16xf32>
    %add3A_640 = arith.constant 1295 : i32
    %add3A_641 = vector.broadcast %add3A_640 : i32 to vector<16xi32>
    %add3A_642 = arith.addi %mul3A_156, %add3A_641 : vector<16xi32>
    %gather3A_643 = tpu.vector_load_idx %arg11[%add3A_642] : memref<6144xf32, #tpu.memory_space<vmem>>[vector<16xi32>], vector<16xf32>,
    %add3A_644 = arith.addf %add3A_639, %gather3A_643 : vector<16xf32>
    %swap3A_645 = arith.constant 80 : index
    %swap3A_646 = tpu.vector_load %arg12[%swap3A_645] {strides = array<i32>} : memref<512xf32, #tpu.memory_space<vmem>>, vector<16xf32>,
    tpu.vector_store %arg12[%swap3A_645], %add3A_644 {strides = array<i32>} : memref<512xf32, #tpu.memory_space<vmem>>, vector<16xf32>,
    %add3A_647 = arith.constant 1536 : i32
    %add3A_648 = vector.broadcast %add3A_647 : i32 to vector<16xi32>
    %add3A_649 = arith.addi %mul3A_156, %add3A_648 : vector<16xi32>
    %gather3A_650 = tpu.vector_load_idx %arg11[%add3A_649] : memref<6144xf32, #tpu.memory_space<vmem>>[vector<16xi32>], vector<16xf32>,
    %add3A_651 = arith.addf %broadcast_in_dim3A_80, %gather3A_650 : vector<16xf32>
    %add3A_652 = arith.constant 1537 : i32
    %add3A_653 = vector.broadcast %add3A_652 : i32 to vector<16xi32>
    %add3A_654 = arith.addi %mul3A_156, %add3A_653 : vector<16xi32>
    %gather3A_655 = tpu.vector_load_idx %arg11[%add3A_654] : memref<6144xf32, #tpu.memory_space<vmem>>[vector<16xi32>], vector<16xf32>,
    %add3A_656 = arith.addf %add3A_651, %gather3A_655 : vector<16xf32>
    %add3A_657 = arith.constant 1538 : i32
    %add3A_658 = vector.broadcast %add3A_657 : i32 to vector<16xi32>
    %add3A_659 = arith.addi %mul3A_156, %add3A_658 : vector<16xi32>
    %gather3A_660 = tpu.vector_load_idx %arg11[%add3A_659] : memref<6144xf32, #tpu.memory_space<vmem>>[vector<16xi32>], vector<16xf32>,
    %add3A_661 = arith.addf %add3A_656, %gather3A_660 : vector<16xf32>
    %add3A_662 = arith.constant 1539 : i32
    %add3A_663 = vector.broadcast %add3A_662 : i32 to vector<16xi32>
    %add3A_664 = arith.addi %mul3A_156, %add3A_663 : vector<16xi32>
    %gather3A_665 = tpu.vector_load_idx %arg11[%add3A_664] : memref<6144xf32, #tpu.memory_space<vmem>>[vector<16xi32>], vector<16xf32>,
    %add3A_666 = arith.addf %add3A_661, %gather3A_665 : vector<16xf32>
    %add3A_667 = arith.constant 1540 : i32
    %add3A_668 = vector.broadcast %add3A_667 : i32 to vector<16xi32>
    %add3A_669 = arith.addi %mul3A_156, %add3A_668 : vector<16xi32>
    %gather3A_670 = tpu.vector_load_idx %arg11[%add3A_669] : memref<6144xf32, #tpu.memory_space<vmem>>[vector<16xi32>], vector<16xf32>,
    %add3A_671 = arith.addf %add3A_666, %gather3A_670 : vector<16xf32>
    %add3A_672 = arith.constant 1541 : i32
    %add3A_673 = vector.broadcast %add3A_672 : i32 to vector<16xi32>
    %add3A_674 = arith.addi %mul3A_156, %add3A_673 : vector<16xi32>
    %gather3A_675 = tpu.vector_load_idx %arg11[%add3A_674] : memref<6144xf32, #tpu.memory_space<vmem>>[vector<16xi32>], vector<16xf32>,
    %add3A_676 = arith.addf %add3A_671, %gather3A_675 : vector<16xf32>
    %add3A_677 = arith.constant 1542 : i32
    %add3A_678 = vector.broadcast %add3A_677 : i32 to vector<16xi32>
    %add3A_679 = arith.addi %mul3A_156, %add3A_678 : vector<16xi32>
    %gather3A_680 = tpu.vector_load_idx %arg11[%add3A_679] : memref<6144xf32, #tpu.memory_space<vmem>>[vector<16xi32>], vector<16xf32>,
    %add3A_681 = arith.addf %add3A_676, %gather3A_680 : vector<16xf32>
    %add3A_682 = arith.constant 1543 : i32
    %add3A_683 = vector.broadcast %add3A_682 : i32 to vector<16xi32>
    %add3A_684 = arith.addi %mul3A_156, %add3A_683 : vector<16xi32>
    %gather3A_685 = tpu.vector_load_idx %arg11[%add3A_684] : memref<6144xf32, #tpu.memory_space<vmem>>[vector<16xi32>], vector<16xf32>,
    %add3A_686 = arith.addf %add3A_681, %gather3A_685 : vector<16xf32>
    %add3A_687 = arith.constant 1544 : i32
    %add3A_688 = vector.broadcast %add3A_687 : i32 to vector<16xi32>
    %add3A_689 = arith.addi %mul3A_156, %add3A_688 : vector<16xi32>
    %gather3A_690 = tpu.vector_load_idx %arg11[%add3A_689] : memref<6144xf32, #tpu.memory_space<vmem>>[vector<16xi32>], vector<16xf32>,
    %add3A_691 = arith.addf %add3A_686, %gather3A_690 : vector<16xf32>
    %add3A_692 = arith.constant 1545 : i32
    %add3A_693 = vector.broadcast %add3A_692 : i32 to vector<16xi32>
    %add3A_694 = arith.addi %mul3A_156, %add3A_693 : vector<16xi32>
    %gather3A_695 = tpu.vector_load_idx %arg11[%add3A_694] : memref<6144xf32, #tpu.memory_space<vmem>>[vector<16xi32>], vector<16xf32>,
    %add3A_696 = arith.addf %add3A_691, %gather3A_695 : vector<16xf32>
    %add3A_697 = arith.constant 1546 : i32
    %add3A_698 = vector.broadcast %add3A_697 : i32 to vector<16xi32>
    %add3A_699 = arith.addi %mul3A_156, %add3A_698 : vector<16xi32>
    %gather3A_700 = tpu.vector_load_idx %arg11[%add3A_699] : memref<6144xf32, #tpu.memory_space<vmem>>[vector<16xi32>], vector<16xf32>,
    %add3A_701 = arith.addf %add3A_696, %gather3A_700 : vector<16xf32>
    %add3A_702 = arith.constant 1547 : i32
    %add3A_703 = vector.broadcast %add3A_702 : i32 to vector<16xi32>
    %add3A_704 = arith.addi %mul3A_156, %add3A_703 : vector<16xi32>
    %gather3A_705 = tpu.vector_load_idx %arg11[%add3A_704] : memref<6144xf32, #tpu.memory_space<vmem>>[vector<16xi32>], vector<16xf32>,
    %add3A_706 = arith.addf %add3A_701, %gather3A_705 : vector<16xf32>
    %add3A_707 = arith.constant 1548 : i32
    %add3A_708 = vector.broadcast %add3A_707 : i32 to vector<16xi32>
    %add3A_709 = arith.addi %mul3A_156, %add3A_708 : vector<16xi32>
    %gather3A_710 = tpu.vector_load_idx %arg11[%add3A_709] : memref<6144xf32, #tpu.memory_space<vmem>>[vector<16xi32>], vector<16xf32>,
    %add3A_711 = arith.addf %add3A_706, %gather3A_710 : vector<16xf32>
    %add3A_712 = arith.constant 1549 : i32
    %add3A_713 = vector.broadcast %add3A_712 : i32 to vector<16xi32>
    %add3A_714 = arith.addi %mul3A_156, %add3A_713 : vector<16xi32>
    %gather3A_715 = tpu.vector_load_idx %arg11[%add3A_714] : memref<6144xf32, #tpu.memory_space<vmem>>[vector<16xi32>], vector<16xf32>,
    %add3A_716 = arith.addf %add3A_711, %gather3A_715 : vector<16xf32>
    %add3A_717 = arith.constant 1550 : i32
    %add3A_718 = vector.broadcast %add3A_717 : i32 to vector<16xi32>
    %add3A_719 = arith.addi %mul3A_156, %add3A_718 : vector<16xi32>
    %gather3A_720 = tpu.vector_load_idx %arg11[%add3A_719] : memref<6144xf32, #tpu.memory_space<vmem>>[vector<16xi32>], vector<16xf32>,
    %add3A_721 = arith.addf %add3A_716, %gather3A_720 : vector<16xf32>
    %add3A_722 = arith.constant 1551 : i32
    %add3A_723 = vector.broadcast %add3A_722 : i32 to vector<16xi32>
    %add3A_724 = arith.addi %mul3A_156, %add3A_723 : vector<16xi32>
    %gather3A_725 = tpu.vector_load_idx %arg11[%add3A_724] : memref<6144xf32, #tpu.memory_space<vmem>>[vector<16xi32>], vector<16xf32>,
    %add3A_726 = arith.addf %add3A_721, %gather3A_725 : vector<16xf32>
    %swap3A_727 = arith.constant 96 : index
    %swap3A_728 = tpu.vector_load %arg12[%swap3A_727] {strides = array<i32>} : memref<512xf32, #tpu.memory_space<vmem>>, vector<16xf32>,
    tpu.vector_store %arg12[%swap3A_727], %add3A_726 {strides = array<i32>} : memref<512xf32, #tpu.memory_space<vmem>>, vector<16xf32>,
    %add3A_729 = arith.constant 1792 : i32
    %add3A_730 = vector.broadcast %add3A_729 : i32 to vector<16xi32>
    %add3A_731 = arith.addi %mul3A_156, %add3A_730 : vector<16xi32>
    %gather3A_732 = tpu.vector_load_idx %arg11[%add3A_731] : memref<6144xf32, #tpu.memory_space<vmem>>[vector<16xi32>], vector<16xf32>,
    %add3A_733 = arith.addf %broadcast_in_dim3A_80, %gather3A_732 : vector<16xf32>
    %add3A_734 = arith.constant 1793 : i32
    %add3A_735 = vector.broadcast %add3A_734 : i32 to vector<16xi32>
    %add3A_736 = arith.addi %mul3A_156, %add3A_735 : vector<16xi32>
    %gather3A_737 = tpu.vector_load_idx %arg11[%add3A_736] : memref<6144xf32, #tpu.memory_space<vmem>>[vector<16xi32>], vector<16xf32>,
    %add3A_738 = arith.addf %add3A_733, %gather3A_737 : vector<16xf32>
    %add3A_739 = arith.constant 1794 : i32
    %add3A_740 = vector.broadcast %add3A_739 : i32 to vector<16xi32>
    %add3A_741 = arith.addi %mul3A_156, %add3A_740 : vector<16xi32>
    %gather3A_742 = tpu.vector_load_idx %arg11[%add3A_741] : memref<6144xf32, #tpu.memory_space<vmem>>[vector<16xi32>], vector<16xf32>,
    %add3A_743 = arith.addf %add3A_738, %gather3A_742 : vector<16xf32>
    %add3A_744 = arith.constant 1795 : i32
    %add3A_745 = vector.broadcast %add3A_744 : i32 to vector<16xi32>
    %add3A_746 = arith.addi %mul3A_156, %add3A_745 : vector<16xi32>
    %gather3A_747 = tpu.vector_load_idx %arg11[%add3A_746] : memref<6144xf32, #tpu.memory_space<vmem>>[vector<16xi32>], vector<16xf32>,
    %add3A_748 = arith.addf %add3A_743, %gather3A_747 : vector<16xf32>
    %add3A_749 = arith.constant 1796 : i32
    %add3A_750 = vector.broadcast %add3A_749 : i32 to vector<16xi32>
    %add3A_751 = arith.addi %mul3A_156, %add3A_750 : vector<16xi32>
    %gather3A_752 = tpu.vector_load_idx %arg11[%add3A_751] : memref<6144xf32, #tpu.memory_space<vmem>>[vector<16xi32>], vector<16xf32>,
    %add3A_753 = arith.addf %add3A_748, %gather3A_752 : vector<16xf32>
    %add3A_754 = arith.constant 1797 : i32
    %add3A_755 = vector.broadcast %add3A_754 : i32 to vector<16xi32>
    %add3A_756 = arith.addi %mul3A_156, %add3A_755 : vector<16xi32>
    %gather3A_757 = tpu.vector_load_idx %arg11[%add3A_756] : memref<6144xf32, #tpu.memory_space<vmem>>[vector<16xi32>], vector<16xf32>,
    %add3A_758 = arith.addf %add3A_753, %gather3A_757 : vector<16xf32>
    %add3A_759 = arith.constant 1798 : i32
    %add3A_760 = vector.broadcast %add3A_759 : i32 to vector<16xi32>
    %add3A_761 = arith.addi %mul3A_156, %add3A_760 : vector<16xi32>
    %gather3A_762 = tpu.vector_load_idx %arg11[%add3A_761] : memref<6144xf32, #tpu.memory_space<vmem>>[vector<16xi32>], vector<16xf32>,
    %add3A_763 = arith.addf %add3A_758, %gather3A_762 : vector<16xf32>
    %add3A_764 = arith.constant 1799 : i32
    %add3A_765 = vector.broadcast %add3A_764 : i32 to vector<16xi32>
    %add3A_766 = arith.addi %mul3A_156, %add3A_765 : vector<16xi32>
    %gather3A_767 = tpu.vector_load_idx %arg11[%add3A_766] : memref<6144xf32, #tpu.memory_space<vmem>>[vector<16xi32>], vector<16xf32>,
    %add3A_768 = arith.addf %add3A_763, %gather3A_767 : vector<16xf32>
    %add3A_769 = arith.constant 1800 : i32
    %add3A_770 = vector.broadcast %add3A_769 : i32 to vector<16xi32>
    %add3A_771 = arith.addi %mul3A_156, %add3A_770 : vector<16xi32>
    %gather3A_772 = tpu.vector_load_idx %arg11[%add3A_771] : memref<6144xf32, #tpu.memory_space<vmem>>[vector<16xi32>], vector<16xf32>,
    %add3A_773 = arith.addf %add3A_768, %gather3A_772 : vector<16xf32>
    %add3A_774 = arith.constant 1801 : i32
    %add3A_775 = vector.broadcast %add3A_774 : i32 to vector<16xi32>
    %add3A_776 = arith.addi %mul3A_156, %add3A_775 : vector<16xi32>
    %gather3A_777 = tpu.vector_load_idx %arg11[%add3A_776] : memref<6144xf32, #tpu.memory_space<vmem>>[vector<16xi32>], vector<16xf32>,
    %add3A_778 = arith.addf %add3A_773, %gather3A_777 : vector<16xf32>
    %add3A_779 = arith.constant 1802 : i32
    %add3A_780 = vector.broadcast %add3A_779 : i32 to vector<16xi32>
    %add3A_781 = arith.addi %mul3A_156, %add3A_780 : vector<16xi32>
    %gather3A_782 = tpu.vector_load_idx %arg11[%add3A_781] : memref<6144xf32, #tpu.memory_space<vmem>>[vector<16xi32>], vector<16xf32>,
    %add3A_783 = arith.addf %add3A_778, %gather3A_782 : vector<16xf32>
    %add3A_784 = arith.constant 1803 : i32
    %add3A_785 = vector.broadcast %add3A_784 : i32 to vector<16xi32>
    %add3A_786 = arith.addi %mul3A_156, %add3A_785 : vector<16xi32>
    %gather3A_787 = tpu.vector_load_idx %arg11[%add3A_786] : memref<6144xf32, #tpu.memory_space<vmem>>[vector<16xi32>], vector<16xf32>,
    %add3A_788 = arith.addf %add3A_783, %gather3A_787 : vector<16xf32>
    %add3A_789 = arith.constant 1804 : i32
    %add3A_790 = vector.broadcast %add3A_789 : i32 to vector<16xi32>
    %add3A_791 = arith.addi %mul3A_156, %add3A_790 : vector<16xi32>
    %gather3A_792 = tpu.vector_load_idx %arg11[%add3A_791] : memref<6144xf32, #tpu.memory_space<vmem>>[vector<16xi32>], vector<16xf32>,
    %add3A_793 = arith.addf %add3A_788, %gather3A_792 : vector<16xf32>
    %add3A_794 = arith.constant 1805 : i32
    %add3A_795 = vector.broadcast %add3A_794 : i32 to vector<16xi32>
    %add3A_796 = arith.addi %mul3A_156, %add3A_795 : vector<16xi32>
    %gather3A_797 = tpu.vector_load_idx %arg11[%add3A_796] : memref<6144xf32, #tpu.memory_space<vmem>>[vector<16xi32>], vector<16xf32>,
    %add3A_798 = arith.addf %add3A_793, %gather3A_797 : vector<16xf32>
    %add3A_799 = arith.constant 1806 : i32
    %add3A_800 = vector.broadcast %add3A_799 : i32 to vector<16xi32>
    %add3A_801 = arith.addi %mul3A_156, %add3A_800 : vector<16xi32>
    %gather3A_802 = tpu.vector_load_idx %arg11[%add3A_801] : memref<6144xf32, #tpu.memory_space<vmem>>[vector<16xi32>], vector<16xf32>,
    %add3A_803 = arith.addf %add3A_798, %gather3A_802 : vector<16xf32>
    %add3A_804 = arith.constant 1807 : i32
    %add3A_805 = vector.broadcast %add3A_804 : i32 to vector<16xi32>
    %add3A_806 = arith.addi %mul3A_156, %add3A_805 : vector<16xi32>
    %gather3A_807 = tpu.vector_load_idx %arg11[%add3A_806] : memref<6144xf32, #tpu.memory_space<vmem>>[vector<16xi32>], vector<16xf32>,
    %add3A_808 = arith.addf %add3A_803, %gather3A_807 : vector<16xf32>
    %swap3A_809 = arith.constant 112 : index
    %swap3A_810 = tpu.vector_load %arg12[%swap3A_809] {strides = array<i32>} : memref<512xf32, #tpu.memory_space<vmem>>, vector<16xf32>,
    tpu.vector_store %arg12[%swap3A_809], %add3A_808 {strides = array<i32>} : memref<512xf32, #tpu.memory_space<vmem>>, vector<16xf32>,
    %add3A_811 = arith.constant 2048 : i32
    %add3A_812 = vector.broadcast %add3A_811 : i32 to vector<16xi32>
    %add3A_813 = arith.addi %mul3A_156, %add3A_812 : vector<16xi32>
    %gather3A_814 = tpu.vector_load_idx %arg11[%add3A_813] : memref<6144xf32, #tpu.memory_space<vmem>>[vector<16xi32>], vector<16xf32>,
    %add3A_815 = arith.addf %broadcast_in_dim3A_80, %gather3A_814 : vector<16xf32>
    %add3A_816 = arith.constant 2049 : i32
    %add3A_817 = vector.broadcast %add3A_816 : i32 to vector<16xi32>
    %add3A_818 = arith.addi %mul3A_156, %add3A_817 : vector<16xi32>
    %gather3A_819 = tpu.vector_load_idx %arg11[%add3A_818] : memref<6144xf32, #tpu.memory_space<vmem>>[vector<16xi32>], vector<16xf32>,
    %add3A_820 = arith.addf %add3A_815, %gather3A_819 : vector<16xf32>
    %add3A_821 = arith.constant 2050 : i32
    %add3A_822 = vector.broadcast %add3A_821 : i32 to vector<16xi32>
    %add3A_823 = arith.addi %mul3A_156, %add3A_822 : vector<16xi32>
    %gather3A_824 = tpu.vector_load_idx %arg11[%add3A_823] : memref<6144xf32, #tpu.memory_space<vmem>>[vector<16xi32>], vector<16xf32>,
    %add3A_825 = arith.addf %add3A_820, %gather3A_824 : vector<16xf32>
    %add3A_826 = arith.constant 2051 : i32
    %add3A_827 = vector.broadcast %add3A_826 : i32 to vector<16xi32>
    %add3A_828 = arith.addi %mul3A_156, %add3A_827 : vector<16xi32>
    %gather3A_829 = tpu.vector_load_idx %arg11[%add3A_828] : memref<6144xf32, #tpu.memory_space<vmem>>[vector<16xi32>], vector<16xf32>,
    %add3A_830 = arith.addf %add3A_825, %gather3A_829 : vector<16xf32>
    %add3A_831 = arith.constant 2052 : i32
    %add3A_832 = vector.broadcast %add3A_831 : i32 to vector<16xi32>
    %add3A_833 = arith.addi %mul3A_156, %add3A_832 : vector<16xi32>
    %gather3A_834 = tpu.vector_load_idx %arg11[%add3A_833] : memref<6144xf32, #tpu.memory_space<vmem>>[vector<16xi32>], vector<16xf32>,
    %add3A_835 = arith.addf %add3A_830, %gather3A_834 : vector<16xf32>
    %add3A_836 = arith.constant 2053 : i32
    %add3A_837 = vector.broadcast %add3A_836 : i32 to vector<16xi32>
    %add3A_838 = arith.addi %mul3A_156, %add3A_837 : vector<16xi32>
    %gather3A_839 = tpu.vector_load_idx %arg11[%add3A_838] : memref<6144xf32, #tpu.memory_space<vmem>>[vector<16xi32>], vector<16xf32>,
    %add3A_840 = arith.addf %add3A_835, %gather3A_839 : vector<16xf32>
    %add3A_841 = arith.constant 2054 : i32
    %add3A_842 = vector.broadcast %add3A_841 : i32 to vector<16xi32>
    %add3A_843 = arith.addi %mul3A_156, %add3A_842 : vector<16xi32>
    %gather3A_844 = tpu.vector_load_idx %arg11[%add3A_843] : memref<6144xf32, #tpu.memory_space<vmem>>[vector<16xi32>], vector<16xf32>,
    %add3A_845 = arith.addf %add3A_840, %gather3A_844 : vector<16xf32>
    %add3A_846 = arith.constant 2055 : i32
    %add3A_847 = vector.broadcast %add3A_846 : i32 to vector<16xi32>
    %add3A_848 = arith.addi %mul3A_156, %add3A_847 : vector<16xi32>
    %gather3A_849 = tpu.vector_load_idx %arg11[%add3A_848] : memref<6144xf32, #tpu.memory_space<vmem>>[vector<16xi32>], vector<16xf32>,
    %add3A_850 = arith.addf %add3A_845, %gather3A_849 : vector<16xf32>
    %add3A_851 = arith.constant 2056 : i32
    %add3A_852 = vector.broadcast %add3A_851 : i32 to vector<16xi32>
    %add3A_853 = arith.addi %mul3A_156, %add3A_852 : vector<16xi32>
    %gather3A_854 = tpu.vector_load_idx %arg11[%add3A_853] : memref<6144xf32, #tpu.memory_space<vmem>>[vector<16xi32>], vector<16xf32>,
    %add3A_855 = arith.addf %add3A_850, %gather3A_854 : vector<16xf32>
    %add3A_856 = arith.constant 2057 : i32
    %add3A_857 = vector.broadcast %add3A_856 : i32 to vector<16xi32>
    %add3A_858 = arith.addi %mul3A_156, %add3A_857 : vector<16xi32>
    %gather3A_859 = tpu.vector_load_idx %arg11[%add3A_858] : memref<6144xf32, #tpu.memory_space<vmem>>[vector<16xi32>], vector<16xf32>,
    %add3A_860 = arith.addf %add3A_855, %gather3A_859 : vector<16xf32>
    %add3A_861 = arith.constant 2058 : i32
    %add3A_862 = vector.broadcast %add3A_861 : i32 to vector<16xi32>
    %add3A_863 = arith.addi %mul3A_156, %add3A_862 : vector<16xi32>
    %gather3A_864 = tpu.vector_load_idx %arg11[%add3A_863] : memref<6144xf32, #tpu.memory_space<vmem>>[vector<16xi32>], vector<16xf32>,
    %add3A_865 = arith.addf %add3A_860, %gather3A_864 : vector<16xf32>
    %add3A_866 = arith.constant 2059 : i32
    %add3A_867 = vector.broadcast %add3A_866 : i32 to vector<16xi32>
    %add3A_868 = arith.addi %mul3A_156, %add3A_867 : vector<16xi32>
    %gather3A_869 = tpu.vector_load_idx %arg11[%add3A_868] : memref<6144xf32, #tpu.memory_space<vmem>>[vector<16xi32>], vector<16xf32>,
    %add3A_870 = arith.addf %add3A_865, %gather3A_869 : vector<16xf32>
    %add3A_871 = arith.constant 2060 : i32
    %add3A_872 = vector.broadcast %add3A_871 : i32 to vector<16xi32>
    %add3A_873 = arith.addi %mul3A_156, %add3A_872 : vector<16xi32>
    %gather3A_874 = tpu.vector_load_idx %arg11[%add3A_873] : memref<6144xf32, #tpu.memory_space<vmem>>[vector<16xi32>], vector<16xf32>,
    %add3A_875 = arith.addf %add3A_870, %gather3A_874 : vector<16xf32>
    %add3A_876 = arith.constant 2061 : i32
    %add3A_877 = vector.broadcast %add3A_876 : i32 to vector<16xi32>
    %add3A_878 = arith.addi %mul3A_156, %add3A_877 : vector<16xi32>
    %gather3A_879 = tpu.vector_load_idx %arg11[%add3A_878] : memref<6144xf32, #tpu.memory_space<vmem>>[vector<16xi32>], vector<16xf32>,
    %add3A_880 = arith.addf %add3A_875, %gather3A_879 : vector<16xf32>
    %add3A_881 = arith.constant 2062 : i32
    %add3A_882 = vector.broadcast %add3A_881 : i32 to vector<16xi32>
    %add3A_883 = arith.addi %mul3A_156, %add3A_882 : vector<16xi32>
    %gather3A_884 = tpu.vector_load_idx %arg11[%add3A_883] : memref<6144xf32, #tpu.memory_space<vmem>>[vector<16xi32>], vector<16xf32>,
    %add3A_885 = arith.addf %add3A_880, %gather3A_884 : vector<16xf32>
    %add3A_886 = arith.constant 2063 : i32
    %add3A_887 = vector.broadcast %add3A_886 : i32 to vector<16xi32>
    %add3A_888 = arith.addi %mul3A_156, %add3A_887 : vector<16xi32>
    %gather3A_889 = tpu.vector_load_idx %arg11[%add3A_888] : memref<6144xf32, #tpu.memory_space<vmem>>[vector<16xi32>], vector<16xf32>,
    %add3A_890 = arith.addf %add3A_885, %gather3A_889 : vector<16xf32>
    %swap3A_891 = arith.constant 128 : index
    %swap3A_892 = tpu.vector_load %arg12[%swap3A_891] {strides = array<i32>} : memref<512xf32, #tpu.memory_space<vmem>>, vector<16xf32>,
    tpu.vector_store %arg12[%swap3A_891], %add3A_890 {strides = array<i32>} : memref<512xf32, #tpu.memory_space<vmem>>, vector<16xf32>,
    %add3A_893 = arith.constant 2304 : i32
    %add3A_894 = vector.broadcast %add3A_893 : i32 to vector<16xi32>
    %add3A_895 = arith.addi %mul3A_156, %add3A_894 : vector<16xi32>
    %gather3A_896 = tpu.vector_load_idx %arg11[%add3A_895] : memref<6144xf32, #tpu.memory_space<vmem>>[vector<16xi32>], vector<16xf32>,
    %add3A_897 = arith.addf %broadcast_in_dim3A_80, %gather3A_896 : vector<16xf32>
    %add3A_898 = arith.constant 2305 : i32
    %add3A_899 = vector.broadcast %add3A_898 : i32 to vector<16xi32>
    %add3A_900 = arith.addi %mul3A_156, %add3A_899 : vector<16xi32>
    %gather3A_901 = tpu.vector_load_idx %arg11[%add3A_900] : memref<6144xf32, #tpu.memory_space<vmem>>[vector<16xi32>], vector<16xf32>,
    %add3A_902 = arith.addf %add3A_897, %gather3A_901 : vector<16xf32>
    %add3A_903 = arith.constant 2306 : i32
    %add3A_904 = vector.broadcast %add3A_903 : i32 to vector<16xi32>
    %add3A_905 = arith.addi %mul3A_156, %add3A_904 : vector<16xi32>
    %gather3A_906 = tpu.vector_load_idx %arg11[%add3A_905] : memref<6144xf32, #tpu.memory_space<vmem>>[vector<16xi32>], vector<16xf32>,
    %add3A_907 = arith.addf %add3A_902, %gather3A_906 : vector<16xf32>
    %add3A_908 = arith.constant 2307 : i32
    %add3A_909 = vector.broadcast %add3A_908 : i32 to vector<16xi32>
    %add3A_910 = arith.addi %mul3A_156, %add3A_909 : vector<16xi32>
    %gather3A_911 = tpu.vector_load_idx %arg11[%add3A_910] : memref<6144xf32, #tpu.memory_space<vmem>>[vector<16xi32>], vector<16xf32>,
    %add3A_912 = arith.addf %add3A_907, %gather3A_911 : vector<16xf32>
    %add3A_913 = arith.constant 2308 : i32
    %add3A_914 = vector.broadcast %add3A_913 : i32 to vector<16xi32>
    %add3A_915 = arith.addi %mul3A_156, %add3A_914 : vector<16xi32>
    %gather3A_916 = tpu.vector_load_idx %arg11[%add3A_915] : memref<6144xf32, #tpu.memory_space<vmem>>[vector<16xi32>], vector<16xf32>,
    %add3A_917 = arith.addf %add3A_912, %gather3A_916 : vector<16xf32>
    %add3A_918 = arith.constant 2309 : i32
    %add3A_919 = vector.broadcast %add3A_918 : i32 to vector<16xi32>
    %add3A_920 = arith.addi %mul3A_156, %add3A_919 : vector<16xi32>
    %gather3A_921 = tpu.vector_load_idx %arg11[%add3A_920] : memref<6144xf32, #tpu.memory_space<vmem>>[vector<16xi32>], vector<16xf32>,
    %add3A_922 = arith.addf %add3A_917, %gather3A_921 : vector<16xf32>
    %add3A_923 = arith.constant 2310 : i32
    %add3A_924 = vector.broadcast %add3A_923 : i32 to vector<16xi32>
    %add3A_925 = arith.addi %mul3A_156, %add3A_924 : vector<16xi32>
    %gather3A_926 = tpu.vector_load_idx %arg11[%add3A_925] : memref<6144xf32, #tpu.memory_space<vmem>>[vector<16xi32>], vector<16xf32>,
    %add3A_927 = arith.addf %add3A_922, %gather3A_926 : vector<16xf32>
    %add3A_928 = arith.constant 2311 : i32
    %add3A_929 = vector.broadcast %add3A_928 : i32 to vector<16xi32>
    %add3A_930 = arith.addi %mul3A_156, %add3A_929 : vector<16xi32>
    %gather3A_931 = tpu.vector_load_idx %arg11[%add3A_930] : memref<6144xf32, #tpu.memory_space<vmem>>[vector<16xi32>], vector<16xf32>,
    %add3A_932 = arith.addf %add3A_927, %gather3A_931 : vector<16xf32>
    %add3A_933 = arith.constant 2312 : i32
    %add3A_934 = vector.broadcast %add3A_933 : i32 to vector<16xi32>
    %add3A_935 = arith.addi %mul3A_156, %add3A_934 : vector<16xi32>
    %gather3A_936 = tpu.vector_load_idx %arg11[%add3A_935] : memref<6144xf32, #tpu.memory_space<vmem>>[vector<16xi32>], vector<16xf32>,
    %add3A_937 = arith.addf %add3A_932, %gather3A_936 : vector<16xf32>
    %add3A_938 = arith.constant 2313 : i32
    %add3A_939 = vector.broadcast %add3A_938 : i32 to vector<16xi32>
    %add3A_940 = arith.addi %mul3A_156, %add3A_939 : vector<16xi32>
    %gather3A_941 = tpu.vector_load_idx %arg11[%add3A_940] : memref<6144xf32, #tpu.memory_space<vmem>>[vector<16xi32>], vector<16xf32>,
    %add3A_942 = arith.addf %add3A_937, %gather3A_941 : vector<16xf32>
    %add3A_943 = arith.constant 2314 : i32
    %add3A_944 = vector.broadcast %add3A_943 : i32 to vector<16xi32>
    %add3A_945 = arith.addi %mul3A_156, %add3A_944 : vector<16xi32>
    %gather3A_946 = tpu.vector_load_idx %arg11[%add3A_945] : memref<6144xf32, #tpu.memory_space<vmem>>[vector<16xi32>], vector<16xf32>,
    %add3A_947 = arith.addf %add3A_942, %gather3A_946 : vector<16xf32>
    %add3A_948 = arith.constant 2315 : i32
    %add3A_949 = vector.broadcast %add3A_948 : i32 to vector<16xi32>
    %add3A_950 = arith.addi %mul3A_156, %add3A_949 : vector<16xi32>
    %gather3A_951 = tpu.vector_load_idx %arg11[%add3A_950] : memref<6144xf32, #tpu.memory_space<vmem>>[vector<16xi32>], vector<16xf32>,
    %add3A_952 = arith.addf %add3A_947, %gather3A_951 : vector<16xf32>
    %add3A_953 = arith.constant 2316 : i32
    %add3A_954 = vector.broadcast %add3A_953 : i32 to vector<16xi32>
    %add3A_955 = arith.addi %mul3A_156, %add3A_954 : vector<16xi32>
    %gather3A_956 = tpu.vector_load_idx %arg11[%add3A_955] : memref<6144xf32, #tpu.memory_space<vmem>>[vector<16xi32>], vector<16xf32>,
    %add3A_957 = arith.addf %add3A_952, %gather3A_956 : vector<16xf32>
    %add3A_958 = arith.constant 2317 : i32
    %add3A_959 = vector.broadcast %add3A_958 : i32 to vector<16xi32>
    %add3A_960 = arith.addi %mul3A_156, %add3A_959 : vector<16xi32>
    %gather3A_961 = tpu.vector_load_idx %arg11[%add3A_960] : memref<6144xf32, #tpu.memory_space<vmem>>[vector<16xi32>], vector<16xf32>,
    %add3A_962 = arith.addf %add3A_957, %gather3A_961 : vector<16xf32>
    %add3A_963 = arith.constant 2318 : i32
    %add3A_964 = vector.broadcast %add3A_963 : i32 to vector<16xi32>
    %add3A_965 = arith.addi %mul3A_156, %add3A_964 : vector<16xi32>
    %gather3A_966 = tpu.vector_load_idx %arg11[%add3A_965] : memref<6144xf32, #tpu.memory_space<vmem>>[vector<16xi32>], vector<16xf32>,
    %add3A_967 = arith.addf %add3A_962, %gather3A_966 : vector<16xf32>
    %add3A_968 = arith.constant 2319 : i32
    %add3A_969 = vector.broadcast %add3A_968 : i32 to vector<16xi32>
    %add3A_970 = arith.addi %mul3A_156, %add3A_969 : vector<16xi32>
    %gather3A_971 = tpu.vector_load_idx %arg11[%add3A_970] : memref<6144xf32, #tpu.memory_space<vmem>>[vector<16xi32>], vector<16xf32>,
    %add3A_972 = arith.addf %add3A_967, %gather3A_971 : vector<16xf32>
    %swap3A_973 = arith.constant 144 : index
    %swap3A_974 = tpu.vector_load %arg12[%swap3A_973] {strides = array<i32>} : memref<512xf32, #tpu.memory_space<vmem>>, vector<16xf32>,
    tpu.vector_store %arg12[%swap3A_973], %add3A_972 {strides = array<i32>} : memref<512xf32, #tpu.memory_space<vmem>>, vector<16xf32>,
    %add3A_975 = arith.constant 2560 : i32
    %add3A_976 = vector.broadcast %add3A_975 : i32 to vector<16xi32>
    %add3A_977 = arith.addi %mul3A_156, %add3A_976 : vector<16xi32>
    %gather3A_978 = tpu.vector_load_idx %arg11[%add3A_977] : memref<6144xf32, #tpu.memory_space<vmem>>[vector<16xi32>], vector<16xf32>,
    %add3A_979 = arith.addf %broadcast_in_dim3A_80, %gather3A_978 : vector<16xf32>
    %add3A_980 = arith.constant 2561 : i32
    %add3A_981 = vector.broadcast %add3A_980 : i32 to vector<16xi32>
    %add3A_982 = arith.addi %mul3A_156, %add3A_981 : vector<16xi32>
    %gather3A_983 = tpu.vector_load_idx %arg11[%add3A_982] : memref<6144xf32, #tpu.memory_space<vmem>>[vector<16xi32>], vector<16xf32>,
    %add3A_984 = arith.addf %add3A_979, %gather3A_983 : vector<16xf32>
    %add3A_985 = arith.constant 2562 : i32
    %add3A_986 = vector.broadcast %add3A_985 : i32 to vector<16xi32>
    %add3A_987 = arith.addi %mul3A_156, %add3A_986 : vector<16xi32>
    %gather3A_988 = tpu.vector_load_idx %arg11[%add3A_987] : memref<6144xf32, #tpu.memory_space<vmem>>[vector<16xi32>], vector<16xf32>,
    %add3A_989 = arith.addf %add3A_984, %gather3A_988 : vector<16xf32>
    %add3A_990 = arith.constant 2563 : i32
    %add3A_991 = vector.broadcast %add3A_990 : i32 to vector<16xi32>
    %add3A_992 = arith.addi %mul3A_156, %add3A_991 : vector<16xi32>
    %gather3A_993 = tpu.vector_load_idx %arg11[%add3A_992] : memref<6144xf32, #tpu.memory_space<vmem>>[vector<16xi32>], vector<16xf32>,
    %add3A_994 = arith.addf %add3A_989, %gather3A_993 : vector<16xf32>
    %add3A_995 = arith.constant 2564 : i32
    %add3A_996 = vector.broadcast %add3A_995 : i32 to vector<16xi32>
    %add3A_997 = arith.addi %mul3A_156, %add3A_996 : vector<16xi32>
    %gather3A_998 = tpu.vector_load_idx %arg11[%add3A_997] : memref<6144xf32, #tpu.memory_space<vmem>>[vector<16xi32>], vector<16xf32>,
    %add3A_999 = arith.addf %add3A_994, %gather3A_998 : vector<16xf32>
    %add3A_1000 = arith.constant 2565 : i32
    %add3A_1001 = vector.broadcast %add3A_1000 : i32 to vector<16xi32>
    %add3A_1002 = arith.addi %mul3A_156, %add3A_1001 : vector<16xi32>
    %gather3A_1003 = tpu.vector_load_idx %arg11[%add3A_1002] : memref<6144xf32, #tpu.memory_space<vmem>>[vector<16xi32>], vector<16xf32>,
    %add3A_1004 = arith.addf %add3A_999, %gather3A_1003 : vector<16xf32>
    %add3A_1005 = arith.constant 2566 : i32
    %add3A_1006 = vector.broadcast %add3A_1005 : i32 to vector<16xi32>
    %add3A_1007 = arith.addi %mul3A_156, %add3A_1006 : vector<16xi32>
    %gather3A_1008 = tpu.vector_load_idx %arg11[%add3A_1007] : memref<6144xf32, #tpu.memory_space<vmem>>[vector<16xi32>], vector<16xf32>,
    %add3A_1009 = arith.addf %add3A_1004, %gather3A_1008 : vector<16xf32>
    %add3A_1010 = arith.constant 2567 : i32
    %add3A_1011 = vector.broadcast %add3A_1010 : i32 to vector<16xi32>
    %add3A_1012 = arith.addi %mul3A_156, %add3A_1011 : vector<16xi32>
    %gather3A_1013 = tpu.vector_load_idx %arg11[%add3A_1012] : memref<6144xf32, #tpu.memory_space<vmem>>[vector<16xi32>], vector<16xf32>,
    %add3A_1014 = arith.addf %add3A_1009, %gather3A_1013 : vector<16xf32>
    %add3A_1015 = arith.constant 2568 : i32
    %add3A_1016 = vector.broadcast %add3A_1015 : i32 to vector<16xi32>
    %add3A_1017 = arith.addi %mul3A_156, %add3A_1016 : vector<16xi32>
    %gather3A_1018 = tpu.vector_load_idx %arg11[%add3A_1017] : memref<6144xf32, #tpu.memory_space<vmem>>[vector<16xi32>], vector<16xf32>,
    %add3A_1019 = arith.addf %add3A_1014, %gather3A_1018 : vector<16xf32>
    %add3A_1020 = arith.constant 2569 : i32
    %add3A_1021 = vector.broadcast %add3A_1020 : i32 to vector<16xi32>
    %add3A_1022 = arith.addi %mul3A_156, %add3A_1021 : vector<16xi32>
    %gather3A_1023 = tpu.vector_load_idx %arg11[%add3A_1022] : memref<6144xf32, #tpu.memory_space<vmem>>[vector<16xi32>], vector<16xf32>,
    %add3A_1024 = arith.addf %add3A_1019, %gather3A_1023 : vector<16xf32>
    %add3A_1025 = arith.constant 2570 : i32
    %add3A_1026 = vector.broadcast %add3A_1025 : i32 to vector<16xi32>
    %add3A_1027 = arith.addi %mul3A_156, %add3A_1026 : vector<16xi32>
    %gather3A_1028 = tpu.vector_load_idx %arg11[%add3A_1027] : memref<6144xf32, #tpu.memory_space<vmem>>[vector<16xi32>], vector<16xf32>,
    %add3A_1029 = arith.addf %add3A_1024, %gather3A_1028 : vector<16xf32>
    %add3A_1030 = arith.constant 2571 : i32
    %add3A_1031 = vector.broadcast %add3A_1030 : i32 to vector<16xi32>
    %add3A_1032 = arith.addi %mul3A_156, %add3A_1031 : vector<16xi32>
    %gather3A_1033 = tpu.vector_load_idx %arg11[%add3A_1032] : memref<6144xf32, #tpu.memory_space<vmem>>[vector<16xi32>], vector<16xf32>,
    %add3A_1034 = arith.addf %add3A_1029, %gather3A_1033 : vector<16xf32>
    %add3A_1035 = arith.constant 2572 : i32
    %add3A_1036 = vector.broadcast %add3A_1035 : i32 to vector<16xi32>
    %add3A_1037 = arith.addi %mul3A_156, %add3A_1036 : vector<16xi32>
    %gather3A_1038 = tpu.vector_load_idx %arg11[%add3A_1037] : memref<6144xf32, #tpu.memory_space<vmem>>[vector<16xi32>], vector<16xf32>,
    %add3A_1039 = arith.addf %add3A_1034, %gather3A_1038 : vector<16xf32>
    %add3A_1040 = arith.constant 2573 : i32
    %add3A_1041 = vector.broadcast %add3A_1040 : i32 to vector<16xi32>
    %add3A_1042 = arith.addi %mul3A_156, %add3A_1041 : vector<16xi32>
    %gather3A_1043 = tpu.vector_load_idx %arg11[%add3A_1042] : memref<6144xf32, #tpu.memory_space<vmem>>[vector<16xi32>], vector<16xf32>,
    %add3A_1044 = arith.addf %add3A_1039, %gather3A_1043 : vector<16xf32>
    %add3A_1045 = arith.constant 2574 : i32
    %add3A_1046 = vector.broadcast %add3A_1045 : i32 to vector<16xi32>
    %add3A_1047 = arith.addi %mul3A_156, %add3A_1046 : vector<16xi32>
    %gather3A_1048 = tpu.vector_load_idx %arg11[%add3A_1047] : memref<6144xf32, #tpu.memory_space<vmem>>[vector<16xi32>], vector<16xf32>,
    %add3A_1049 = arith.addf %add3A_1044, %gather3A_1048 : vector<16xf32>
    %add3A_1050 = arith.constant 2575 : i32
    %add3A_1051 = vector.broadcast %add3A_1050 : i32 to vector<16xi32>
    %add3A_1052 = arith.addi %mul3A_156, %add3A_1051 : vector<16xi32>
    %gather3A_1053 = tpu.vector_load_idx %arg11[%add3A_1052] : memref<6144xf32, #tpu.memory_space<vmem>>[vector<16xi32>], vector<16xf32>,
    %add3A_1054 = arith.addf %add3A_1049, %gather3A_1053 : vector<16xf32>
    %swap3A_1055 = arith.constant 160 : index
    %swap3A_1056 = tpu.vector_load %arg12[%swap3A_1055] {strides = array<i32>} : memref<512xf32, #tpu.memory_space<vmem>>, vector<16xf32>,
    tpu.vector_store %arg12[%swap3A_1055], %add3A_1054 {strides = array<i32>} : memref<512xf32, #tpu.memory_space<vmem>>, vector<16xf32>,
    %add3A_1057 = arith.constant 2816 : i32
    %add3A_1058 = vector.broadcast %add3A_1057 : i32 to vector<16xi32>
    %add3A_1059 = arith.addi %mul3A_156, %add3A_1058 : vector<16xi32>
    %gather3A_1060 = tpu.vector_load_idx %arg11[%add3A_1059] : memref<6144xf32, #tpu.memory_space<vmem>>[vector<16xi32>], vector<16xf32>,
    %add3A_1061 = arith.addf %broadcast_in_dim3A_80, %gather3A_1060 : vector<16xf32>
    %add3A_1062 = arith.constant 2817 : i32
    %add3A_1063 = vector.broadcast %add3A_1062 : i32 to vector<16xi32>
    %add3A_1064 = arith.addi %mul3A_156, %add3A_1063 : vector<16xi32>
    %gather3A_1065 = tpu.vector_load_idx %arg11[%add3A_1064] : memref<6144xf32, #tpu.memory_space<vmem>>[vector<16xi32>], vector<16xf32>,
    %add3A_1066 = arith.addf %add3A_1061, %gather3A_1065 : vector<16xf32>
    %add3A_1067 = arith.constant 2818 : i32
    %add3A_1068 = vector.broadcast %add3A_1067 : i32 to vector<16xi32>
    %add3A_1069 = arith.addi %mul3A_156, %add3A_1068 : vector<16xi32>
    %gather3A_1070 = tpu.vector_load_idx %arg11[%add3A_1069] : memref<6144xf32, #tpu.memory_space<vmem>>[vector<16xi32>], vector<16xf32>,
    %add3A_1071 = arith.addf %add3A_1066, %gather3A_1070 : vector<16xf32>
    %add3A_1072 = arith.constant 2819 : i32
    %add3A_1073 = vector.broadcast %add3A_1072 : i32 to vector<16xi32>
    %add3A_1074 = arith.addi %mul3A_156, %add3A_1073 : vector<16xi32>
    %gather3A_1075 = tpu.vector_load_idx %arg11[%add3A_1074] : memref<6144xf32, #tpu.memory_space<vmem>>[vector<16xi32>], vector<16xf32>,
    %add3A_1076 = arith.addf %add3A_1071, %gather3A_1075 : vector<16xf32>
    %add3A_1077 = arith.constant 2820 : i32
    %add3A_1078 = vector.broadcast %add3A_1077 : i32 to vector<16xi32>
    %add3A_1079 = arith.addi %mul3A_156, %add3A_1078 : vector<16xi32>
    %gather3A_1080 = tpu.vector_load_idx %arg11[%add3A_1079] : memref<6144xf32, #tpu.memory_space<vmem>>[vector<16xi32>], vector<16xf32>,
    %add3A_1081 = arith.addf %add3A_1076, %gather3A_1080 : vector<16xf32>
    %add3A_1082 = arith.constant 2821 : i32
    %add3A_1083 = vector.broadcast %add3A_1082 : i32 to vector<16xi32>
    %add3A_1084 = arith.addi %mul3A_156, %add3A_1083 : vector<16xi32>
    %gather3A_1085 = tpu.vector_load_idx %arg11[%add3A_1084] : memref<6144xf32, #tpu.memory_space<vmem>>[vector<16xi32>], vector<16xf32>,
    %add3A_1086 = arith.addf %add3A_1081, %gather3A_1085 : vector<16xf32>
    %add3A_1087 = arith.constant 2822 : i32
    %add3A_1088 = vector.broadcast %add3A_1087 : i32 to vector<16xi32>
    %add3A_1089 = arith.addi %mul3A_156, %add3A_1088 : vector<16xi32>
    %gather3A_1090 = tpu.vector_load_idx %arg11[%add3A_1089] : memref<6144xf32, #tpu.memory_space<vmem>>[vector<16xi32>], vector<16xf32>,
    %add3A_1091 = arith.addf %add3A_1086, %gather3A_1090 : vector<16xf32>
    %add3A_1092 = arith.constant 2823 : i32
    %add3A_1093 = vector.broadcast %add3A_1092 : i32 to vector<16xi32>
    %add3A_1094 = arith.addi %mul3A_156, %add3A_1093 : vector<16xi32>
    %gather3A_1095 = tpu.vector_load_idx %arg11[%add3A_1094] : memref<6144xf32, #tpu.memory_space<vmem>>[vector<16xi32>], vector<16xf32>,
    %add3A_1096 = arith.addf %add3A_1091, %gather3A_1095 : vector<16xf32>
    %add3A_1097 = arith.constant 2824 : i32
    %add3A_1098 = vector.broadcast %add3A_1097 : i32 to vector<16xi32>
    %add3A_1099 = arith.addi %mul3A_156, %add3A_1098 : vector<16xi32>
    %gather3A_1100 = tpu.vector_load_idx %arg11[%add3A_1099] : memref<6144xf32, #tpu.memory_space<vmem>>[vector<16xi32>], vector<16xf32>,
    %add3A_1101 = arith.addf %add3A_1096, %gather3A_1100 : vector<16xf32>
    %add3A_1102 = arith.constant 2825 : i32
    %add3A_1103 = vector.broadcast %add3A_1102 : i32 to vector<16xi32>
    %add3A_1104 = arith.addi %mul3A_156, %add3A_1103 : vector<16xi32>
    %gather3A_1105 = tpu.vector_load_idx %arg11[%add3A_1104] : memref<6144xf32, #tpu.memory_space<vmem>>[vector<16xi32>], vector<16xf32>,
    %add3A_1106 = arith.addf %add3A_1101, %gather3A_1105 : vector<16xf32>
    %add3A_1107 = arith.constant 2826 : i32
    %add3A_1108 = vector.broadcast %add3A_1107 : i32 to vector<16xi32>
    %add3A_1109 = arith.addi %mul3A_156, %add3A_1108 : vector<16xi32>
    %gather3A_1110 = tpu.vector_load_idx %arg11[%add3A_1109] : memref<6144xf32, #tpu.memory_space<vmem>>[vector<16xi32>], vector<16xf32>,
    %add3A_1111 = arith.addf %add3A_1106, %gather3A_1110 : vector<16xf32>
    %add3A_1112 = arith.constant 2827 : i32
    %add3A_1113 = vector.broadcast %add3A_1112 : i32 to vector<16xi32>
    %add3A_1114 = arith.addi %mul3A_156, %add3A_1113 : vector<16xi32>
    %gather3A_1115 = tpu.vector_load_idx %arg11[%add3A_1114] : memref<6144xf32, #tpu.memory_space<vmem>>[vector<16xi32>], vector<16xf32>,
    %add3A_1116 = arith.addf %add3A_1111, %gather3A_1115 : vector<16xf32>
    %add3A_1117 = arith.constant 2828 : i32
    %add3A_1118 = vector.broadcast %add3A_1117 : i32 to vector<16xi32>
    %add3A_1119 = arith.addi %mul3A_156, %add3A_1118 : vector<16xi32>
    %gather3A_1120 = tpu.vector_load_idx %arg11[%add3A_1119] : memref<6144xf32, #tpu.memory_space<vmem>>[vector<16xi32>], vector<16xf32>,
    %add3A_1121 = arith.addf %add3A_1116, %gather3A_1120 : vector<16xf32>
    %add3A_1122 = arith.constant 2829 : i32
    %add3A_1123 = vector.broadcast %add3A_1122 : i32 to vector<16xi32>
    %add3A_1124 = arith.addi %mul3A_156, %add3A_1123 : vector<16xi32>
    %gather3A_1125 = tpu.vector_load_idx %arg11[%add3A_1124] : memref<6144xf32, #tpu.memory_space<vmem>>[vector<16xi32>], vector<16xf32>,
    %add3A_1126 = arith.addf %add3A_1121, %gather3A_1125 : vector<16xf32>
    %add3A_1127 = arith.constant 2830 : i32
    %add3A_1128 = vector.broadcast %add3A_1127 : i32 to vector<16xi32>
    %add3A_1129 = arith.addi %mul3A_156, %add3A_1128 : vector<16xi32>
    %gather3A_1130 = tpu.vector_load_idx %arg11[%add3A_1129] : memref<6144xf32, #tpu.memory_space<vmem>>[vector<16xi32>], vector<16xf32>,
    %add3A_1131 = arith.addf %add3A_1126, %gather3A_1130 : vector<16xf32>
    %add3A_1132 = arith.constant 2831 : i32
    %add3A_1133 = vector.broadcast %add3A_1132 : i32 to vector<16xi32>
    %add3A_1134 = arith.addi %mul3A_156, %add3A_1133 : vector<16xi32>
    %gather3A_1135 = tpu.vector_load_idx %arg11[%add3A_1134] : memref<6144xf32, #tpu.memory_space<vmem>>[vector<16xi32>], vector<16xf32>,
    %add3A_1136 = arith.addf %add3A_1131, %gather3A_1135 : vector<16xf32>
    %swap3A_1137 = arith.constant 176 : index
    %swap3A_1138 = tpu.vector_load %arg12[%swap3A_1137] {strides = array<i32>} : memref<512xf32, #tpu.memory_space<vmem>>, vector<16xf32>,
    tpu.vector_store %arg12[%swap3A_1137], %add3A_1136 {strides = array<i32>} : memref<512xf32, #tpu.memory_space<vmem>>, vector<16xf32>,
    %add3A_1139 = arith.constant 3072 : i32
    %add3A_1140 = vector.broadcast %add3A_1139 : i32 to vector<16xi32>
    %add3A_1141 = arith.addi %mul3A_156, %add3A_1140 : vector<16xi32>
    %gather3A_1142 = tpu.vector_load_idx %arg11[%add3A_1141] : memref<6144xf32, #tpu.memory_space<vmem>>[vector<16xi32>], vector<16xf32>,
    %add3A_1143 = arith.addf %broadcast_in_dim3A_80, %gather3A_1142 : vector<16xf32>
    %add3A_1144 = arith.constant 3073 : i32
    %add3A_1145 = vector.broadcast %add3A_1144 : i32 to vector<16xi32>
    %add3A_1146 = arith.addi %mul3A_156, %add3A_1145 : vector<16xi32>
    %gather3A_1147 = tpu.vector_load_idx %arg11[%add3A_1146] : memref<6144xf32, #tpu.memory_space<vmem>>[vector<16xi32>], vector<16xf32>,
    %add3A_1148 = arith.addf %add3A_1143, %gather3A_1147 : vector<16xf32>
    %add3A_1149 = arith.constant 3074 : i32
    %add3A_1150 = vector.broadcast %add3A_1149 : i32 to vector<16xi32>
    %add3A_1151 = arith.addi %mul3A_156, %add3A_1150 : vector<16xi32>
    %gather3A_1152 = tpu.vector_load_idx %arg11[%add3A_1151] : memref<6144xf32, #tpu.memory_space<vmem>>[vector<16xi32>], vector<16xf32>,
    %add3A_1153 = arith.addf %add3A_1148, %gather3A_1152 : vector<16xf32>
    %add3A_1154 = arith.constant 3075 : i32
    %add3A_1155 = vector.broadcast %add3A_1154 : i32 to vector<16xi32>
    %add3A_1156 = arith.addi %mul3A_156, %add3A_1155 : vector<16xi32>
    %gather3A_1157 = tpu.vector_load_idx %arg11[%add3A_1156] : memref<6144xf32, #tpu.memory_space<vmem>>[vector<16xi32>], vector<16xf32>,
    %add3A_1158 = arith.addf %add3A_1153, %gather3A_1157 : vector<16xf32>
    %add3A_1159 = arith.constant 3076 : i32
    %add3A_1160 = vector.broadcast %add3A_1159 : i32 to vector<16xi32>
    %add3A_1161 = arith.addi %mul3A_156, %add3A_1160 : vector<16xi32>
    %gather3A_1162 = tpu.vector_load_idx %arg11[%add3A_1161] : memref<6144xf32, #tpu.memory_space<vmem>>[vector<16xi32>], vector<16xf32>,
    %add3A_1163 = arith.addf %add3A_1158, %gather3A_1162 : vector<16xf32>
    %add3A_1164 = arith.constant 3077 : i32
    %add3A_1165 = vector.broadcast %add3A_1164 : i32 to vector<16xi32>
    %add3A_1166 = arith.addi %mul3A_156, %add3A_1165 : vector<16xi32>
    %gather3A_1167 = tpu.vector_load_idx %arg11[%add3A_1166] : memref<6144xf32, #tpu.memory_space<vmem>>[vector<16xi32>], vector<16xf32>,
    %add3A_1168 = arith.addf %add3A_1163, %gather3A_1167 : vector<16xf32>
    %add3A_1169 = arith.constant 3078 : i32
    %add3A_1170 = vector.broadcast %add3A_1169 : i32 to vector<16xi32>
    %add3A_1171 = arith.addi %mul3A_156, %add3A_1170 : vector<16xi32>
    %gather3A_1172 = tpu.vector_load_idx %arg11[%add3A_1171] : memref<6144xf32, #tpu.memory_space<vmem>>[vector<16xi32>], vector<16xf32>,
    %add3A_1173 = arith.addf %add3A_1168, %gather3A_1172 : vector<16xf32>
    %add3A_1174 = arith.constant 3079 : i32
    %add3A_1175 = vector.broadcast %add3A_1174 : i32 to vector<16xi32>
    %add3A_1176 = arith.addi %mul3A_156, %add3A_1175 : vector<16xi32>
    %gather3A_1177 = tpu.vector_load_idx %arg11[%add3A_1176] : memref<6144xf32, #tpu.memory_space<vmem>>[vector<16xi32>], vector<16xf32>,
    %add3A_1178 = arith.addf %add3A_1173, %gather3A_1177 : vector<16xf32>
    %add3A_1179 = arith.constant 3080 : i32
    %add3A_1180 = vector.broadcast %add3A_1179 : i32 to vector<16xi32>
    %add3A_1181 = arith.addi %mul3A_156, %add3A_1180 : vector<16xi32>
    %gather3A_1182 = tpu.vector_load_idx %arg11[%add3A_1181] : memref<6144xf32, #tpu.memory_space<vmem>>[vector<16xi32>], vector<16xf32>,
    %add3A_1183 = arith.addf %add3A_1178, %gather3A_1182 : vector<16xf32>
    %add3A_1184 = arith.constant 3081 : i32
    %add3A_1185 = vector.broadcast %add3A_1184 : i32 to vector<16xi32>
    %add3A_1186 = arith.addi %mul3A_156, %add3A_1185 : vector<16xi32>
    %gather3A_1187 = tpu.vector_load_idx %arg11[%add3A_1186] : memref<6144xf32, #tpu.memory_space<vmem>>[vector<16xi32>], vector<16xf32>,
    %add3A_1188 = arith.addf %add3A_1183, %gather3A_1187 : vector<16xf32>
    %add3A_1189 = arith.constant 3082 : i32
    %add3A_1190 = vector.broadcast %add3A_1189 : i32 to vector<16xi32>
    %add3A_1191 = arith.addi %mul3A_156, %add3A_1190 : vector<16xi32>
    %gather3A_1192 = tpu.vector_load_idx %arg11[%add3A_1191] : memref<6144xf32, #tpu.memory_space<vmem>>[vector<16xi32>], vector<16xf32>,
    %add3A_1193 = arith.addf %add3A_1188, %gather3A_1192 : vector<16xf32>
    %add3A_1194 = arith.constant 3083 : i32
    %add3A_1195 = vector.broadcast %add3A_1194 : i32 to vector<16xi32>
    %add3A_1196 = arith.addi %mul3A_156, %add3A_1195 : vector<16xi32>
    %gather3A_1197 = tpu.vector_load_idx %arg11[%add3A_1196] : memref<6144xf32, #tpu.memory_space<vmem>>[vector<16xi32>], vector<16xf32>,
    %add3A_1198 = arith.addf %add3A_1193, %gather3A_1197 : vector<16xf32>
    %add3A_1199 = arith.constant 3084 : i32
    %add3A_1200 = vector.broadcast %add3A_1199 : i32 to vector<16xi32>
    %add3A_1201 = arith.addi %mul3A_156, %add3A_1200 : vector<16xi32>
    %gather3A_1202 = tpu.vector_load_idx %arg11[%add3A_1201] : memref<6144xf32, #tpu.memory_space<vmem>>[vector<16xi32>], vector<16xf32>,
    %add3A_1203 = arith.addf %add3A_1198, %gather3A_1202 : vector<16xf32>
    %add3A_1204 = arith.constant 3085 : i32
    %add3A_1205 = vector.broadcast %add3A_1204 : i32 to vector<16xi32>
    %add3A_1206 = arith.addi %mul3A_156, %add3A_1205 : vector<16xi32>
    %gather3A_1207 = tpu.vector_load_idx %arg11[%add3A_1206] : memref<6144xf32, #tpu.memory_space<vmem>>[vector<16xi32>], vector<16xf32>,
    %add3A_1208 = arith.addf %add3A_1203, %gather3A_1207 : vector<16xf32>
    %add3A_1209 = arith.constant 3086 : i32
    %add3A_1210 = vector.broadcast %add3A_1209 : i32 to vector<16xi32>
    %add3A_1211 = arith.addi %mul3A_156, %add3A_1210 : vector<16xi32>
    %gather3A_1212 = tpu.vector_load_idx %arg11[%add3A_1211] : memref<6144xf32, #tpu.memory_space<vmem>>[vector<16xi32>], vector<16xf32>,
    %add3A_1213 = arith.addf %add3A_1208, %gather3A_1212 : vector<16xf32>
    %add3A_1214 = arith.constant 3087 : i32
    %add3A_1215 = vector.broadcast %add3A_1214 : i32 to vector<16xi32>
    %add3A_1216 = arith.addi %mul3A_156, %add3A_1215 : vector<16xi32>
    %gather3A_1217 = tpu.vector_load_idx %arg11[%add3A_1216] : memref<6144xf32, #tpu.memory_space<vmem>>[vector<16xi32>], vector<16xf32>,
    %add3A_1218 = arith.addf %add3A_1213, %gather3A_1217 : vector<16xf32>
    %swap3A_1219 = arith.constant 192 : index
    %swap3A_1220 = tpu.vector_load %arg12[%swap3A_1219] {strides = array<i32>} : memref<512xf32, #tpu.memory_space<vmem>>, vector<16xf32>,
    tpu.vector_store %arg12[%swap3A_1219], %add3A_1218 {strides = array<i32>} : memref<512xf32, #tpu.memory_space<vmem>>, vector<16xf32>,
    %add3A_1221 = arith.constant 3328 : i32
    %add3A_1222 = vector.broadcast %add3A_1221 : i32 to vector<16xi32>
    %add3A_1223 = arith.addi %mul3A_156, %add3A_1222 : vector<16xi32>
    %gather3A_1224 = tpu.vector_load_idx %arg11[%add3A_1223] : memref<6144xf32, #tpu.memory_space<vmem>>[vector<16xi32>], vector<16xf32>,
    %add3A_1225 = arith.addf %broadcast_in_dim3A_80, %gather3A_1224 : vector<16xf32>
    %add3A_1226 = arith.constant 3329 : i32
    %add3A_1227 = vector.broadcast %add3A_1226 : i32 to vector<16xi32>
    %add3A_1228 = arith.addi %mul3A_156, %add3A_1227 : vector<16xi32>
    %gather3A_1229 = tpu.vector_load_idx %arg11[%add3A_1228] : memref<6144xf32, #tpu.memory_space<vmem>>[vector<16xi32>], vector<16xf32>,
    %add3A_1230 = arith.addf %add3A_1225, %gather3A_1229 : vector<16xf32>
    %add3A_1231 = arith.constant 3330 : i32
    %add3A_1232 = vector.broadcast %add3A_1231 : i32 to vector<16xi32>
    %add3A_1233 = arith.addi %mul3A_156, %add3A_1232 : vector<16xi32>
    %gather3A_1234 = tpu.vector_load_idx %arg11[%add3A_1233] : memref<6144xf32, #tpu.memory_space<vmem>>[vector<16xi32>], vector<16xf32>,
    %add3A_1235 = arith.addf %add3A_1230, %gather3A_1234 : vector<16xf32>
    %add3A_1236 = arith.constant 3331 : i32
    %add3A_1237 = vector.broadcast %add3A_1236 : i32 to vector<16xi32>
    %add3A_1238 = arith.addi %mul3A_156, %add3A_1237 : vector<16xi32>
    %gather3A_1239 = tpu.vector_load_idx %arg11[%add3A_1238] : memref<6144xf32, #tpu.memory_space<vmem>>[vector<16xi32>], vector<16xf32>,
    %add3A_1240 = arith.addf %add3A_1235, %gather3A_1239 : vector<16xf32>
    %add3A_1241 = arith.constant 3332 : i32
    %add3A_1242 = vector.broadcast %add3A_1241 : i32 to vector<16xi32>
    %add3A_1243 = arith.addi %mul3A_156, %add3A_1242 : vector<16xi32>
    %gather3A_1244 = tpu.vector_load_idx %arg11[%add3A_1243] : memref<6144xf32, #tpu.memory_space<vmem>>[vector<16xi32>], vector<16xf32>,
    %add3A_1245 = arith.addf %add3A_1240, %gather3A_1244 : vector<16xf32>
    %add3A_1246 = arith.constant 3333 : i32
    %add3A_1247 = vector.broadcast %add3A_1246 : i32 to vector<16xi32>
    %add3A_1248 = arith.addi %mul3A_156, %add3A_1247 : vector<16xi32>
    %gather3A_1249 = tpu.vector_load_idx %arg11[%add3A_1248] : memref<6144xf32, #tpu.memory_space<vmem>>[vector<16xi32>], vector<16xf32>,
    %add3A_1250 = arith.addf %add3A_1245, %gather3A_1249 : vector<16xf32>
    %add3A_1251 = arith.constant 3334 : i32
    %add3A_1252 = vector.broadcast %add3A_1251 : i32 to vector<16xi32>
    %add3A_1253 = arith.addi %mul3A_156, %add3A_1252 : vector<16xi32>
    %gather3A_1254 = tpu.vector_load_idx %arg11[%add3A_1253] : memref<6144xf32, #tpu.memory_space<vmem>>[vector<16xi32>], vector<16xf32>,
    %add3A_1255 = arith.addf %add3A_1250, %gather3A_1254 : vector<16xf32>
    %add3A_1256 = arith.constant 3335 : i32
    %add3A_1257 = vector.broadcast %add3A_1256 : i32 to vector<16xi32>
    %add3A_1258 = arith.addi %mul3A_156, %add3A_1257 : vector<16xi32>
    %gather3A_1259 = tpu.vector_load_idx %arg11[%add3A_1258] : memref<6144xf32, #tpu.memory_space<vmem>>[vector<16xi32>], vector<16xf32>,
    %add3A_1260 = arith.addf %add3A_1255, %gather3A_1259 : vector<16xf32>
    %add3A_1261 = arith.constant 3336 : i32
    %add3A_1262 = vector.broadcast %add3A_1261 : i32 to vector<16xi32>
    %add3A_1263 = arith.addi %mul3A_156, %add3A_1262 : vector<16xi32>
    %gather3A_1264 = tpu.vector_load_idx %arg11[%add3A_1263] : memref<6144xf32, #tpu.memory_space<vmem>>[vector<16xi32>], vector<16xf32>,
    %add3A_1265 = arith.addf %add3A_1260, %gather3A_1264 : vector<16xf32>
    %add3A_1266 = arith.constant 3337 : i32
    %add3A_1267 = vector.broadcast %add3A_1266 : i32 to vector<16xi32>
    %add3A_1268 = arith.addi %mul3A_156, %add3A_1267 : vector<16xi32>
    %gather3A_1269 = tpu.vector_load_idx %arg11[%add3A_1268] : memref<6144xf32, #tpu.memory_space<vmem>>[vector<16xi32>], vector<16xf32>,
    %add3A_1270 = arith.addf %add3A_1265, %gather3A_1269 : vector<16xf32>
    %add3A_1271 = arith.constant 3338 : i32
    %add3A_1272 = vector.broadcast %add3A_1271 : i32 to vector<16xi32>
    %add3A_1273 = arith.addi %mul3A_156, %add3A_1272 : vector<16xi32>
    %gather3A_1274 = tpu.vector_load_idx %arg11[%add3A_1273] : memref<6144xf32, #tpu.memory_space<vmem>>[vector<16xi32>], vector<16xf32>,
    %add3A_1275 = arith.addf %add3A_1270, %gather3A_1274 : vector<16xf32>
    %add3A_1276 = arith.constant 3339 : i32
    %add3A_1277 = vector.broadcast %add3A_1276 : i32 to vector<16xi32>
    %add3A_1278 = arith.addi %mul3A_156, %add3A_1277 : vector<16xi32>
    %gather3A_1279 = tpu.vector_load_idx %arg11[%add3A_1278] : memref<6144xf32, #tpu.memory_space<vmem>>[vector<16xi32>], vector<16xf32>,
    %add3A_1280 = arith.addf %add3A_1275, %gather3A_1279 : vector<16xf32>
    %add3A_1281 = arith.constant 3340 : i32
    %add3A_1282 = vector.broadcast %add3A_1281 : i32 to vector<16xi32>
    %add3A_1283 = arith.addi %mul3A_156, %add3A_1282 : vector<16xi32>
    %gather3A_1284 = tpu.vector_load_idx %arg11[%add3A_1283] : memref<6144xf32, #tpu.memory_space<vmem>>[vector<16xi32>], vector<16xf32>,
    %add3A_1285 = arith.addf %add3A_1280, %gather3A_1284 : vector<16xf32>
    %add3A_1286 = arith.constant 3341 : i32
    %add3A_1287 = vector.broadcast %add3A_1286 : i32 to vector<16xi32>
    %add3A_1288 = arith.addi %mul3A_156, %add3A_1287 : vector<16xi32>
    %gather3A_1289 = tpu.vector_load_idx %arg11[%add3A_1288] : memref<6144xf32, #tpu.memory_space<vmem>>[vector<16xi32>], vector<16xf32>,
    %add3A_1290 = arith.addf %add3A_1285, %gather3A_1289 : vector<16xf32>
    %add3A_1291 = arith.constant 3342 : i32
    %add3A_1292 = vector.broadcast %add3A_1291 : i32 to vector<16xi32>
    %add3A_1293 = arith.addi %mul3A_156, %add3A_1292 : vector<16xi32>
    %gather3A_1294 = tpu.vector_load_idx %arg11[%add3A_1293] : memref<6144xf32, #tpu.memory_space<vmem>>[vector<16xi32>], vector<16xf32>,
    %add3A_1295 = arith.addf %add3A_1290, %gather3A_1294 : vector<16xf32>
    %add3A_1296 = arith.constant 3343 : i32
    %add3A_1297 = vector.broadcast %add3A_1296 : i32 to vector<16xi32>
    %add3A_1298 = arith.addi %mul3A_156, %add3A_1297 : vector<16xi32>
    %gather3A_1299 = tpu.vector_load_idx %arg11[%add3A_1298] : memref<6144xf32, #tpu.memory_space<vmem>>[vector<16xi32>], vector<16xf32>,
    %add3A_1300 = arith.addf %add3A_1295, %gather3A_1299 : vector<16xf32>
    %swap3A_1301 = arith.constant 208 : index
    %swap3A_1302 = tpu.vector_load %arg12[%swap3A_1301] {strides = array<i32>} : memref<512xf32, #tpu.memory_space<vmem>>, vector<16xf32>,
    tpu.vector_store %arg12[%swap3A_1301], %add3A_1300 {strides = array<i32>} : memref<512xf32, #tpu.memory_space<vmem>>, vector<16xf32>,
    %add3A_1303 = arith.constant 3584 : i32
    %add3A_1304 = vector.broadcast %add3A_1303 : i32 to vector<16xi32>
    %add3A_1305 = arith.addi %mul3A_156, %add3A_1304 : vector<16xi32>
    %gather3A_1306 = tpu.vector_load_idx %arg11[%add3A_1305] : memref<6144xf32, #tpu.memory_space<vmem>>[vector<16xi32>], vector<16xf32>,
    %add3A_1307 = arith.addf %broadcast_in_dim3A_80, %gather3A_1306 : vector<16xf32>
    %add3A_1308 = arith.constant 3585 : i32
    %add3A_1309 = vector.broadcast %add3A_1308 : i32 to vector<16xi32>
    %add3A_1310 = arith.addi %mul3A_156, %add3A_1309 : vector<16xi32>
    %gather3A_1311 = tpu.vector_load_idx %arg11[%add3A_1310] : memref<6144xf32, #tpu.memory_space<vmem>>[vector<16xi32>], vector<16xf32>,
    %add3A_1312 = arith.addf %add3A_1307, %gather3A_1311 : vector<16xf32>
    %add3A_1313 = arith.constant 3586 : i32
    %add3A_1314 = vector.broadcast %add3A_1313 : i32 to vector<16xi32>
    %add3A_1315 = arith.addi %mul3A_156, %add3A_1314 : vector<16xi32>
    %gather3A_1316 = tpu.vector_load_idx %arg11[%add3A_1315] : memref<6144xf32, #tpu.memory_space<vmem>>[vector<16xi32>], vector<16xf32>,
    %add3A_1317 = arith.addf %add3A_1312, %gather3A_1316 : vector<16xf32>
    %add3A_1318 = arith.constant 3587 : i32
    %add3A_1319 = vector.broadcast %add3A_1318 : i32 to vector<16xi32>
    %add3A_1320 = arith.addi %mul3A_156, %add3A_1319 : vector<16xi32>
    %gather3A_1321 = tpu.vector_load_idx %arg11[%add3A_1320] : memref<6144xf32, #tpu.memory_space<vmem>>[vector<16xi32>], vector<16xf32>,
    %add3A_1322 = arith.addf %add3A_1317, %gather3A_1321 : vector<16xf32>
    %add3A_1323 = arith.constant 3588 : i32
    %add3A_1324 = vector.broadcast %add3A_1323 : i32 to vector<16xi32>
    %add3A_1325 = arith.addi %mul3A_156, %add3A_1324 : vector<16xi32>
    %gather3A_1326 = tpu.vector_load_idx %arg11[%add3A_1325] : memref<6144xf32, #tpu.memory_space<vmem>>[vector<16xi32>], vector<16xf32>,
    %add3A_1327 = arith.addf %add3A_1322, %gather3A_1326 : vector<16xf32>
    %add3A_1328 = arith.constant 3589 : i32
    %add3A_1329 = vector.broadcast %add3A_1328 : i32 to vector<16xi32>
    %add3A_1330 = arith.addi %mul3A_156, %add3A_1329 : vector<16xi32>
    %gather3A_1331 = tpu.vector_load_idx %arg11[%add3A_1330] : memref<6144xf32, #tpu.memory_space<vmem>>[vector<16xi32>], vector<16xf32>,
    %add3A_1332 = arith.addf %add3A_1327, %gather3A_1331 : vector<16xf32>
    %add3A_1333 = arith.constant 3590 : i32
    %add3A_1334 = vector.broadcast %add3A_1333 : i32 to vector<16xi32>
    %add3A_1335 = arith.addi %mul3A_156, %add3A_1334 : vector<16xi32>
    %gather3A_1336 = tpu.vector_load_idx %arg11[%add3A_1335] : memref<6144xf32, #tpu.memory_space<vmem>>[vector<16xi32>], vector<16xf32>,
    %add3A_1337 = arith.addf %add3A_1332, %gather3A_1336 : vector<16xf32>
    %add3A_1338 = arith.constant 3591 : i32
    %add3A_1339 = vector.broadcast %add3A_1338 : i32 to vector<16xi32>
    %add3A_1340 = arith.addi %mul3A_156, %add3A_1339 : vector<16xi32>
    %gather3A_1341 = tpu.vector_load_idx %arg11[%add3A_1340] : memref<6144xf32, #tpu.memory_space<vmem>>[vector<16xi32>], vector<16xf32>,
    %add3A_1342 = arith.addf %add3A_1337, %gather3A_1341 : vector<16xf32>
    %add3A_1343 = arith.constant 3592 : i32
    %add3A_1344 = vector.broadcast %add3A_1343 : i32 to vector<16xi32>
    %add3A_1345 = arith.addi %mul3A_156, %add3A_1344 : vector<16xi32>
    %gather3A_1346 = tpu.vector_load_idx %arg11[%add3A_1345] : memref<6144xf32, #tpu.memory_space<vmem>>[vector<16xi32>], vector<16xf32>,
    %add3A_1347 = arith.addf %add3A_1342, %gather3A_1346 : vector<16xf32>
    %add3A_1348 = arith.constant 3593 : i32
    %add3A_1349 = vector.broadcast %add3A_1348 : i32 to vector<16xi32>
    %add3A_1350 = arith.addi %mul3A_156, %add3A_1349 : vector<16xi32>
    %gather3A_1351 = tpu.vector_load_idx %arg11[%add3A_1350] : memref<6144xf32, #tpu.memory_space<vmem>>[vector<16xi32>], vector<16xf32>,
    %add3A_1352 = arith.addf %add3A_1347, %gather3A_1351 : vector<16xf32>
    %add3A_1353 = arith.constant 3594 : i32
    %add3A_1354 = vector.broadcast %add3A_1353 : i32 to vector<16xi32>
    %add3A_1355 = arith.addi %mul3A_156, %add3A_1354 : vector<16xi32>
    %gather3A_1356 = tpu.vector_load_idx %arg11[%add3A_1355] : memref<6144xf32, #tpu.memory_space<vmem>>[vector<16xi32>], vector<16xf32>,
    %add3A_1357 = arith.addf %add3A_1352, %gather3A_1356 : vector<16xf32>
    %add3A_1358 = arith.constant 3595 : i32
    %add3A_1359 = vector.broadcast %add3A_1358 : i32 to vector<16xi32>
    %add3A_1360 = arith.addi %mul3A_156, %add3A_1359 : vector<16xi32>
    %gather3A_1361 = tpu.vector_load_idx %arg11[%add3A_1360] : memref<6144xf32, #tpu.memory_space<vmem>>[vector<16xi32>], vector<16xf32>,
    %add3A_1362 = arith.addf %add3A_1357, %gather3A_1361 : vector<16xf32>
    %add3A_1363 = arith.constant 3596 : i32
    %add3A_1364 = vector.broadcast %add3A_1363 : i32 to vector<16xi32>
    %add3A_1365 = arith.addi %mul3A_156, %add3A_1364 : vector<16xi32>
    %gather3A_1366 = tpu.vector_load_idx %arg11[%add3A_1365] : memref<6144xf32, #tpu.memory_space<vmem>>[vector<16xi32>], vector<16xf32>,
    %add3A_1367 = arith.addf %add3A_1362, %gather3A_1366 : vector<16xf32>
    %add3A_1368 = arith.constant 3597 : i32
    %add3A_1369 = vector.broadcast %add3A_1368 : i32 to vector<16xi32>
    %add3A_1370 = arith.addi %mul3A_156, %add3A_1369 : vector<16xi32>
    %gather3A_1371 = tpu.vector_load_idx %arg11[%add3A_1370] : memref<6144xf32, #tpu.memory_space<vmem>>[vector<16xi32>], vector<16xf32>,
    %add3A_1372 = arith.addf %add3A_1367, %gather3A_1371 : vector<16xf32>
    %add3A_1373 = arith.constant 3598 : i32
    %add3A_1374 = vector.broadcast %add3A_1373 : i32 to vector<16xi32>
    %add3A_1375 = arith.addi %mul3A_156, %add3A_1374 : vector<16xi32>
    %gather3A_1376 = tpu.vector_load_idx %arg11[%add3A_1375] : memref<6144xf32, #tpu.memory_space<vmem>>[vector<16xi32>], vector<16xf32>,
    %add3A_1377 = arith.addf %add3A_1372, %gather3A_1376 : vector<16xf32>
    %add3A_1378 = arith.constant 3599 : i32
    %add3A_1379 = vector.broadcast %add3A_1378 : i32 to vector<16xi32>
    %add3A_1380 = arith.addi %mul3A_156, %add3A_1379 : vector<16xi32>
    %gather3A_1381 = tpu.vector_load_idx %arg11[%add3A_1380] : memref<6144xf32, #tpu.memory_space<vmem>>[vector<16xi32>], vector<16xf32>,
    %add3A_1382 = arith.addf %add3A_1377, %gather3A_1381 : vector<16xf32>
    %swap3A_1383 = arith.constant 224 : index
    %swap3A_1384 = tpu.vector_load %arg12[%swap3A_1383] {strides = array<i32>} : memref<512xf32, #tpu.memory_space<vmem>>, vector<16xf32>,
    tpu.vector_store %arg12[%swap3A_1383], %add3A_1382 {strides = array<i32>} : memref<512xf32, #tpu.memory_space<vmem>>, vector<16xf32>,
    %add3A_1385 = arith.constant 3840 : i32
    %add3A_1386 = vector.broadcast %add3A_1385 : i32 to vector<16xi32>
    %add3A_1387 = arith.addi %mul3A_156, %add3A_1386 : vector<16xi32>
    %gather3A_1388 = tpu.vector_load_idx %arg11[%add3A_1387] : memref<6144xf32, #tpu.memory_space<vmem>>[vector<16xi32>], vector<16xf32>,
    %add3A_1389 = arith.addf %broadcast_in_dim3A_80, %gather3A_1388 : vector<16xf32>
    %add3A_1390 = arith.constant 3841 : i32
    %add3A_1391 = vector.broadcast %add3A_1390 : i32 to vector<16xi32>
    %add3A_1392 = arith.addi %mul3A_156, %add3A_1391 : vector<16xi32>
    %gather3A_1393 = tpu.vector_load_idx %arg11[%add3A_1392] : memref<6144xf32, #tpu.memory_space<vmem>>[vector<16xi32>], vector<16xf32>,
    %add3A_1394 = arith.addf %add3A_1389, %gather3A_1393 : vector<16xf32>
    %add3A_1395 = arith.constant 3842 : i32
    %add3A_1396 = vector.broadcast %add3A_1395 : i32 to vector<16xi32>
    %add3A_1397 = arith.addi %mul3A_156, %add3A_1396 : vector<16xi32>
    %gather3A_1398 = tpu.vector_load_idx %arg11[%add3A_1397] : memref<6144xf32, #tpu.memory_space<vmem>>[vector<16xi32>], vector<16xf32>,
    %add3A_1399 = arith.addf %add3A_1394, %gather3A_1398 : vector<16xf32>
    %add3A_1400 = arith.constant 3843 : i32
    %add3A_1401 = vector.broadcast %add3A_1400 : i32 to vector<16xi32>
    %add3A_1402 = arith.addi %mul3A_156, %add3A_1401 : vector<16xi32>
    %gather3A_1403 = tpu.vector_load_idx %arg11[%add3A_1402] : memref<6144xf32, #tpu.memory_space<vmem>>[vector<16xi32>], vector<16xf32>,
    %add3A_1404 = arith.addf %add3A_1399, %gather3A_1403 : vector<16xf32>
    %add3A_1405 = arith.constant 3844 : i32
    %add3A_1406 = vector.broadcast %add3A_1405 : i32 to vector<16xi32>
    %add3A_1407 = arith.addi %mul3A_156, %add3A_1406 : vector<16xi32>
    %gather3A_1408 = tpu.vector_load_idx %arg11[%add3A_1407] : memref<6144xf32, #tpu.memory_space<vmem>>[vector<16xi32>], vector<16xf32>,
    %add3A_1409 = arith.addf %add3A_1404, %gather3A_1408 : vector<16xf32>
    %add3A_1410 = arith.constant 3845 : i32
    %add3A_1411 = vector.broadcast %add3A_1410 : i32 to vector<16xi32>
    %add3A_1412 = arith.addi %mul3A_156, %add3A_1411 : vector<16xi32>
    %gather3A_1413 = tpu.vector_load_idx %arg11[%add3A_1412] : memref<6144xf32, #tpu.memory_space<vmem>>[vector<16xi32>], vector<16xf32>,
    %add3A_1414 = arith.addf %add3A_1409, %gather3A_1413 : vector<16xf32>
    %add3A_1415 = arith.constant 3846 : i32
    %add3A_1416 = vector.broadcast %add3A_1415 : i32 to vector<16xi32>
    %add3A_1417 = arith.addi %mul3A_156, %add3A_1416 : vector<16xi32>
    %gather3A_1418 = tpu.vector_load_idx %arg11[%add3A_1417] : memref<6144xf32, #tpu.memory_space<vmem>>[vector<16xi32>], vector<16xf32>,
    %add3A_1419 = arith.addf %add3A_1414, %gather3A_1418 : vector<16xf32>
    %add3A_1420 = arith.constant 3847 : i32
    %add3A_1421 = vector.broadcast %add3A_1420 : i32 to vector<16xi32>
    %add3A_1422 = arith.addi %mul3A_156, %add3A_1421 : vector<16xi32>
    %gather3A_1423 = tpu.vector_load_idx %arg11[%add3A_1422] : memref<6144xf32, #tpu.memory_space<vmem>>[vector<16xi32>], vector<16xf32>,
    %add3A_1424 = arith.addf %add3A_1419, %gather3A_1423 : vector<16xf32>
    %add3A_1425 = arith.constant 3848 : i32
    %add3A_1426 = vector.broadcast %add3A_1425 : i32 to vector<16xi32>
    %add3A_1427 = arith.addi %mul3A_156, %add3A_1426 : vector<16xi32>
    %gather3A_1428 = tpu.vector_load_idx %arg11[%add3A_1427] : memref<6144xf32, #tpu.memory_space<vmem>>[vector<16xi32>], vector<16xf32>,
    %add3A_1429 = arith.addf %add3A_1424, %gather3A_1428 : vector<16xf32>
    %add3A_1430 = arith.constant 3849 : i32
    %add3A_1431 = vector.broadcast %add3A_1430 : i32 to vector<16xi32>
    %add3A_1432 = arith.addi %mul3A_156, %add3A_1431 : vector<16xi32>
    %gather3A_1433 = tpu.vector_load_idx %arg11[%add3A_1432] : memref<6144xf32, #tpu.memory_space<vmem>>[vector<16xi32>], vector<16xf32>,
    %add3A_1434 = arith.addf %add3A_1429, %gather3A_1433 : vector<16xf32>
    %add3A_1435 = arith.constant 3850 : i32
    %add3A_1436 = vector.broadcast %add3A_1435 : i32 to vector<16xi32>
    %add3A_1437 = arith.addi %mul3A_156, %add3A_1436 : vector<16xi32>
    %gather3A_1438 = tpu.vector_load_idx %arg11[%add3A_1437] : memref<6144xf32, #tpu.memory_space<vmem>>[vector<16xi32>], vector<16xf32>,
    %add3A_1439 = arith.addf %add3A_1434, %gather3A_1438 : vector<16xf32>
    %add3A_1440 = arith.constant 3851 : i32
    %add3A_1441 = vector.broadcast %add3A_1440 : i32 to vector<16xi32>
    %add3A_1442 = arith.addi %mul3A_156, %add3A_1441 : vector<16xi32>
    %gather3A_1443 = tpu.vector_load_idx %arg11[%add3A_1442] : memref<6144xf32, #tpu.memory_space<vmem>>[vector<16xi32>], vector<16xf32>,
    %add3A_1444 = arith.addf %add3A_1439, %gather3A_1443 : vector<16xf32>
    %add3A_1445 = arith.constant 3852 : i32
    %add3A_1446 = vector.broadcast %add3A_1445 : i32 to vector<16xi32>
    %add3A_1447 = arith.addi %mul3A_156, %add3A_1446 : vector<16xi32>
    %gather3A_1448 = tpu.vector_load_idx %arg11[%add3A_1447] : memref<6144xf32, #tpu.memory_space<vmem>>[vector<16xi32>], vector<16xf32>,
    %add3A_1449 = arith.addf %add3A_1444, %gather3A_1448 : vector<16xf32>
    %add3A_1450 = arith.constant 3853 : i32
    %add3A_1451 = vector.broadcast %add3A_1450 : i32 to vector<16xi32>
    %add3A_1452 = arith.addi %mul3A_156, %add3A_1451 : vector<16xi32>
    %gather3A_1453 = tpu.vector_load_idx %arg11[%add3A_1452] : memref<6144xf32, #tpu.memory_space<vmem>>[vector<16xi32>], vector<16xf32>,
    %add3A_1454 = arith.addf %add3A_1449, %gather3A_1453 : vector<16xf32>
    %add3A_1455 = arith.constant 3854 : i32
    %add3A_1456 = vector.broadcast %add3A_1455 : i32 to vector<16xi32>
    %add3A_1457 = arith.addi %mul3A_156, %add3A_1456 : vector<16xi32>
    %gather3A_1458 = tpu.vector_load_idx %arg11[%add3A_1457] : memref<6144xf32, #tpu.memory_space<vmem>>[vector<16xi32>], vector<16xf32>,
    %add3A_1459 = arith.addf %add3A_1454, %gather3A_1458 : vector<16xf32>
    %add3A_1460 = arith.constant 3855 : i32
    %add3A_1461 = vector.broadcast %add3A_1460 : i32 to vector<16xi32>
    %add3A_1462 = arith.addi %mul3A_156, %add3A_1461 : vector<16xi32>
    %gather3A_1463 = tpu.vector_load_idx %arg11[%add3A_1462] : memref<6144xf32, #tpu.memory_space<vmem>>[vector<16xi32>], vector<16xf32>,
    %add3A_1464 = arith.addf %add3A_1459, %gather3A_1463 : vector<16xf32>
    %swap3A_1465 = arith.constant 240 : index
    %swap3A_1466 = tpu.vector_load %arg12[%swap3A_1465] {strides = array<i32>} : memref<512xf32, #tpu.memory_space<vmem>>, vector<16xf32>,
    tpu.vector_store %arg12[%swap3A_1465], %add3A_1464 {strides = array<i32>} : memref<512xf32, #tpu.memory_space<vmem>>, vector<16xf32>,
    %add3A_1467 = arith.constant 4096 : i32
    %add3A_1468 = vector.broadcast %add3A_1467 : i32 to vector<16xi32>
    %add3A_1469 = arith.addi %mul3A_156, %add3A_1468 : vector<16xi32>
    %gather3A_1470 = tpu.vector_load_idx %arg11[%add3A_1469] : memref<6144xf32, #tpu.memory_space<vmem>>[vector<16xi32>], vector<16xf32>,
    %add3A_1471 = arith.addf %broadcast_in_dim3A_80, %gather3A_1470 : vector<16xf32>
    %add3A_1472 = arith.constant 4097 : i32
    %add3A_1473 = vector.broadcast %add3A_1472 : i32 to vector<16xi32>
    %add3A_1474 = arith.addi %mul3A_156, %add3A_1473 : vector<16xi32>
    %gather3A_1475 = tpu.vector_load_idx %arg11[%add3A_1474] : memref<6144xf32, #tpu.memory_space<vmem>>[vector<16xi32>], vector<16xf32>,
    %add3A_1476 = arith.addf %add3A_1471, %gather3A_1475 : vector<16xf32>
    %add3A_1477 = arith.constant 4098 : i32
    %add3A_1478 = vector.broadcast %add3A_1477 : i32 to vector<16xi32>
    %add3A_1479 = arith.addi %mul3A_156, %add3A_1478 : vector<16xi32>
    %gather3A_1480 = tpu.vector_load_idx %arg11[%add3A_1479] : memref<6144xf32, #tpu.memory_space<vmem>>[vector<16xi32>], vector<16xf32>,
    %add3A_1481 = arith.addf %add3A_1476, %gather3A_1480 : vector<16xf32>
    %add3A_1482 = arith.constant 4099 : i32
    %add3A_1483 = vector.broadcast %add3A_1482 : i32 to vector<16xi32>
    %add3A_1484 = arith.addi %mul3A_156, %add3A_1483 : vector<16xi32>
    %gather3A_1485 = tpu.vector_load_idx %arg11[%add3A_1484] : memref<6144xf32, #tpu.memory_space<vmem>>[vector<16xi32>], vector<16xf32>,
    %add3A_1486 = arith.addf %add3A_1481, %gather3A_1485 : vector<16xf32>
    %add3A_1487 = arith.constant 4100 : i32
    %add3A_1488 = vector.broadcast %add3A_1487 : i32 to vector<16xi32>
    %add3A_1489 = arith.addi %mul3A_156, %add3A_1488 : vector<16xi32>
    %gather3A_1490 = tpu.vector_load_idx %arg11[%add3A_1489] : memref<6144xf32, #tpu.memory_space<vmem>>[vector<16xi32>], vector<16xf32>,
    %add3A_1491 = arith.addf %add3A_1486, %gather3A_1490 : vector<16xf32>
    %add3A_1492 = arith.constant 4101 : i32
    %add3A_1493 = vector.broadcast %add3A_1492 : i32 to vector<16xi32>
    %add3A_1494 = arith.addi %mul3A_156, %add3A_1493 : vector<16xi32>
    %gather3A_1495 = tpu.vector_load_idx %arg11[%add3A_1494] : memref<6144xf32, #tpu.memory_space<vmem>>[vector<16xi32>], vector<16xf32>,
    %add3A_1496 = arith.addf %add3A_1491, %gather3A_1495 : vector<16xf32>
    %add3A_1497 = arith.constant 4102 : i32
    %add3A_1498 = vector.broadcast %add3A_1497 : i32 to vector<16xi32>
    %add3A_1499 = arith.addi %mul3A_156, %add3A_1498 : vector<16xi32>
    %gather3A_1500 = tpu.vector_load_idx %arg11[%add3A_1499] : memref<6144xf32, #tpu.memory_space<vmem>>[vector<16xi32>], vector<16xf32>,
    %add3A_1501 = arith.addf %add3A_1496, %gather3A_1500 : vector<16xf32>
    %add3A_1502 = arith.constant 4103 : i32
    %add3A_1503 = vector.broadcast %add3A_1502 : i32 to vector<16xi32>
    %add3A_1504 = arith.addi %mul3A_156, %add3A_1503 : vector<16xi32>
    %gather3A_1505 = tpu.vector_load_idx %arg11[%add3A_1504] : memref<6144xf32, #tpu.memory_space<vmem>>[vector<16xi32>], vector<16xf32>,
    %add3A_1506 = arith.addf %add3A_1501, %gather3A_1505 : vector<16xf32>
    %add3A_1507 = arith.constant 4104 : i32
    %add3A_1508 = vector.broadcast %add3A_1507 : i32 to vector<16xi32>
    %add3A_1509 = arith.addi %mul3A_156, %add3A_1508 : vector<16xi32>
    %gather3A_1510 = tpu.vector_load_idx %arg11[%add3A_1509] : memref<6144xf32, #tpu.memory_space<vmem>>[vector<16xi32>], vector<16xf32>,
    %add3A_1511 = arith.addf %add3A_1506, %gather3A_1510 : vector<16xf32>
    %add3A_1512 = arith.constant 4105 : i32
    %add3A_1513 = vector.broadcast %add3A_1512 : i32 to vector<16xi32>
    %add3A_1514 = arith.addi %mul3A_156, %add3A_1513 : vector<16xi32>
    %gather3A_1515 = tpu.vector_load_idx %arg11[%add3A_1514] : memref<6144xf32, #tpu.memory_space<vmem>>[vector<16xi32>], vector<16xf32>,
    %add3A_1516 = arith.addf %add3A_1511, %gather3A_1515 : vector<16xf32>
    %add3A_1517 = arith.constant 4106 : i32
    %add3A_1518 = vector.broadcast %add3A_1517 : i32 to vector<16xi32>
    %add3A_1519 = arith.addi %mul3A_156, %add3A_1518 : vector<16xi32>
    %gather3A_1520 = tpu.vector_load_idx %arg11[%add3A_1519] : memref<6144xf32, #tpu.memory_space<vmem>>[vector<16xi32>], vector<16xf32>,
    %add3A_1521 = arith.addf %add3A_1516, %gather3A_1520 : vector<16xf32>
    %add3A_1522 = arith.constant 4107 : i32
    %add3A_1523 = vector.broadcast %add3A_1522 : i32 to vector<16xi32>
    %add3A_1524 = arith.addi %mul3A_156, %add3A_1523 : vector<16xi32>
    %gather3A_1525 = tpu.vector_load_idx %arg11[%add3A_1524] : memref<6144xf32, #tpu.memory_space<vmem>>[vector<16xi32>], vector<16xf32>,
    %add3A_1526 = arith.addf %add3A_1521, %gather3A_1525 : vector<16xf32>
    %add3A_1527 = arith.constant 4108 : i32
    %add3A_1528 = vector.broadcast %add3A_1527 : i32 to vector<16xi32>
    %add3A_1529 = arith.addi %mul3A_156, %add3A_1528 : vector<16xi32>
    %gather3A_1530 = tpu.vector_load_idx %arg11[%add3A_1529] : memref<6144xf32, #tpu.memory_space<vmem>>[vector<16xi32>], vector<16xf32>,
    %add3A_1531 = arith.addf %add3A_1526, %gather3A_1530 : vector<16xf32>
    %add3A_1532 = arith.constant 4109 : i32
    %add3A_1533 = vector.broadcast %add3A_1532 : i32 to vector<16xi32>
    %add3A_1534 = arith.addi %mul3A_156, %add3A_1533 : vector<16xi32>
    %gather3A_1535 = tpu.vector_load_idx %arg11[%add3A_1534] : memref<6144xf32, #tpu.memory_space<vmem>>[vector<16xi32>], vector<16xf32>,
    %add3A_1536 = arith.addf %add3A_1531, %gather3A_1535 : vector<16xf32>
    %add3A_1537 = arith.constant 4110 : i32
    %add3A_1538 = vector.broadcast %add3A_1537 : i32 to vector<16xi32>
    %add3A_1539 = arith.addi %mul3A_156, %add3A_1538 : vector<16xi32>
    %gather3A_1540 = tpu.vector_load_idx %arg11[%add3A_1539] : memref<6144xf32, #tpu.memory_space<vmem>>[vector<16xi32>], vector<16xf32>,
    %add3A_1541 = arith.addf %add3A_1536, %gather3A_1540 : vector<16xf32>
    %add3A_1542 = arith.constant 4111 : i32
    %add3A_1543 = vector.broadcast %add3A_1542 : i32 to vector<16xi32>
    %add3A_1544 = arith.addi %mul3A_156, %add3A_1543 : vector<16xi32>
    %gather3A_1545 = tpu.vector_load_idx %arg11[%add3A_1544] : memref<6144xf32, #tpu.memory_space<vmem>>[vector<16xi32>], vector<16xf32>,
    %add3A_1546 = arith.addf %add3A_1541, %gather3A_1545 : vector<16xf32>
    %swap3A_1547 = arith.constant 256 : index
    %swap3A_1548 = tpu.vector_load %arg12[%swap3A_1547] {strides = array<i32>} : memref<512xf32, #tpu.memory_space<vmem>>, vector<16xf32>,
    tpu.vector_store %arg12[%swap3A_1547], %add3A_1546 {strides = array<i32>} : memref<512xf32, #tpu.memory_space<vmem>>, vector<16xf32>,
    %add3A_1549 = arith.constant 4352 : i32
    %add3A_1550 = vector.broadcast %add3A_1549 : i32 to vector<16xi32>
    %add3A_1551 = arith.addi %mul3A_156, %add3A_1550 : vector<16xi32>
    %gather3A_1552 = tpu.vector_load_idx %arg11[%add3A_1551] : memref<6144xf32, #tpu.memory_space<vmem>>[vector<16xi32>], vector<16xf32>,
    %add3A_1553 = arith.addf %broadcast_in_dim3A_80, %gather3A_1552 : vector<16xf32>
    %add3A_1554 = arith.constant 4353 : i32
    %add3A_1555 = vector.broadcast %add3A_1554 : i32 to vector<16xi32>
    %add3A_1556 = arith.addi %mul3A_156, %add3A_1555 : vector<16xi32>
    %gather3A_1557 = tpu.vector_load_idx %arg11[%add3A_1556] : memref<6144xf32, #tpu.memory_space<vmem>>[vector<16xi32>], vector<16xf32>,
    %add3A_1558 = arith.addf %add3A_1553, %gather3A_1557 : vector<16xf32>
    %add3A_1559 = arith.constant 4354 : i32
    %add3A_1560 = vector.broadcast %add3A_1559 : i32 to vector<16xi32>
    %add3A_1561 = arith.addi %mul3A_156, %add3A_1560 : vector<16xi32>
    %gather3A_1562 = tpu.vector_load_idx %arg11[%add3A_1561] : memref<6144xf32, #tpu.memory_space<vmem>>[vector<16xi32>], vector<16xf32>,
    %add3A_1563 = arith.addf %add3A_1558, %gather3A_1562 : vector<16xf32>
    %add3A_1564 = arith.constant 4355 : i32
    %add3A_1565 = vector.broadcast %add3A_1564 : i32 to vector<16xi32>
    %add3A_1566 = arith.addi %mul3A_156, %add3A_1565 : vector<16xi32>
    %gather3A_1567 = tpu.vector_load_idx %arg11[%add3A_1566] : memref<6144xf32, #tpu.memory_space<vmem>>[vector<16xi32>], vector<16xf32>,
    %add3A_1568 = arith.addf %add3A_1563, %gather3A_1567 : vector<16xf32>
    %add3A_1569 = arith.constant 4356 : i32
    %add3A_1570 = vector.broadcast %add3A_1569 : i32 to vector<16xi32>
    %add3A_1571 = arith.addi %mul3A_156, %add3A_1570 : vector<16xi32>
    %gather3A_1572 = tpu.vector_load_idx %arg11[%add3A_1571] : memref<6144xf32, #tpu.memory_space<vmem>>[vector<16xi32>], vector<16xf32>,
    %add3A_1573 = arith.addf %add3A_1568, %gather3A_1572 : vector<16xf32>
    %add3A_1574 = arith.constant 4357 : i32
    %add3A_1575 = vector.broadcast %add3A_1574 : i32 to vector<16xi32>
    %add3A_1576 = arith.addi %mul3A_156, %add3A_1575 : vector<16xi32>
    %gather3A_1577 = tpu.vector_load_idx %arg11[%add3A_1576] : memref<6144xf32, #tpu.memory_space<vmem>>[vector<16xi32>], vector<16xf32>,
    %add3A_1578 = arith.addf %add3A_1573, %gather3A_1577 : vector<16xf32>
    %add3A_1579 = arith.constant 4358 : i32
    %add3A_1580 = vector.broadcast %add3A_1579 : i32 to vector<16xi32>
    %add3A_1581 = arith.addi %mul3A_156, %add3A_1580 : vector<16xi32>
    %gather3A_1582 = tpu.vector_load_idx %arg11[%add3A_1581] : memref<6144xf32, #tpu.memory_space<vmem>>[vector<16xi32>], vector<16xf32>,
    %add3A_1583 = arith.addf %add3A_1578, %gather3A_1582 : vector<16xf32>
    %add3A_1584 = arith.constant 4359 : i32
    %add3A_1585 = vector.broadcast %add3A_1584 : i32 to vector<16xi32>
    %add3A_1586 = arith.addi %mul3A_156, %add3A_1585 : vector<16xi32>
    %gather3A_1587 = tpu.vector_load_idx %arg11[%add3A_1586] : memref<6144xf32, #tpu.memory_space<vmem>>[vector<16xi32>], vector<16xf32>,
    %add3A_1588 = arith.addf %add3A_1583, %gather3A_1587 : vector<16xf32>
    %add3A_1589 = arith.constant 4360 : i32
    %add3A_1590 = vector.broadcast %add3A_1589 : i32 to vector<16xi32>
    %add3A_1591 = arith.addi %mul3A_156, %add3A_1590 : vector<16xi32>
    %gather3A_1592 = tpu.vector_load_idx %arg11[%add3A_1591] : memref<6144xf32, #tpu.memory_space<vmem>>[vector<16xi32>], vector<16xf32>,
    %add3A_1593 = arith.addf %add3A_1588, %gather3A_1592 : vector<16xf32>
    %add3A_1594 = arith.constant 4361 : i32
    %add3A_1595 = vector.broadcast %add3A_1594 : i32 to vector<16xi32>
    %add3A_1596 = arith.addi %mul3A_156, %add3A_1595 : vector<16xi32>
    %gather3A_1597 = tpu.vector_load_idx %arg11[%add3A_1596] : memref<6144xf32, #tpu.memory_space<vmem>>[vector<16xi32>], vector<16xf32>,
    %add3A_1598 = arith.addf %add3A_1593, %gather3A_1597 : vector<16xf32>
    %add3A_1599 = arith.constant 4362 : i32
    %add3A_1600 = vector.broadcast %add3A_1599 : i32 to vector<16xi32>
    %add3A_1601 = arith.addi %mul3A_156, %add3A_1600 : vector<16xi32>
    %gather3A_1602 = tpu.vector_load_idx %arg11[%add3A_1601] : memref<6144xf32, #tpu.memory_space<vmem>>[vector<16xi32>], vector<16xf32>,
    %add3A_1603 = arith.addf %add3A_1598, %gather3A_1602 : vector<16xf32>
    %add3A_1604 = arith.constant 4363 : i32
    %add3A_1605 = vector.broadcast %add3A_1604 : i32 to vector<16xi32>
    %add3A_1606 = arith.addi %mul3A_156, %add3A_1605 : vector<16xi32>
    %gather3A_1607 = tpu.vector_load_idx %arg11[%add3A_1606] : memref<6144xf32, #tpu.memory_space<vmem>>[vector<16xi32>], vector<16xf32>,
    %add3A_1608 = arith.addf %add3A_1603, %gather3A_1607 : vector<16xf32>
    %add3A_1609 = arith.constant 4364 : i32
    %add3A_1610 = vector.broadcast %add3A_1609 : i32 to vector<16xi32>
    %add3A_1611 = arith.addi %mul3A_156, %add3A_1610 : vector<16xi32>
    %gather3A_1612 = tpu.vector_load_idx %arg11[%add3A_1611] : memref<6144xf32, #tpu.memory_space<vmem>>[vector<16xi32>], vector<16xf32>,
    %add3A_1613 = arith.addf %add3A_1608, %gather3A_1612 : vector<16xf32>
    %add3A_1614 = arith.constant 4365 : i32
    %add3A_1615 = vector.broadcast %add3A_1614 : i32 to vector<16xi32>
    %add3A_1616 = arith.addi %mul3A_156, %add3A_1615 : vector<16xi32>
    %gather3A_1617 = tpu.vector_load_idx %arg11[%add3A_1616] : memref<6144xf32, #tpu.memory_space<vmem>>[vector<16xi32>], vector<16xf32>,
    %add3A_1618 = arith.addf %add3A_1613, %gather3A_1617 : vector<16xf32>
    %add3A_1619 = arith.constant 4366 : i32
    %add3A_1620 = vector.broadcast %add3A_1619 : i32 to vector<16xi32>
    %add3A_1621 = arith.addi %mul3A_156, %add3A_1620 : vector<16xi32>
    %gather3A_1622 = tpu.vector_load_idx %arg11[%add3A_1621] : memref<6144xf32, #tpu.memory_space<vmem>>[vector<16xi32>], vector<16xf32>,
    %add3A_1623 = arith.addf %add3A_1618, %gather3A_1622 : vector<16xf32>
    %add3A_1624 = arith.constant 4367 : i32
    %add3A_1625 = vector.broadcast %add3A_1624 : i32 to vector<16xi32>
    %add3A_1626 = arith.addi %mul3A_156, %add3A_1625 : vector<16xi32>
    %gather3A_1627 = tpu.vector_load_idx %arg11[%add3A_1626] : memref<6144xf32, #tpu.memory_space<vmem>>[vector<16xi32>], vector<16xf32>,
    %add3A_1628 = arith.addf %add3A_1623, %gather3A_1627 : vector<16xf32>
    %swap3A_1629 = arith.constant 272 : index
    %swap3A_1630 = tpu.vector_load %arg12[%swap3A_1629] {strides = array<i32>} : memref<512xf32, #tpu.memory_space<vmem>>, vector<16xf32>,
    tpu.vector_store %arg12[%swap3A_1629], %add3A_1628 {strides = array<i32>} : memref<512xf32, #tpu.memory_space<vmem>>, vector<16xf32>,
    %add3A_1631 = arith.constant 4608 : i32
    %add3A_1632 = vector.broadcast %add3A_1631 : i32 to vector<16xi32>
    %add3A_1633 = arith.addi %mul3A_156, %add3A_1632 : vector<16xi32>
    %gather3A_1634 = tpu.vector_load_idx %arg11[%add3A_1633] : memref<6144xf32, #tpu.memory_space<vmem>>[vector<16xi32>], vector<16xf32>,
    %add3A_1635 = arith.addf %broadcast_in_dim3A_80, %gather3A_1634 : vector<16xf32>
    %add3A_1636 = arith.constant 4609 : i32
    %add3A_1637 = vector.broadcast %add3A_1636 : i32 to vector<16xi32>
    %add3A_1638 = arith.addi %mul3A_156, %add3A_1637 : vector<16xi32>
    %gather3A_1639 = tpu.vector_load_idx %arg11[%add3A_1638] : memref<6144xf32, #tpu.memory_space<vmem>>[vector<16xi32>], vector<16xf32>,
    %add3A_1640 = arith.addf %add3A_1635, %gather3A_1639 : vector<16xf32>
    %add3A_1641 = arith.constant 4610 : i32
    %add3A_1642 = vector.broadcast %add3A_1641 : i32 to vector<16xi32>
    %add3A_1643 = arith.addi %mul3A_156, %add3A_1642 : vector<16xi32>
    %gather3A_1644 = tpu.vector_load_idx %arg11[%add3A_1643] : memref<6144xf32, #tpu.memory_space<vmem>>[vector<16xi32>], vector<16xf32>,
    %add3A_1645 = arith.addf %add3A_1640, %gather3A_1644 : vector<16xf32>
    %add3A_1646 = arith.constant 4611 : i32
    %add3A_1647 = vector.broadcast %add3A_1646 : i32 to vector<16xi32>
    %add3A_1648 = arith.addi %mul3A_156, %add3A_1647 : vector<16xi32>
    %gather3A_1649 = tpu.vector_load_idx %arg11[%add3A_1648] : memref<6144xf32, #tpu.memory_space<vmem>>[vector<16xi32>], vector<16xf32>,
    %add3A_1650 = arith.addf %add3A_1645, %gather3A_1649 : vector<16xf32>
    %add3A_1651 = arith.constant 4612 : i32
    %add3A_1652 = vector.broadcast %add3A_1651 : i32 to vector<16xi32>
    %add3A_1653 = arith.addi %mul3A_156, %add3A_1652 : vector<16xi32>
    %gather3A_1654 = tpu.vector_load_idx %arg11[%add3A_1653] : memref<6144xf32, #tpu.memory_space<vmem>>[vector<16xi32>], vector<16xf32>,
    %add3A_1655 = arith.addf %add3A_1650, %gather3A_1654 : vector<16xf32>
    %add3A_1656 = arith.constant 4613 : i32
    %add3A_1657 = vector.broadcast %add3A_1656 : i32 to vector<16xi32>
    %add3A_1658 = arith.addi %mul3A_156, %add3A_1657 : vector<16xi32>
    %gather3A_1659 = tpu.vector_load_idx %arg11[%add3A_1658] : memref<6144xf32, #tpu.memory_space<vmem>>[vector<16xi32>], vector<16xf32>,
    %add3A_1660 = arith.addf %add3A_1655, %gather3A_1659 : vector<16xf32>
    %add3A_1661 = arith.constant 4614 : i32
    %add3A_1662 = vector.broadcast %add3A_1661 : i32 to vector<16xi32>
    %add3A_1663 = arith.addi %mul3A_156, %add3A_1662 : vector<16xi32>
    %gather3A_1664 = tpu.vector_load_idx %arg11[%add3A_1663] : memref<6144xf32, #tpu.memory_space<vmem>>[vector<16xi32>], vector<16xf32>,
    %add3A_1665 = arith.addf %add3A_1660, %gather3A_1664 : vector<16xf32>
    %add3A_1666 = arith.constant 4615 : i32
    %add3A_1667 = vector.broadcast %add3A_1666 : i32 to vector<16xi32>
    %add3A_1668 = arith.addi %mul3A_156, %add3A_1667 : vector<16xi32>
    %gather3A_1669 = tpu.vector_load_idx %arg11[%add3A_1668] : memref<6144xf32, #tpu.memory_space<vmem>>[vector<16xi32>], vector<16xf32>,
    %add3A_1670 = arith.addf %add3A_1665, %gather3A_1669 : vector<16xf32>
    %add3A_1671 = arith.constant 4616 : i32
    %add3A_1672 = vector.broadcast %add3A_1671 : i32 to vector<16xi32>
    %add3A_1673 = arith.addi %mul3A_156, %add3A_1672 : vector<16xi32>
    %gather3A_1674 = tpu.vector_load_idx %arg11[%add3A_1673] : memref<6144xf32, #tpu.memory_space<vmem>>[vector<16xi32>], vector<16xf32>,
    %add3A_1675 = arith.addf %add3A_1670, %gather3A_1674 : vector<16xf32>
    %add3A_1676 = arith.constant 4617 : i32
    %add3A_1677 = vector.broadcast %add3A_1676 : i32 to vector<16xi32>
    %add3A_1678 = arith.addi %mul3A_156, %add3A_1677 : vector<16xi32>
    %gather3A_1679 = tpu.vector_load_idx %arg11[%add3A_1678] : memref<6144xf32, #tpu.memory_space<vmem>>[vector<16xi32>], vector<16xf32>,
    %add3A_1680 = arith.addf %add3A_1675, %gather3A_1679 : vector<16xf32>
    %add3A_1681 = arith.constant 4618 : i32
    %add3A_1682 = vector.broadcast %add3A_1681 : i32 to vector<16xi32>
    %add3A_1683 = arith.addi %mul3A_156, %add3A_1682 : vector<16xi32>
    %gather3A_1684 = tpu.vector_load_idx %arg11[%add3A_1683] : memref<6144xf32, #tpu.memory_space<vmem>>[vector<16xi32>], vector<16xf32>,
    %add3A_1685 = arith.addf %add3A_1680, %gather3A_1684 : vector<16xf32>
    %add3A_1686 = arith.constant 4619 : i32
    %add3A_1687 = vector.broadcast %add3A_1686 : i32 to vector<16xi32>
    %add3A_1688 = arith.addi %mul3A_156, %add3A_1687 : vector<16xi32>
    %gather3A_1689 = tpu.vector_load_idx %arg11[%add3A_1688] : memref<6144xf32, #tpu.memory_space<vmem>>[vector<16xi32>], vector<16xf32>,
    %add3A_1690 = arith.addf %add3A_1685, %gather3A_1689 : vector<16xf32>
    %add3A_1691 = arith.constant 4620 : i32
    %add3A_1692 = vector.broadcast %add3A_1691 : i32 to vector<16xi32>
    %add3A_1693 = arith.addi %mul3A_156, %add3A_1692 : vector<16xi32>
    %gather3A_1694 = tpu.vector_load_idx %arg11[%add3A_1693] : memref<6144xf32, #tpu.memory_space<vmem>>[vector<16xi32>], vector<16xf32>,
    %add3A_1695 = arith.addf %add3A_1690, %gather3A_1694 : vector<16xf32>
    %add3A_1696 = arith.constant 4621 : i32
    %add3A_1697 = vector.broadcast %add3A_1696 : i32 to vector<16xi32>
    %add3A_1698 = arith.addi %mul3A_156, %add3A_1697 : vector<16xi32>
    %gather3A_1699 = tpu.vector_load_idx %arg11[%add3A_1698] : memref<6144xf32, #tpu.memory_space<vmem>>[vector<16xi32>], vector<16xf32>,
    %add3A_1700 = arith.addf %add3A_1695, %gather3A_1699 : vector<16xf32>
    %add3A_1701 = arith.constant 4622 : i32
    %add3A_1702 = vector.broadcast %add3A_1701 : i32 to vector<16xi32>
    %add3A_1703 = arith.addi %mul3A_156, %add3A_1702 : vector<16xi32>
    %gather3A_1704 = tpu.vector_load_idx %arg11[%add3A_1703] : memref<6144xf32, #tpu.memory_space<vmem>>[vector<16xi32>], vector<16xf32>,
    %add3A_1705 = arith.addf %add3A_1700, %gather3A_1704 : vector<16xf32>
    %add3A_1706 = arith.constant 4623 : i32
    %add3A_1707 = vector.broadcast %add3A_1706 : i32 to vector<16xi32>
    %add3A_1708 = arith.addi %mul3A_156, %add3A_1707 : vector<16xi32>
    %gather3A_1709 = tpu.vector_load_idx %arg11[%add3A_1708] : memref<6144xf32, #tpu.memory_space<vmem>>[vector<16xi32>], vector<16xf32>,
    %add3A_1710 = arith.addf %add3A_1705, %gather3A_1709 : vector<16xf32>
    %swap3A_1711 = arith.constant 288 : index
    %swap3A_1712 = tpu.vector_load %arg12[%swap3A_1711] {strides = array<i32>} : memref<512xf32, #tpu.memory_space<vmem>>, vector<16xf32>,
    tpu.vector_store %arg12[%swap3A_1711], %add3A_1710 {strides = array<i32>} : memref<512xf32, #tpu.memory_space<vmem>>, vector<16xf32>,
    %add3A_1713 = arith.constant 4864 : i32
    %add3A_1714 = vector.broadcast %add3A_1713 : i32 to vector<16xi32>
    %add3A_1715 = arith.addi %mul3A_156, %add3A_1714 : vector<16xi32>
    %gather3A_1716 = tpu.vector_load_idx %arg11[%add3A_1715] : memref<6144xf32, #tpu.memory_space<vmem>>[vector<16xi32>], vector<16xf32>,
    %add3A_1717 = arith.addf %broadcast_in_dim3A_80, %gather3A_1716 : vector<16xf32>
    %add3A_1718 = arith.constant 4865 : i32
    %add3A_1719 = vector.broadcast %add3A_1718 : i32 to vector<16xi32>
    %add3A_1720 = arith.addi %mul3A_156, %add3A_1719 : vector<16xi32>
    %gather3A_1721 = tpu.vector_load_idx %arg11[%add3A_1720] : memref<6144xf32, #tpu.memory_space<vmem>>[vector<16xi32>], vector<16xf32>,
    %add3A_1722 = arith.addf %add3A_1717, %gather3A_1721 : vector<16xf32>
    %add3A_1723 = arith.constant 4866 : i32
    %add3A_1724 = vector.broadcast %add3A_1723 : i32 to vector<16xi32>
    %add3A_1725 = arith.addi %mul3A_156, %add3A_1724 : vector<16xi32>
    %gather3A_1726 = tpu.vector_load_idx %arg11[%add3A_1725] : memref<6144xf32, #tpu.memory_space<vmem>>[vector<16xi32>], vector<16xf32>,
    %add3A_1727 = arith.addf %add3A_1722, %gather3A_1726 : vector<16xf32>
    %add3A_1728 = arith.constant 4867 : i32
    %add3A_1729 = vector.broadcast %add3A_1728 : i32 to vector<16xi32>
    %add3A_1730 = arith.addi %mul3A_156, %add3A_1729 : vector<16xi32>
    %gather3A_1731 = tpu.vector_load_idx %arg11[%add3A_1730] : memref<6144xf32, #tpu.memory_space<vmem>>[vector<16xi32>], vector<16xf32>,
    %add3A_1732 = arith.addf %add3A_1727, %gather3A_1731 : vector<16xf32>
    %add3A_1733 = arith.constant 4868 : i32
    %add3A_1734 = vector.broadcast %add3A_1733 : i32 to vector<16xi32>
    %add3A_1735 = arith.addi %mul3A_156, %add3A_1734 : vector<16xi32>
    %gather3A_1736 = tpu.vector_load_idx %arg11[%add3A_1735] : memref<6144xf32, #tpu.memory_space<vmem>>[vector<16xi32>], vector<16xf32>,
    %add3A_1737 = arith.addf %add3A_1732, %gather3A_1736 : vector<16xf32>
    %add3A_1738 = arith.constant 4869 : i32
    %add3A_1739 = vector.broadcast %add3A_1738 : i32 to vector<16xi32>
    %add3A_1740 = arith.addi %mul3A_156, %add3A_1739 : vector<16xi32>
    %gather3A_1741 = tpu.vector_load_idx %arg11[%add3A_1740] : memref<6144xf32, #tpu.memory_space<vmem>>[vector<16xi32>], vector<16xf32>,
    %add3A_1742 = arith.addf %add3A_1737, %gather3A_1741 : vector<16xf32>
    %add3A_1743 = arith.constant 4870 : i32
    %add3A_1744 = vector.broadcast %add3A_1743 : i32 to vector<16xi32>
    %add3A_1745 = arith.addi %mul3A_156, %add3A_1744 : vector<16xi32>
    %gather3A_1746 = tpu.vector_load_idx %arg11[%add3A_1745] : memref<6144xf32, #tpu.memory_space<vmem>>[vector<16xi32>], vector<16xf32>,
    %add3A_1747 = arith.addf %add3A_1742, %gather3A_1746 : vector<16xf32>
    %add3A_1748 = arith.constant 4871 : i32
    %add3A_1749 = vector.broadcast %add3A_1748 : i32 to vector<16xi32>
    %add3A_1750 = arith.addi %mul3A_156, %add3A_1749 : vector<16xi32>
    %gather3A_1751 = tpu.vector_load_idx %arg11[%add3A_1750] : memref<6144xf32, #tpu.memory_space<vmem>>[vector<16xi32>], vector<16xf32>,
    %add3A_1752 = arith.addf %add3A_1747, %gather3A_1751 : vector<16xf32>
    %add3A_1753 = arith.constant 4872 : i32
    %add3A_1754 = vector.broadcast %add3A_1753 : i32 to vector<16xi32>
    %add3A_1755 = arith.addi %mul3A_156, %add3A_1754 : vector<16xi32>
    %gather3A_1756 = tpu.vector_load_idx %arg11[%add3A_1755] : memref<6144xf32, #tpu.memory_space<vmem>>[vector<16xi32>], vector<16xf32>,
    %add3A_1757 = arith.addf %add3A_1752, %gather3A_1756 : vector<16xf32>
    %add3A_1758 = arith.constant 4873 : i32
    %add3A_1759 = vector.broadcast %add3A_1758 : i32 to vector<16xi32>
    %add3A_1760 = arith.addi %mul3A_156, %add3A_1759 : vector<16xi32>
    %gather3A_1761 = tpu.vector_load_idx %arg11[%add3A_1760] : memref<6144xf32, #tpu.memory_space<vmem>>[vector<16xi32>], vector<16xf32>,
    %add3A_1762 = arith.addf %add3A_1757, %gather3A_1761 : vector<16xf32>
    %add3A_1763 = arith.constant 4874 : i32
    %add3A_1764 = vector.broadcast %add3A_1763 : i32 to vector<16xi32>
    %add3A_1765 = arith.addi %mul3A_156, %add3A_1764 : vector<16xi32>
    %gather3A_1766 = tpu.vector_load_idx %arg11[%add3A_1765] : memref<6144xf32, #tpu.memory_space<vmem>>[vector<16xi32>], vector<16xf32>,
    %add3A_1767 = arith.addf %add3A_1762, %gather3A_1766 : vector<16xf32>
    %add3A_1768 = arith.constant 4875 : i32
    %add3A_1769 = vector.broadcast %add3A_1768 : i32 to vector<16xi32>
    %add3A_1770 = arith.addi %mul3A_156, %add3A_1769 : vector<16xi32>
    %gather3A_1771 = tpu.vector_load_idx %arg11[%add3A_1770] : memref<6144xf32, #tpu.memory_space<vmem>>[vector<16xi32>], vector<16xf32>,
    %add3A_1772 = arith.addf %add3A_1767, %gather3A_1771 : vector<16xf32>
    %add3A_1773 = arith.constant 4876 : i32
    %add3A_1774 = vector.broadcast %add3A_1773 : i32 to vector<16xi32>
    %add3A_1775 = arith.addi %mul3A_156, %add3A_1774 : vector<16xi32>
    %gather3A_1776 = tpu.vector_load_idx %arg11[%add3A_1775] : memref<6144xf32, #tpu.memory_space<vmem>>[vector<16xi32>], vector<16xf32>,
    %add3A_1777 = arith.addf %add3A_1772, %gather3A_1776 : vector<16xf32>
    %add3A_1778 = arith.constant 4877 : i32
    %add3A_1779 = vector.broadcast %add3A_1778 : i32 to vector<16xi32>
    %add3A_1780 = arith.addi %mul3A_156, %add3A_1779 : vector<16xi32>
    %gather3A_1781 = tpu.vector_load_idx %arg11[%add3A_1780] : memref<6144xf32, #tpu.memory_space<vmem>>[vector<16xi32>], vector<16xf32>,
    %add3A_1782 = arith.addf %add3A_1777, %gather3A_1781 : vector<16xf32>
    %add3A_1783 = arith.constant 4878 : i32
    %add3A_1784 = vector.broadcast %add3A_1783 : i32 to vector<16xi32>
    %add3A_1785 = arith.addi %mul3A_156, %add3A_1784 : vector<16xi32>
    %gather3A_1786 = tpu.vector_load_idx %arg11[%add3A_1785] : memref<6144xf32, #tpu.memory_space<vmem>>[vector<16xi32>], vector<16xf32>,
    %add3A_1787 = arith.addf %add3A_1782, %gather3A_1786 : vector<16xf32>
    %add3A_1788 = arith.constant 4879 : i32
    %add3A_1789 = vector.broadcast %add3A_1788 : i32 to vector<16xi32>
    %add3A_1790 = arith.addi %mul3A_156, %add3A_1789 : vector<16xi32>
    %gather3A_1791 = tpu.vector_load_idx %arg11[%add3A_1790] : memref<6144xf32, #tpu.memory_space<vmem>>[vector<16xi32>], vector<16xf32>,
    %add3A_1792 = arith.addf %add3A_1787, %gather3A_1791 : vector<16xf32>
    %swap3A_1793 = arith.constant 304 : index
    %swap3A_1794 = tpu.vector_load %arg12[%swap3A_1793] {strides = array<i32>} : memref<512xf32, #tpu.memory_space<vmem>>, vector<16xf32>,
    tpu.vector_store %arg12[%swap3A_1793], %add3A_1792 {strides = array<i32>} : memref<512xf32, #tpu.memory_space<vmem>>, vector<16xf32>,
    %add3A_1795 = arith.constant 5120 : i32
    %add3A_1796 = vector.broadcast %add3A_1795 : i32 to vector<16xi32>
    %add3A_1797 = arith.addi %mul3A_156, %add3A_1796 : vector<16xi32>
    %gather3A_1798 = tpu.vector_load_idx %arg11[%add3A_1797] : memref<6144xf32, #tpu.memory_space<vmem>>[vector<16xi32>], vector<16xf32>,
    %add3A_1799 = arith.addf %broadcast_in_dim3A_80, %gather3A_1798 : vector<16xf32>
    %add3A_1800 = arith.constant 5121 : i32
    %add3A_1801 = vector.broadcast %add3A_1800 : i32 to vector<16xi32>
    %add3A_1802 = arith.addi %mul3A_156, %add3A_1801 : vector<16xi32>
    %gather3A_1803 = tpu.vector_load_idx %arg11[%add3A_1802] : memref<6144xf32, #tpu.memory_space<vmem>>[vector<16xi32>], vector<16xf32>,
    %add3A_1804 = arith.addf %add3A_1799, %gather3A_1803 : vector<16xf32>
    %add3A_1805 = arith.constant 5122 : i32
    %add3A_1806 = vector.broadcast %add3A_1805 : i32 to vector<16xi32>
    %add3A_1807 = arith.addi %mul3A_156, %add3A_1806 : vector<16xi32>
    %gather3A_1808 = tpu.vector_load_idx %arg11[%add3A_1807] : memref<6144xf32, #tpu.memory_space<vmem>>[vector<16xi32>], vector<16xf32>,
    %add3A_1809 = arith.addf %add3A_1804, %gather3A_1808 : vector<16xf32>
    %add3A_1810 = arith.constant 5123 : i32
    %add3A_1811 = vector.broadcast %add3A_1810 : i32 to vector<16xi32>
    %add3A_1812 = arith.addi %mul3A_156, %add3A_1811 : vector<16xi32>
    %gather3A_1813 = tpu.vector_load_idx %arg11[%add3A_1812] : memref<6144xf32, #tpu.memory_space<vmem>>[vector<16xi32>], vector<16xf32>,
    %add3A_1814 = arith.addf %add3A_1809, %gather3A_1813 : vector<16xf32>
    %add3A_1815 = arith.constant 5124 : i32
    %add3A_1816 = vector.broadcast %add3A_1815 : i32 to vector<16xi32>
    %add3A_1817 = arith.addi %mul3A_156, %add3A_1816 : vector<16xi32>
    %gather3A_1818 = tpu.vector_load_idx %arg11[%add3A_1817] : memref<6144xf32, #tpu.memory_space<vmem>>[vector<16xi32>], vector<16xf32>,
    %add3A_1819 = arith.addf %add3A_1814, %gather3A_1818 : vector<16xf32>
    %add3A_1820 = arith.constant 5125 : i32
    %add3A_1821 = vector.broadcast %add3A_1820 : i32 to vector<16xi32>
    %add3A_1822 = arith.addi %mul3A_156, %add3A_1821 : vector<16xi32>
    %gather3A_1823 = tpu.vector_load_idx %arg11[%add3A_1822] : memref<6144xf32, #tpu.memory_space<vmem>>[vector<16xi32>], vector<16xf32>,
    %add3A_1824 = arith.addf %add3A_1819, %gather3A_1823 : vector<16xf32>
    %add3A_1825 = arith.constant 5126 : i32
    %add3A_1826 = vector.broadcast %add3A_1825 : i32 to vector<16xi32>
    %add3A_1827 = arith.addi %mul3A_156, %add3A_1826 : vector<16xi32>
    %gather3A_1828 = tpu.vector_load_idx %arg11[%add3A_1827] : memref<6144xf32, #tpu.memory_space<vmem>>[vector<16xi32>], vector<16xf32>,
    %add3A_1829 = arith.addf %add3A_1824, %gather3A_1828 : vector<16xf32>
    %add3A_1830 = arith.constant 5127 : i32
    %add3A_1831 = vector.broadcast %add3A_1830 : i32 to vector<16xi32>
    %add3A_1832 = arith.addi %mul3A_156, %add3A_1831 : vector<16xi32>
    %gather3A_1833 = tpu.vector_load_idx %arg11[%add3A_1832] : memref<6144xf32, #tpu.memory_space<vmem>>[vector<16xi32>], vector<16xf32>,
    %add3A_1834 = arith.addf %add3A_1829, %gather3A_1833 : vector<16xf32>
    %add3A_1835 = arith.constant 5128 : i32
    %add3A_1836 = vector.broadcast %add3A_1835 : i32 to vector<16xi32>
    %add3A_1837 = arith.addi %mul3A_156, %add3A_1836 : vector<16xi32>
    %gather3A_1838 = tpu.vector_load_idx %arg11[%add3A_1837] : memref<6144xf32, #tpu.memory_space<vmem>>[vector<16xi32>], vector<16xf32>,
    %add3A_1839 = arith.addf %add3A_1834, %gather3A_1838 : vector<16xf32>
    %add3A_1840 = arith.constant 5129 : i32
    %add3A_1841 = vector.broadcast %add3A_1840 : i32 to vector<16xi32>
    %add3A_1842 = arith.addi %mul3A_156, %add3A_1841 : vector<16xi32>
    %gather3A_1843 = tpu.vector_load_idx %arg11[%add3A_1842] : memref<6144xf32, #tpu.memory_space<vmem>>[vector<16xi32>], vector<16xf32>,
    %add3A_1844 = arith.addf %add3A_1839, %gather3A_1843 : vector<16xf32>
    %add3A_1845 = arith.constant 5130 : i32
    %add3A_1846 = vector.broadcast %add3A_1845 : i32 to vector<16xi32>
    %add3A_1847 = arith.addi %mul3A_156, %add3A_1846 : vector<16xi32>
    %gather3A_1848 = tpu.vector_load_idx %arg11[%add3A_1847] : memref<6144xf32, #tpu.memory_space<vmem>>[vector<16xi32>], vector<16xf32>,
    %add3A_1849 = arith.addf %add3A_1844, %gather3A_1848 : vector<16xf32>
    %add3A_1850 = arith.constant 5131 : i32
    %add3A_1851 = vector.broadcast %add3A_1850 : i32 to vector<16xi32>
    %add3A_1852 = arith.addi %mul3A_156, %add3A_1851 : vector<16xi32>
    %gather3A_1853 = tpu.vector_load_idx %arg11[%add3A_1852] : memref<6144xf32, #tpu.memory_space<vmem>>[vector<16xi32>], vector<16xf32>,
    %add3A_1854 = arith.addf %add3A_1849, %gather3A_1853 : vector<16xf32>
    %add3A_1855 = arith.constant 5132 : i32
    %add3A_1856 = vector.broadcast %add3A_1855 : i32 to vector<16xi32>
    %add3A_1857 = arith.addi %mul3A_156, %add3A_1856 : vector<16xi32>
    %gather3A_1858 = tpu.vector_load_idx %arg11[%add3A_1857] : memref<6144xf32, #tpu.memory_space<vmem>>[vector<16xi32>], vector<16xf32>,
    %add3A_1859 = arith.addf %add3A_1854, %gather3A_1858 : vector<16xf32>
    %add3A_1860 = arith.constant 5133 : i32
    %add3A_1861 = vector.broadcast %add3A_1860 : i32 to vector<16xi32>
    %add3A_1862 = arith.addi %mul3A_156, %add3A_1861 : vector<16xi32>
    %gather3A_1863 = tpu.vector_load_idx %arg11[%add3A_1862] : memref<6144xf32, #tpu.memory_space<vmem>>[vector<16xi32>], vector<16xf32>,
    %add3A_1864 = arith.addf %add3A_1859, %gather3A_1863 : vector<16xf32>
    %add3A_1865 = arith.constant 5134 : i32
    %add3A_1866 = vector.broadcast %add3A_1865 : i32 to vector<16xi32>
    %add3A_1867 = arith.addi %mul3A_156, %add3A_1866 : vector<16xi32>
    %gather3A_1868 = tpu.vector_load_idx %arg11[%add3A_1867] : memref<6144xf32, #tpu.memory_space<vmem>>[vector<16xi32>], vector<16xf32>,
    %add3A_1869 = arith.addf %add3A_1864, %gather3A_1868 : vector<16xf32>
    %add3A_1870 = arith.constant 5135 : i32
    %add3A_1871 = vector.broadcast %add3A_1870 : i32 to vector<16xi32>
    %add3A_1872 = arith.addi %mul3A_156, %add3A_1871 : vector<16xi32>
    %gather3A_1873 = tpu.vector_load_idx %arg11[%add3A_1872] : memref<6144xf32, #tpu.memory_space<vmem>>[vector<16xi32>], vector<16xf32>,
    %add3A_1874 = arith.addf %add3A_1869, %gather3A_1873 : vector<16xf32>
    %swap3A_1875 = arith.constant 320 : index
    %swap3A_1876 = tpu.vector_load %arg12[%swap3A_1875] {strides = array<i32>} : memref<512xf32, #tpu.memory_space<vmem>>, vector<16xf32>,
    tpu.vector_store %arg12[%swap3A_1875], %add3A_1874 {strides = array<i32>} : memref<512xf32, #tpu.memory_space<vmem>>, vector<16xf32>,
    %add3A_1877 = arith.constant 5376 : i32
    %add3A_1878 = vector.broadcast %add3A_1877 : i32 to vector<16xi32>
    %add3A_1879 = arith.addi %mul3A_156, %add3A_1878 : vector<16xi32>
    %gather3A_1880 = tpu.vector_load_idx %arg11[%add3A_1879] : memref<6144xf32, #tpu.memory_space<vmem>>[vector<16xi32>], vector<16xf32>,
    %add3A_1881 = arith.addf %broadcast_in_dim3A_80, %gather3A_1880 : vector<16xf32>
    %add3A_1882 = arith.constant 5377 : i32
    %add3A_1883 = vector.broadcast %add3A_1882 : i32 to vector<16xi32>
    %add3A_1884 = arith.addi %mul3A_156, %add3A_1883 : vector<16xi32>
    %gather3A_1885 = tpu.vector_load_idx %arg11[%add3A_1884] : memref<6144xf32, #tpu.memory_space<vmem>>[vector<16xi32>], vector<16xf32>,
    %add3A_1886 = arith.addf %add3A_1881, %gather3A_1885 : vector<16xf32>
    %add3A_1887 = arith.constant 5378 : i32
    %add3A_1888 = vector.broadcast %add3A_1887 : i32 to vector<16xi32>
    %add3A_1889 = arith.addi %mul3A_156, %add3A_1888 : vector<16xi32>
    %gather3A_1890 = tpu.vector_load_idx %arg11[%add3A_1889] : memref<6144xf32, #tpu.memory_space<vmem>>[vector<16xi32>], vector<16xf32>,
    %add3A_1891 = arith.addf %add3A_1886, %gather3A_1890 : vector<16xf32>
    %add3A_1892 = arith.constant 5379 : i32
    %add3A_1893 = vector.broadcast %add3A_1892 : i32 to vector<16xi32>
    %add3A_1894 = arith.addi %mul3A_156, %add3A_1893 : vector<16xi32>
    %gather3A_1895 = tpu.vector_load_idx %arg11[%add3A_1894] : memref<6144xf32, #tpu.memory_space<vmem>>[vector<16xi32>], vector<16xf32>,
    %add3A_1896 = arith.addf %add3A_1891, %gather3A_1895 : vector<16xf32>
    %add3A_1897 = arith.constant 5380 : i32
    %add3A_1898 = vector.broadcast %add3A_1897 : i32 to vector<16xi32>
    %add3A_1899 = arith.addi %mul3A_156, %add3A_1898 : vector<16xi32>
    %gather3A_1900 = tpu.vector_load_idx %arg11[%add3A_1899] : memref<6144xf32, #tpu.memory_space<vmem>>[vector<16xi32>], vector<16xf32>,
    %add3A_1901 = arith.addf %add3A_1896, %gather3A_1900 : vector<16xf32>
    %add3A_1902 = arith.constant 5381 : i32
    %add3A_1903 = vector.broadcast %add3A_1902 : i32 to vector<16xi32>
    %add3A_1904 = arith.addi %mul3A_156, %add3A_1903 : vector<16xi32>
    %gather3A_1905 = tpu.vector_load_idx %arg11[%add3A_1904] : memref<6144xf32, #tpu.memory_space<vmem>>[vector<16xi32>], vector<16xf32>,
    %add3A_1906 = arith.addf %add3A_1901, %gather3A_1905 : vector<16xf32>
    %add3A_1907 = arith.constant 5382 : i32
    %add3A_1908 = vector.broadcast %add3A_1907 : i32 to vector<16xi32>
    %add3A_1909 = arith.addi %mul3A_156, %add3A_1908 : vector<16xi32>
    %gather3A_1910 = tpu.vector_load_idx %arg11[%add3A_1909] : memref<6144xf32, #tpu.memory_space<vmem>>[vector<16xi32>], vector<16xf32>,
    %add3A_1911 = arith.addf %add3A_1906, %gather3A_1910 : vector<16xf32>
    %add3A_1912 = arith.constant 5383 : i32
    %add3A_1913 = vector.broadcast %add3A_1912 : i32 to vector<16xi32>
    %add3A_1914 = arith.addi %mul3A_156, %add3A_1913 : vector<16xi32>
    %gather3A_1915 = tpu.vector_load_idx %arg11[%add3A_1914] : memref<6144xf32, #tpu.memory_space<vmem>>[vector<16xi32>], vector<16xf32>,
    %add3A_1916 = arith.addf %add3A_1911, %gather3A_1915 : vector<16xf32>
    %add3A_1917 = arith.constant 5384 : i32
    %add3A_1918 = vector.broadcast %add3A_1917 : i32 to vector<16xi32>
    %add3A_1919 = arith.addi %mul3A_156, %add3A_1918 : vector<16xi32>
    %gather3A_1920 = tpu.vector_load_idx %arg11[%add3A_1919] : memref<6144xf32, #tpu.memory_space<vmem>>[vector<16xi32>], vector<16xf32>,
    %add3A_1921 = arith.addf %add3A_1916, %gather3A_1920 : vector<16xf32>
    %add3A_1922 = arith.constant 5385 : i32
    %add3A_1923 = vector.broadcast %add3A_1922 : i32 to vector<16xi32>
    %add3A_1924 = arith.addi %mul3A_156, %add3A_1923 : vector<16xi32>
    %gather3A_1925 = tpu.vector_load_idx %arg11[%add3A_1924] : memref<6144xf32, #tpu.memory_space<vmem>>[vector<16xi32>], vector<16xf32>,
    %add3A_1926 = arith.addf %add3A_1921, %gather3A_1925 : vector<16xf32>
    %add3A_1927 = arith.constant 5386 : i32
    %add3A_1928 = vector.broadcast %add3A_1927 : i32 to vector<16xi32>
    %add3A_1929 = arith.addi %mul3A_156, %add3A_1928 : vector<16xi32>
    %gather3A_1930 = tpu.vector_load_idx %arg11[%add3A_1929] : memref<6144xf32, #tpu.memory_space<vmem>>[vector<16xi32>], vector<16xf32>,
    %add3A_1931 = arith.addf %add3A_1926, %gather3A_1930 : vector<16xf32>
    %add3A_1932 = arith.constant 5387 : i32
    %add3A_1933 = vector.broadcast %add3A_1932 : i32 to vector<16xi32>
    %add3A_1934 = arith.addi %mul3A_156, %add3A_1933 : vector<16xi32>
    %gather3A_1935 = tpu.vector_load_idx %arg11[%add3A_1934] : memref<6144xf32, #tpu.memory_space<vmem>>[vector<16xi32>], vector<16xf32>,
    %add3A_1936 = arith.addf %add3A_1931, %gather3A_1935 : vector<16xf32>
    %add3A_1937 = arith.constant 5388 : i32
    %add3A_1938 = vector.broadcast %add3A_1937 : i32 to vector<16xi32>
    %add3A_1939 = arith.addi %mul3A_156, %add3A_1938 : vector<16xi32>
    %gather3A_1940 = tpu.vector_load_idx %arg11[%add3A_1939] : memref<6144xf32, #tpu.memory_space<vmem>>[vector<16xi32>], vector<16xf32>,
    %add3A_1941 = arith.addf %add3A_1936, %gather3A_1940 : vector<16xf32>
    %add3A_1942 = arith.constant 5389 : i32
    %add3A_1943 = vector.broadcast %add3A_1942 : i32 to vector<16xi32>
    %add3A_1944 = arith.addi %mul3A_156, %add3A_1943 : vector<16xi32>
    %gather3A_1945 = tpu.vector_load_idx %arg11[%add3A_1944] : memref<6144xf32, #tpu.memory_space<vmem>>[vector<16xi32>], vector<16xf32>,
    %add3A_1946 = arith.addf %add3A_1941, %gather3A_1945 : vector<16xf32>
    %add3A_1947 = arith.constant 5390 : i32
    %add3A_1948 = vector.broadcast %add3A_1947 : i32 to vector<16xi32>
    %add3A_1949 = arith.addi %mul3A_156, %add3A_1948 : vector<16xi32>
    %gather3A_1950 = tpu.vector_load_idx %arg11[%add3A_1949] : memref<6144xf32, #tpu.memory_space<vmem>>[vector<16xi32>], vector<16xf32>,
    %add3A_1951 = arith.addf %add3A_1946, %gather3A_1950 : vector<16xf32>
    %add3A_1952 = arith.constant 5391 : i32
    %add3A_1953 = vector.broadcast %add3A_1952 : i32 to vector<16xi32>
    %add3A_1954 = arith.addi %mul3A_156, %add3A_1953 : vector<16xi32>
    %gather3A_1955 = tpu.vector_load_idx %arg11[%add3A_1954] : memref<6144xf32, #tpu.memory_space<vmem>>[vector<16xi32>], vector<16xf32>,
    %add3A_1956 = arith.addf %add3A_1951, %gather3A_1955 : vector<16xf32>
    %swap3A_1957 = arith.constant 336 : index
    %swap3A_1958 = tpu.vector_load %arg12[%swap3A_1957] {strides = array<i32>} : memref<512xf32, #tpu.memory_space<vmem>>, vector<16xf32>,
    tpu.vector_store %arg12[%swap3A_1957], %add3A_1956 {strides = array<i32>} : memref<512xf32, #tpu.memory_space<vmem>>, vector<16xf32>,
    %add3A_1959 = arith.constant 5632 : i32
    %add3A_1960 = vector.broadcast %add3A_1959 : i32 to vector<16xi32>
    %add3A_1961 = arith.addi %mul3A_156, %add3A_1960 : vector<16xi32>
    %gather3A_1962 = tpu.vector_load_idx %arg11[%add3A_1961] : memref<6144xf32, #tpu.memory_space<vmem>>[vector<16xi32>], vector<16xf32>,
    %add3A_1963 = arith.addf %broadcast_in_dim3A_80, %gather3A_1962 : vector<16xf32>
    %add3A_1964 = arith.constant 5633 : i32
    %add3A_1965 = vector.broadcast %add3A_1964 : i32 to vector<16xi32>
    %add3A_1966 = arith.addi %mul3A_156, %add3A_1965 : vector<16xi32>
    %gather3A_1967 = tpu.vector_load_idx %arg11[%add3A_1966] : memref<6144xf32, #tpu.memory_space<vmem>>[vector<16xi32>], vector<16xf32>,
    %add3A_1968 = arith.addf %add3A_1963, %gather3A_1967 : vector<16xf32>
    %add3A_1969 = arith.constant 5634 : i32
    %add3A_1970 = vector.broadcast %add3A_1969 : i32 to vector<16xi32>
    %add3A_1971 = arith.addi %mul3A_156, %add3A_1970 : vector<16xi32>
    %gather3A_1972 = tpu.vector_load_idx %arg11[%add3A_1971] : memref<6144xf32, #tpu.memory_space<vmem>>[vector<16xi32>], vector<16xf32>,
    %add3A_1973 = arith.addf %add3A_1968, %gather3A_1972 : vector<16xf32>
    %add3A_1974 = arith.constant 5635 : i32
    %add3A_1975 = vector.broadcast %add3A_1974 : i32 to vector<16xi32>
    %add3A_1976 = arith.addi %mul3A_156, %add3A_1975 : vector<16xi32>
    %gather3A_1977 = tpu.vector_load_idx %arg11[%add3A_1976] : memref<6144xf32, #tpu.memory_space<vmem>>[vector<16xi32>], vector<16xf32>,
    %add3A_1978 = arith.addf %add3A_1973, %gather3A_1977 : vector<16xf32>
    %add3A_1979 = arith.constant 5636 : i32
    %add3A_1980 = vector.broadcast %add3A_1979 : i32 to vector<16xi32>
    %add3A_1981 = arith.addi %mul3A_156, %add3A_1980 : vector<16xi32>
    %gather3A_1982 = tpu.vector_load_idx %arg11[%add3A_1981] : memref<6144xf32, #tpu.memory_space<vmem>>[vector<16xi32>], vector<16xf32>,
    %add3A_1983 = arith.addf %add3A_1978, %gather3A_1982 : vector<16xf32>
    %add3A_1984 = arith.constant 5637 : i32
    %add3A_1985 = vector.broadcast %add3A_1984 : i32 to vector<16xi32>
    %add3A_1986 = arith.addi %mul3A_156, %add3A_1985 : vector<16xi32>
    %gather3A_1987 = tpu.vector_load_idx %arg11[%add3A_1986] : memref<6144xf32, #tpu.memory_space<vmem>>[vector<16xi32>], vector<16xf32>,
    %add3A_1988 = arith.addf %add3A_1983, %gather3A_1987 : vector<16xf32>
    %add3A_1989 = arith.constant 5638 : i32
    %add3A_1990 = vector.broadcast %add3A_1989 : i32 to vector<16xi32>
    %add3A_1991 = arith.addi %mul3A_156, %add3A_1990 : vector<16xi32>
    %gather3A_1992 = tpu.vector_load_idx %arg11[%add3A_1991] : memref<6144xf32, #tpu.memory_space<vmem>>[vector<16xi32>], vector<16xf32>,
    %add3A_1993 = arith.addf %add3A_1988, %gather3A_1992 : vector<16xf32>
    %add3A_1994 = arith.constant 5639 : i32
    %add3A_1995 = vector.broadcast %add3A_1994 : i32 to vector<16xi32>
    %add3A_1996 = arith.addi %mul3A_156, %add3A_1995 : vector<16xi32>
    %gather3A_1997 = tpu.vector_load_idx %arg11[%add3A_1996] : memref<6144xf32, #tpu.memory_space<vmem>>[vector<16xi32>], vector<16xf32>,
    %add3A_1998 = arith.addf %add3A_1993, %gather3A_1997 : vector<16xf32>
    %add3A_1999 = arith.constant 5640 : i32
    %add3A_2000 = vector.broadcast %add3A_1999 : i32 to vector<16xi32>
    %add3A_2001 = arith.addi %mul3A_156, %add3A_2000 : vector<16xi32>
    %gather3A_2002 = tpu.vector_load_idx %arg11[%add3A_2001] : memref<6144xf32, #tpu.memory_space<vmem>>[vector<16xi32>], vector<16xf32>,
    %add3A_2003 = arith.addf %add3A_1998, %gather3A_2002 : vector<16xf32>
    %add3A_2004 = arith.constant 5641 : i32
    %add3A_2005 = vector.broadcast %add3A_2004 : i32 to vector<16xi32>
    %add3A_2006 = arith.addi %mul3A_156, %add3A_2005 : vector<16xi32>
    %gather3A_2007 = tpu.vector_load_idx %arg11[%add3A_2006] : memref<6144xf32, #tpu.memory_space<vmem>>[vector<16xi32>], vector<16xf32>,
    %add3A_2008 = arith.addf %add3A_2003, %gather3A_2007 : vector<16xf32>
    %add3A_2009 = arith.constant 5642 : i32
    %add3A_2010 = vector.broadcast %add3A_2009 : i32 to vector<16xi32>
    %add3A_2011 = arith.addi %mul3A_156, %add3A_2010 : vector<16xi32>
    %gather3A_2012 = tpu.vector_load_idx %arg11[%add3A_2011] : memref<6144xf32, #tpu.memory_space<vmem>>[vector<16xi32>], vector<16xf32>,
    %add3A_2013 = arith.addf %add3A_2008, %gather3A_2012 : vector<16xf32>
    %add3A_2014 = arith.constant 5643 : i32
    %add3A_2015 = vector.broadcast %add3A_2014 : i32 to vector<16xi32>
    %add3A_2016 = arith.addi %mul3A_156, %add3A_2015 : vector<16xi32>
    %gather3A_2017 = tpu.vector_load_idx %arg11[%add3A_2016] : memref<6144xf32, #tpu.memory_space<vmem>>[vector<16xi32>], vector<16xf32>,
    %add3A_2018 = arith.addf %add3A_2013, %gather3A_2017 : vector<16xf32>
    %add3A_2019 = arith.constant 5644 : i32
    %add3A_2020 = vector.broadcast %add3A_2019 : i32 to vector<16xi32>
    %add3A_2021 = arith.addi %mul3A_156, %add3A_2020 : vector<16xi32>
    %gather3A_2022 = tpu.vector_load_idx %arg11[%add3A_2021] : memref<6144xf32, #tpu.memory_space<vmem>>[vector<16xi32>], vector<16xf32>,
    %add3A_2023 = arith.addf %add3A_2018, %gather3A_2022 : vector<16xf32>
    %add3A_2024 = arith.constant 5645 : i32
    %add3A_2025 = vector.broadcast %add3A_2024 : i32 to vector<16xi32>
    %add3A_2026 = arith.addi %mul3A_156, %add3A_2025 : vector<16xi32>
    %gather3A_2027 = tpu.vector_load_idx %arg11[%add3A_2026] : memref<6144xf32, #tpu.memory_space<vmem>>[vector<16xi32>], vector<16xf32>,
    %add3A_2028 = arith.addf %add3A_2023, %gather3A_2027 : vector<16xf32>
    %add3A_2029 = arith.constant 5646 : i32
    %add3A_2030 = vector.broadcast %add3A_2029 : i32 to vector<16xi32>
    %add3A_2031 = arith.addi %mul3A_156, %add3A_2030 : vector<16xi32>
    %gather3A_2032 = tpu.vector_load_idx %arg11[%add3A_2031] : memref<6144xf32, #tpu.memory_space<vmem>>[vector<16xi32>], vector<16xf32>,
    %add3A_2033 = arith.addf %add3A_2028, %gather3A_2032 : vector<16xf32>
    %add3A_2034 = arith.constant 5647 : i32
    %add3A_2035 = vector.broadcast %add3A_2034 : i32 to vector<16xi32>
    %add3A_2036 = arith.addi %mul3A_156, %add3A_2035 : vector<16xi32>
    %gather3A_2037 = tpu.vector_load_idx %arg11[%add3A_2036] : memref<6144xf32, #tpu.memory_space<vmem>>[vector<16xi32>], vector<16xf32>,
    %add3A_2038 = arith.addf %add3A_2033, %gather3A_2037 : vector<16xf32>
    %swap3A_2039 = arith.constant 352 : index
    %swap3A_2040 = tpu.vector_load %arg12[%swap3A_2039] {strides = array<i32>} : memref<512xf32, #tpu.memory_space<vmem>>, vector<16xf32>,
    tpu.vector_store %arg12[%swap3A_2039], %add3A_2038 {strides = array<i32>} : memref<512xf32, #tpu.memory_space<vmem>>, vector<16xf32>,
    %add3A_2041 = arith.constant 5888 : i32
    %add3A_2042 = vector.broadcast %add3A_2041 : i32 to vector<16xi32>
    %add3A_2043 = arith.addi %mul3A_156, %add3A_2042 : vector<16xi32>
    %gather3A_2044 = tpu.vector_load_idx %arg11[%add3A_2043] : memref<6144xf32, #tpu.memory_space<vmem>>[vector<16xi32>], vector<16xf32>,
    %add3A_2045 = arith.addf %broadcast_in_dim3A_80, %gather3A_2044 : vector<16xf32>
    %add3A_2046 = arith.constant 5889 : i32
    %add3A_2047 = vector.broadcast %add3A_2046 : i32 to vector<16xi32>
    %add3A_2048 = arith.addi %mul3A_156, %add3A_2047 : vector<16xi32>
    %gather3A_2049 = tpu.vector_load_idx %arg11[%add3A_2048] : memref<6144xf32, #tpu.memory_space<vmem>>[vector<16xi32>], vector<16xf32>,
    %add3A_2050 = arith.addf %add3A_2045, %gather3A_2049 : vector<16xf32>
    %add3A_2051 = arith.constant 5890 : i32
    %add3A_2052 = vector.broadcast %add3A_2051 : i32 to vector<16xi32>
    %add3A_2053 = arith.addi %mul3A_156, %add3A_2052 : vector<16xi32>
    %gather3A_2054 = tpu.vector_load_idx %arg11[%add3A_2053] : memref<6144xf32, #tpu.memory_space<vmem>>[vector<16xi32>], vector<16xf32>,
    %add3A_2055 = arith.addf %add3A_2050, %gather3A_2054 : vector<16xf32>
    %add3A_2056 = arith.constant 5891 : i32
    %add3A_2057 = vector.broadcast %add3A_2056 : i32 to vector<16xi32>
    %add3A_2058 = arith.addi %mul3A_156, %add3A_2057 : vector<16xi32>
    %gather3A_2059 = tpu.vector_load_idx %arg11[%add3A_2058] : memref<6144xf32, #tpu.memory_space<vmem>>[vector<16xi32>], vector<16xf32>,
    %add3A_2060 = arith.addf %add3A_2055, %gather3A_2059 : vector<16xf32>
    %add3A_2061 = arith.constant 5892 : i32
    %add3A_2062 = vector.broadcast %add3A_2061 : i32 to vector<16xi32>
    %add3A_2063 = arith.addi %mul3A_156, %add3A_2062 : vector<16xi32>
    %gather3A_2064 = tpu.vector_load_idx %arg11[%add3A_2063] : memref<6144xf32, #tpu.memory_space<vmem>>[vector<16xi32>], vector<16xf32>,
    %add3A_2065 = arith.addf %add3A_2060, %gather3A_2064 : vector<16xf32>
    %add3A_2066 = arith.constant 5893 : i32
    %add3A_2067 = vector.broadcast %add3A_2066 : i32 to vector<16xi32>
    %add3A_2068 = arith.addi %mul3A_156, %add3A_2067 : vector<16xi32>
    %gather3A_2069 = tpu.vector_load_idx %arg11[%add3A_2068] : memref<6144xf32, #tpu.memory_space<vmem>>[vector<16xi32>], vector<16xf32>,
    %add3A_2070 = arith.addf %add3A_2065, %gather3A_2069 : vector<16xf32>
    %add3A_2071 = arith.constant 5894 : i32
    %add3A_2072 = vector.broadcast %add3A_2071 : i32 to vector<16xi32>
    %add3A_2073 = arith.addi %mul3A_156, %add3A_2072 : vector<16xi32>
    %gather3A_2074 = tpu.vector_load_idx %arg11[%add3A_2073] : memref<6144xf32, #tpu.memory_space<vmem>>[vector<16xi32>], vector<16xf32>,
    %add3A_2075 = arith.addf %add3A_2070, %gather3A_2074 : vector<16xf32>
    %add3A_2076 = arith.constant 5895 : i32
    %add3A_2077 = vector.broadcast %add3A_2076 : i32 to vector<16xi32>
    %add3A_2078 = arith.addi %mul3A_156, %add3A_2077 : vector<16xi32>
    %gather3A_2079 = tpu.vector_load_idx %arg11[%add3A_2078] : memref<6144xf32, #tpu.memory_space<vmem>>[vector<16xi32>], vector<16xf32>,
    %add3A_2080 = arith.addf %add3A_2075, %gather3A_2079 : vector<16xf32>
    %add3A_2081 = arith.constant 5896 : i32
    %add3A_2082 = vector.broadcast %add3A_2081 : i32 to vector<16xi32>
    %add3A_2083 = arith.addi %mul3A_156, %add3A_2082 : vector<16xi32>
    %gather3A_2084 = tpu.vector_load_idx %arg11[%add3A_2083] : memref<6144xf32, #tpu.memory_space<vmem>>[vector<16xi32>], vector<16xf32>,
    %add3A_2085 = arith.addf %add3A_2080, %gather3A_2084 : vector<16xf32>
    %add3A_2086 = arith.constant 5897 : i32
    %add3A_2087 = vector.broadcast %add3A_2086 : i32 to vector<16xi32>
    %add3A_2088 = arith.addi %mul3A_156, %add3A_2087 : vector<16xi32>
    %gather3A_2089 = tpu.vector_load_idx %arg11[%add3A_2088] : memref<6144xf32, #tpu.memory_space<vmem>>[vector<16xi32>], vector<16xf32>,
    %add3A_2090 = arith.addf %add3A_2085, %gather3A_2089 : vector<16xf32>
    %add3A_2091 = arith.constant 5898 : i32
    %add3A_2092 = vector.broadcast %add3A_2091 : i32 to vector<16xi32>
    %add3A_2093 = arith.addi %mul3A_156, %add3A_2092 : vector<16xi32>
    %gather3A_2094 = tpu.vector_load_idx %arg11[%add3A_2093] : memref<6144xf32, #tpu.memory_space<vmem>>[vector<16xi32>], vector<16xf32>,
    %add3A_2095 = arith.addf %add3A_2090, %gather3A_2094 : vector<16xf32>
    %add3A_2096 = arith.constant 5899 : i32
    %add3A_2097 = vector.broadcast %add3A_2096 : i32 to vector<16xi32>
    %add3A_2098 = arith.addi %mul3A_156, %add3A_2097 : vector<16xi32>
    %gather3A_2099 = tpu.vector_load_idx %arg11[%add3A_2098] : memref<6144xf32, #tpu.memory_space<vmem>>[vector<16xi32>], vector<16xf32>,
    %add3A_2100 = arith.addf %add3A_2095, %gather3A_2099 : vector<16xf32>
    %add3A_2101 = arith.constant 5900 : i32
    %add3A_2102 = vector.broadcast %add3A_2101 : i32 to vector<16xi32>
    %add3A_2103 = arith.addi %mul3A_156, %add3A_2102 : vector<16xi32>
    %gather3A_2104 = tpu.vector_load_idx %arg11[%add3A_2103] : memref<6144xf32, #tpu.memory_space<vmem>>[vector<16xi32>], vector<16xf32>,
    %add3A_2105 = arith.addf %add3A_2100, %gather3A_2104 : vector<16xf32>
    %add3A_2106 = arith.constant 5901 : i32
    %add3A_2107 = vector.broadcast %add3A_2106 : i32 to vector<16xi32>
    %add3A_2108 = arith.addi %mul3A_156, %add3A_2107 : vector<16xi32>
    %gather3A_2109 = tpu.vector_load_idx %arg11[%add3A_2108] : memref<6144xf32, #tpu.memory_space<vmem>>[vector<16xi32>], vector<16xf32>,
    %add3A_2110 = arith.addf %add3A_2105, %gather3A_2109 : vector<16xf32>
    %add3A_2111 = arith.constant 5902 : i32
    %add3A_2112 = vector.broadcast %add3A_2111 : i32 to vector<16xi32>
    %add3A_2113 = arith.addi %mul3A_156, %add3A_2112 : vector<16xi32>
    %gather3A_2114 = tpu.vector_load_idx %arg11[%add3A_2113] : memref<6144xf32, #tpu.memory_space<vmem>>[vector<16xi32>], vector<16xf32>,
    %add3A_2115 = arith.addf %add3A_2110, %gather3A_2114 : vector<16xf32>
    %add3A_2116 = arith.constant 5903 : i32
    %add3A_2117 = vector.broadcast %add3A_2116 : i32 to vector<16xi32>
    %add3A_2118 = arith.addi %mul3A_156, %add3A_2117 : vector<16xi32>
    %gather3A_2119 = tpu.vector_load_idx %arg11[%add3A_2118] : memref<6144xf32, #tpu.memory_space<vmem>>[vector<16xi32>], vector<16xf32>,
    %add3A_2120 = arith.addf %add3A_2115, %gather3A_2119 : vector<16xf32>
    %swap3A_2121 = arith.constant 368 : index
    %swap3A_2122 = tpu.vector_load %arg12[%swap3A_2121] {strides = array<i32>} : memref<512xf32, #tpu.memory_space<vmem>>, vector<16xf32>,
    tpu.vector_store %arg12[%swap3A_2121], %add3A_2120 {strides = array<i32>} : memref<512xf32, #tpu.memory_space<vmem>>, vector<16xf32>,
    %reduce_sum3A = arith.constant true
    %reduce_sum3A_2123 = vector.broadcast %reduce_sum3A : i1 to vector<16xi1>
    %reduce_sum3A_2124 = tpu.scan <sum>, %parallel_loop3A_152 masked %reduce_sum3A_2123 : vector<16xf32>, vector<16xi1> -> vector<16xf32>
    %reduce_sum3A_2125 = vector.extract %reduce_sum3A_2124[15] : f32 from vector<16xf32>
    %broadcast_in_dim3A_2126 = vector.broadcast %reduce_sum3A_2125 : f32 to vector<16xf32>
    %swap3A_2127 = arith.constant 384 : index
    %swap3A_2128 = tpu.vector_load %arg12[%swap3A_2127] {strides = array<i32>} : memref<512xf32, #tpu.memory_space<vmem>>, vector<16xf32>,
    tpu.vector_store %arg12[%swap3A_2127], %broadcast_in_dim3A_2126 {strides = array<i32>} : memref<512xf32, #tpu.memory_space<vmem>>, vector<16xf32>,
    %swap3A_2129 = arith.constant 400 : index
    %swap3A_2130 = tpu.vector_load %arg12[%swap3A_2129] {strides = array<i32>} : memref<512xf32, #tpu.memory_space<vmem>>, vector<16xf32>,
    tpu.vector_store %arg12[%swap3A_2129], %broadcast_in_dim3A_2126 {strides = array<i32>} : memref<512xf32, #tpu.memory_space<vmem>>, vector<16xf32>,
    %swap3A_2131 = arith.constant 416 : index
    %swap3A_2132 = tpu.vector_load %arg12[%swap3A_2131] {strides = array<i32>} : memref<512xf32, #tpu.memory_space<vmem>>, vector<16xf32>,
    tpu.vector_store %arg12[%swap3A_2131], %broadcast_in_dim3A_2126 {strides = array<i32>} : memref<512xf32, #tpu.memory_space<vmem>>, vector<16xf32>,
    %swap3A_2133 = arith.constant 432 : index
    %swap3A_2134 = tpu.vector_load %arg12[%swap3A_2133] {strides = array<i32>} : memref<512xf32, #tpu.memory_space<vmem>>, vector<16xf32>,
    tpu.vector_store %arg12[%swap3A_2133], %broadcast_in_dim3A_2126 {strides = array<i32>} : memref<512xf32, #tpu.memory_space<vmem>>, vector<16xf32>,
    %swap3A_2135 = arith.constant 448 : index
    %swap3A_2136 = tpu.vector_load %arg12[%swap3A_2135] {strides = array<i32>} : memref<512xf32, #tpu.memory_space<vmem>>, vector<16xf32>,
    tpu.vector_store %arg12[%swap3A_2135], %broadcast_in_dim3A_80 {strides = array<i32>} : memref<512xf32, #tpu.memory_space<vmem>>, vector<16xf32>,
    %swap3A_2137 = arith.constant 464 : index
    %swap3A_2138 = tpu.vector_load %arg12[%swap3A_2137] {strides = array<i32>} : memref<512xf32, #tpu.memory_space<vmem>>, vector<16xf32>,
    tpu.vector_store %arg12[%swap3A_2137], %broadcast_in_dim3A_80 {strides = array<i32>} : memref<512xf32, #tpu.memory_space<vmem>>, vector<16xf32>,
    %swap3A_2139 = arith.constant 480 : index
    %swap3A_2140 = tpu.vector_load %arg12[%swap3A_2139] {strides = array<i32>} : memref<512xf32, #tpu.memory_space<vmem>>, vector<16xf32>,
    tpu.vector_store %arg12[%swap3A_2139], %broadcast_in_dim3A_80 {strides = array<i32>} : memref<512xf32, #tpu.memory_space<vmem>>, vector<16xf32>,
    %swap3A_2141 = arith.constant 496 : index
    %swap3A_2142 = tpu.vector_load %arg12[%swap3A_2141] {strides = array<i32>} : memref<512xf32, #tpu.memory_space<vmem>>, vector<16xf32>,
    tpu.vector_store %arg12[%swap3A_2141], %broadcast_in_dim3A_80 {strides = array<i32>} : memref<512xf32, #tpu.memory_space<vmem>>, vector<16xf32>,
    "tpu.region"() ({
      %run_scoped3A = tpu.sem_alloc : memref<!tpu.dma_semaphore, #tpu.memory_space<semaphore_mem>>
      %dma_start3A_2143 = arith.constant 0 : i32
      %dma_start3A_2144 = tpu.memref_slice %arg5[%add3A, %dma_start3A_2143] : memref<32x512xf32, #tpu.memory_space<hbm>> -> memref<1x512xf32, #tpu.memory_space<hbm>>
      %dma_start3A_2145 = tpu.memref_squeeze %dma_start3A_2144 : memref<1x512xf32, #tpu.memory_space<hbm>> -> memref<512xf32, #tpu.memory_space<hbm>>
      %dma_start3A_2146 = arith.constant 0 : i32
      %dma_start3A_2147 = tpu.memref_slice %arg5[%add3A, %dma_start3A_2146] : memref<32x512xf32, #tpu.memory_space<hbm>> -> memref<1x512xf32, #tpu.memory_space<hbm>>
      %dma_start3A_2148 = tpu.memref_squeeze %dma_start3A_2147 : memref<1x512xf32, #tpu.memory_space<hbm>> -> memref<512xf32, #tpu.memory_space<hbm>>
      tpu.enqueue_dma source(%arg12 : memref<512xf32, #tpu.memory_space<vmem>>) target(%dma_start3A_2148 : memref<512xf32, #tpu.memory_space<hbm>>) target_semaphore(%run_scoped3A : memref<!tpu.dma_semaphore, #tpu.memory_space<semaphore_mem>>)
      %dma_wait3A_2149 = arith.constant 0 : i32
      %dma_wait3A_2150 = tpu.memref_slice %arg5[%add3A, %dma_wait3A_2149] : memref<32x512xf32, #tpu.memory_space<hbm>> -> memref<1x512xf32, #tpu.memory_space<hbm>>
      %dma_wait3A_2151 = tpu.memref_squeeze %dma_wait3A_2150 : memref<1x512xf32, #tpu.memory_space<hbm>> -> memref<512xf32, #tpu.memory_space<hbm>>
      %dma_wait3A_2152 = arith.constant 0 : i32
      %dma_wait3A_2153 = tpu.memref_slice %arg5[%add3A, %dma_wait3A_2152] : memref<32x512xf32, #tpu.memory_space<hbm>> -> memref<1x512xf32, #tpu.memory_space<hbm>>
      %dma_wait3A_2154 = tpu.memref_squeeze %dma_wait3A_2153 : memref<1x512xf32, #tpu.memory_space<hbm>> -> memref<512xf32, #tpu.memory_space<hbm>>
      tpu.wait_dma2 semaphore(%run_scoped3A : memref<!tpu.dma_semaphore, #tpu.memory_space<semaphore_mem>>) src(%arg12 : memref<512xf32, #tpu.memory_space<vmem>>) dst(%dma_wait3A_2154 : memref<512xf32, #tpu.memory_space<hbm>>)
      tpu.yield
    }) : () -> ()
    return
  }
}

</mosaic_0001>

<sc_bundles>
// kernel: kernel.3.cloned.1.call-start
scs
__scs_entry_jumppad:
0x0: {  	(pc) =	sbr.rel $0x88, $3  }
0x1: {  	(tag) =	ssettag $0x0;
	lr =	simm.s32 $0x1  }
0x2: {  	[smem:$0x3F9E] =	sst lr;
	_ =	strace $0xD0000000  }
0x3: {  	_ = 	snop  }
0x4: {  	_ = 	snop  }
0x5: {  	_ = 	snop  }
0x6: {  	_ = 	snop  }
0x7: {  	_ = 	snop  }
__scs_overlays_trampoline_lowered:
0x8: {  	[smem:$0x3FAD] =	sst s0  }
0x9: {  	[smem:$0x3FAE] =	sst s1  }
0xa: {  	[smem:$0x3FAF] =	sst s2  }
0xb: {  	[smem:$0x3FB0] =	sst s3  }
0xc: {  	[smem:$0x3FB1] =	sst s4  }
0xd: {  	[smem:$0x3FB2] =	sst s5  }
0xe: {  	[smem:$0x3FB3] =	sst s6  }
0xf: {  	[smem:$0x3FB4] =	sst s7  }
0x10: {  	[smem:$0x3FB5] =	sst s8  }
0x11: {  	[smem:$0x3FB6] =	sst s9;
	s0 =	simm.s32 @!p0 $0x0  }
0x12: {  	s1 =	sld [smem:$0x3F9C];
	s0 =	simm.s32 @p0 $0x1  }
0x13: {  	[smem:$0x3FB7] =	sst s0;
	s0 =	simm.s32 @!p1 $0x0  }
0x14: {  	s2 =	sld [smem:$0x3F9B];
	s0 =	simm.s32 @p1 $0x1  }
0x15: {  	[smem:$0x3FB8] =	sst s0;
	s0 =	simm.s32 @!p2 $0x0  }
0x16: {  	s3 =	sld [smem:$0x3FDB];
	s0 =	simm.s32 @p2 $0x1  }
0x17: {  	s4 =	simm.s32 $0x1BF5;
	[smem:$0x3FBA] =	sst s0  }
0x18: {  	s0 =	sld [smem:$0x3F9D];
	_ =	swait.ge [sflag:s4], $0x0  }
0x19: {  	s7 =	sld [smem:$0x3F9E]  }
0x1a: {  	s8 =	sadd.s32 $0xFFFFE003, lr  }
0x1b: {  	s9 =	sadd.s32 $0xFFFFFEF7, lr;
	s5 =	simm.s32 $0xFFFFFFFF;
	p2 =	slt.u32 s8, $0xFFFFF086  }
0x1c: {  	p1 =	slt.u32 s9, $0xF7A;
	s5 =	simm.s32 @!p2 $0x0  }
0x1d: {  	s5 =	simm.s32 @p1 $0x1;
	p0 =	seq.s32 s7, s2  }
0x1e: {  	s7 =	smul.u32 @!p0 $0xF7A, s2;
	p2 =	seq.s32 @!p0 s5, $0x0  }
0x1f: {  	s9 =	smul.u32 $0xF7A, s1;
	s8 =	simm.s32 @!p0 $0x1BF5;
	p2 =	por !p2, p0  }
0x20: {  	[sflag:s8] =	ssyncset.s32 @!p0 $0xFFFFF086;
	s6 =	sadd.s32 @!p0 s3, s7;
	s7 =	simm.s32 @!p0 $0x108  }
0x21: {  	s3 =	sadd.s32 s3, s9;
	s6 =	sadd.s32 @!p0 $0x88, s6;
	s7 =	simm.s32 @p2 $0x1082  }
0x22: {  	[simem:s7], [sflag:s8] =	dma.local @!p0 [hbm:s6], $0xF7A  }
0x23: {  	s9 =	sor.u32 $0xD0000000, s2;
	s6 =	simm.s32 $0x108;
	_ =	swait.ge @!p0 [sflag:s8], $0x0  }
0x24: {  	s3 =	sadd.s32 $0x88, s3;
	s6 =	simm.s32 @!p1 $0x1082;
	[sflag:s4] =	ssyncset.s32 $0xFFFFF086  }
0x25: {  	[simem:s6], [sflag:s4] =	dma.local [hbm:s3], $0xF7A  }
0x26: {  	[smem:$0x3F9E] =	sst s1;
	(tag) =	ssettag s2;
	_ =	strace s9  }
0x27: {  	s1 =	sld [smem:$0x3FAE]  }
0x28: {  	s2 =	sld [smem:$0x3FAF]  }
0x29: {  	s4 =	sld [smem:$0x3FB1]  }
0x2a: {  	p0 =	seq.s32 s5, $0x0;
	s5 =	sld [smem:$0x3FB2]  }
0x2b: {  	s6 =	sld [smem:$0x3FB3]  }
0x2c: {  	s7 =	sld [smem:$0x3FB4]  }
0x2d: {  	s3 =	simm.s32 $0x108;
	s8 =	sld [smem:$0x3FB5]  }
0x2e: {  	s3 =	simm.s32 @!p0 $0x1082;
	s9 =	sld [smem:$0x3FB6]  }
0x2f: {  	lr =	sadd.s32 s0, s3;
	s0 =	sld [smem:$0x3FAD]  }
0x30: {  	s3 =	sld [smem:$0x3FB0]  }
0x31: {  	[smem:$0x3FB9] =	sst s10  }
0x32: {  	s10 =	sld [smem:$0x3FB7];
	_ =	sdelay $0x3  }
0x33: {  	p0 =	seq.s32 s10, $0x1;
	s10 =	sld [smem:$0x3FB9];
	_ =	sdelay $0x3  }
0x34: {  	[smem:$0x3FB9] =	sst s10  }
0x35: {  	s10 =	sld [smem:$0x3FB8];
	_ =	sdelay $0x3  }
0x36: {  	p1 =	seq.s32 s10, $0x1;
	s10 =	sld [smem:$0x3FB9];
	_ =	sdelay $0x3  }
0x37: {  	[smem:$0x3FB9] =	sst s10  }
0x38: {  	s10 =	sld [smem:$0x3FBA]  }
0x39: {  	_ = 	snop;
	(pc) =	sbr.ind lr, $3  }
0x3a: {  	_ = 	snop  }
0x3b: {  	_ = 	snop  }
0x3c: {  	p2 =	seq.s32 s10, $0x1;
	s10 =	sld [smem:$0x3FB9]  }
0x3d: {  	_ =	shalt  }
0x3e: {  	_ =	shalt  }
0x3f: {  	_ =	shalt  }
0x40: {  	_ =	shalt  }
0x41: {  	_ =	shalt  }
0x42: {  	_ =	shalt  }
0x43: {  	_ =	shalt  }
0x44: {  	_ =	shalt  }
0x45: {  	_ =	shalt  }
0x46: {  	_ =	shalt  }
0x47: {  	_ =	shalt  }
0x48: {  	_ =	shalt  }
0x49: {  	_ =	shalt  }
0x4a: {  	_ =	shalt  }
0x4b: {  	_ =	shalt  }
0x4c: {  	_ =	shalt  }
0x4d: {  	_ =	shalt  }
0x4e: {  	_ =	shalt  }
0x4f: {  	_ =	shalt  }
0x50: {  	_ =	shalt  }
0x51: {  	_ =	shalt  }
0x52: {  	_ =	shalt  }
0x53: {  	_ =	shalt  }
0x54: {  	_ =	shalt  }
0x55: {  	_ =	shalt  }
0x56: {  	_ =	shalt  }
0x57: {  	_ =	shalt  }
0x58: {  	_ =	shalt  }
0x59: {  	_ =	shalt  }
0x5a: {  	_ =	shalt  }
0x5b: {  	_ =	shalt  }
0x5c: {  	_ =	shalt  }
0x5d: {  	_ =	shalt  }
0x5e: {  	_ =	shalt  }
0x5f: {  	_ =	shalt  }
0x60: {  	_ =	shalt  }
0x61: {  	_ =	shalt  }
0x62: {  	_ =	shalt  }
0x63: {  	_ =	shalt  }
0x64: {  	_ =	shalt  }
0x65: {  	_ =	shalt  }
0x66: {  	_ =	shalt  }
0x67: {  	_ =	shalt  }
0x68: {  	_ =	shalt  }
0x69: {  	_ =	shalt  }
0x6a: {  	_ =	shalt  }
0x6b: {  	_ =	shalt  }
0x6c: {  	_ =	shalt  }
0x6d: {  	_ =	shalt  }
0x6e: {  	_ =	shalt  }
0x6f: {  	_ =	shalt  }
0x70: {  	_ =	shalt  }
0x71: {  	_ =	shalt  }
0x72: {  	_ =	shalt  }
0x73: {  	_ =	shalt  }
0x74: {  	_ =	shalt  }
0x75: {  	_ =	shalt  }
0x76: {  	_ =	shalt  }
0x77: {  	_ =	shalt  }
0x78: {  	_ =	shalt  }
0x79: {  	_ =	shalt  }
0x7a: {  	_ =	shalt  }
0x7b: {  	_ =	shalt  }
0x7c: {  	_ =	shalt  }
0x7d: {  	_ =	shalt  }
0x7e: {  	_ =	shalt  }
0x7f: {  	_ =	shalt  }
0x80: {  	_ =	shalt  }
0x81: {  	_ =	shalt  }
0x82: {  	_ =	shalt  }
0x83: {  	_ =	shalt  }
0x84: {  	_ =	shalt  }
0x85: {  	_ =	shalt  }
0x86: {  	_ =	shalt  }
0x87: {  	_ =	shalt  }
.Lfunc_end0:
.L_simem_size_0:
called_computation_lowered:
.L_overlay_start_0:
0x88: {  	s2 =	sld [smem:$0x3FD9]  }
0x89: {  	s3 =	sld [smem:$0x3FFE];
	_ =	sdelay $0x1  }
0x8a: {  	s1 =	srdreg.scid  }
0x8b: {  	s0 =	sand.u32 $0x1, s1  }
0x8c: {  	s17 =	sshll.u32 s0, $0xA;
	s2 =	sadd.s32 s3, s2  }
0x8d: {  	s2 =	sadd.s32 s2, s17  }
0x8e: {  	[smem:$0x3FC5] =	sst s2  }
0x8f: {  	_ = 	snop  }
0x90: {  	s2 =	sld [smem:$0x3FC8]  }
0x91: {  	s18 =	sld [smem:$0x3FC7];
	(tm) =	ssettm $0x1  }
0x92: {  	s4 =	sld [smem:$0x3FFB];
	_ =	sdelay $0x3  }
0x93: {  	_ =	strace s4  }
0x94: {  	s4 =	sld [smem:$0x3FFC];
	_ =	sdelay $0x3  }
0x95: {  	_ =	strace s4  }
0x96: {  	s4 =	sld [smem:$0x3FFD];
	_ =	sdelay $0x3  }
0x97: {  	_ =	strace s4  }
0x98: {  	_ =	strace $0x8FFFFFFF  }
0x99: {  	s19 =	sld [smem:$0x3FDB];
	_ =	sdelay $0x1  }
0x9a: {  	s5 =	simm.s32 $_scs_section_size  }
0x9b: {  	s6 =	simm.s32 $_size__tile_overlayer_lowered;
	s7 =	simm.s32 $_tile_overlayer_lowered  }
0x9c: {  	s22 =	simm.s32 $0x1BFF;
	s21 =	sshll.u32 s7, $0x1;
	s4 =	sadd.s32 s5, s19  }
0x9d: {  	s8 =	simm.s32 $0x0;
	s20 =	sshll.u32 s6, $0x1;
	s6 =	sadd.s32 s21, s4  }
0x9e: {  	[timem:s8], [sflag:s22] =	dma.local [hbm:s6], s20  }
0x9f: {  	_ =	swait.ge [sflag:s22], s20  }
0xa0: {  	s5 =	ssub.s32 $0x0, s20;
	[sflag:s22] =	ssyncset.done $0x0  }
0xa1: {  	[sflag:s22] =	ssyncadd.s32 s5;
	_ =	sdelay $0x1  }
0xa2: {  	s23 =	simm.s32 $0x1B8B  }
0xa3: {  	_ =	swait.ge [sflag:s23], $0x1  }
0xa4: {  	[sflag:s23] =	ssyncset.done $0x0  }
0xa5: {  	s25 =	simm.s32 $0x1B8E;
	s24 =	sld [smem:$0x3FFE];
	[sflag:s23] =	ssyncadd.s32 $0xFFFFFFFF  }
0xa6: {  	s26 =	simm.s32 $execute0_lowered;
	[smem:$0x3FD2] =	sst s25  }
0xa7: {  	s6 =	sshll.u32 s26, $0x1;
	_ =	strace $0x80000046;
	[dreg:$0x1] =	wrdreg $0xFFFFFFFF  }
0xa8: {  	s28 =	simm.s32 $_size_execute0_lowered;
	s4 =	sadd.s32 s4, s6;
	[dreg:$0x0] =	wrdreg $0x0  }
0xa9: {  	s6 =	sshll.u32 s28, $0x1;
	[dreg:$0x2] =	wrdreg s4  }
0xaa: {  	[dreg:$0x3] =	wrdreg s6  }
0xab: {  	[dreg:$0x4] =	wrdreg $0xC0  }
0xac: {  	_ =	task [dreg:s8], $0x5FFFF  }
0xad: {  	[dreg:$0x1] =	wrdreg $0xFFFFFFFF  }
0xae: {  	[dreg:$0x0] =	wrdreg $0x60  }
0xaf: {  	[dreg:$0x2] =	wrdreg s24  }
0xb0: {  	[dreg:$0x3] =	wrdreg s2  }
0xb1: {  	[dreg:$0x4] =	wrdreg s18  }
0xb2: {  	[dreg:$0x5] =	wrdreg $0x9  }
0xb3: {  	_ =	task.clear_ibuf [dreg:s8], $0x6FFFF;
	_ =	strace $0x90000046  }
0xb4: {  	s29 =	simm.s32 $0x9;
	_ =	strace $0x80000048  }
0xb5: {  	_ =	swait.ge [sflag:s29], $0x1  }
0xb6: {  	[sflag:s29] =	ssyncadd.s32 $0xFFFFFFFF  }
0xb7: {  	_ =	strace $0x90000048  }
0xb8: {  	_ =	sfence  }
0xb9: {  	s30 =	sld [smem:$0x0];
	_ =	sdelay $0x2  }
0xba: {  	s31 =	sshll.u32 s1, $0xD;
	s1 =	sshrl.u32 s1, $0x2  }
0xbb: {  	s3 =	sand.u32 $0x4000, s31;
	s1 =	sadd.s32 s1, s30  }
0xbc: {  	s0 =	sor.u32 s3, s0;
	s1 =	sshll.u32 s1, $0x11  }
0xbd: {  	s0 =	sor.u32 s1, s0  }
0xbe: {  	s0 =	sadd.s32 $0x8F2B, s0  }
0xbf: {  	[sflag:s0] =	ssyncadd.remote.s32 $0x1  }
0xc0: {  	_ =	sfence.sel $0xFFFF  }
0xc1: {  	[dreg:$0x0] =	wrdreg $0xFFFFFFFF;
	(pc) =	sbr.abs _section_cstart, $3  }
0xc2: {  	[dreg:$0x1] =	wrdreg $0xFFFFFFFF  }
0xc3: {  	_ =	task.clear_ibuf [dreg:s8], $0x2FFFF;
	_ =	strace $0x9FFFFFFF  }
0xc4: {  	(tm) =	ssettm $0x7FFFFFFF  }
0xc5: {  	_ =	shalt  }
tec
execute0_lowered:
.L_overlay_start_1:
0x0: {  	(tag) =	ssettag $0x1  }
0x1: {  	s0 =	rddreg [dreg:$0x0]  }
0x2: {  	s1 =	rddreg [dreg:$0x1]  }
0x3: {  	s4 =	rddreg [dreg:$0x2]  }
0x4: {  	s3 =	srdreg.scid;
	s2 =	simm.s32 $0x0;
	s6 =	stileid.u32  }
0x5: {  	s28 =	simm.s32 $0x4;
	s29 =	simm.s32 $0x5;
	s30 =	simm.s32 $0x14000  }
0x6: {  	s31 =	simm.s32 $0x6;
	s15 =	simm.s32 $0x9;
	s16 =	simm.s32 $0xA  }
0x7: {  	s20 =	simm.s32 $0xB;
	s21 =	simm.s32 $0x0;
	s3 =	sand.u32 $0x1, s3  }
0x8: {  	[smem:$0x7FF] =	sst s2;
	s23 =	sshll.u32 s6, $0x4;
	s5 =	sshll.u32 s3, $0x4  }
0x9: {  	_ =	strace $0x80000047;
	s24 =	ssub.s32 $0x2, s3;
	s9 =	sor.u32 s6, s5  }
0xa: {  	s5 =	sand.u32 $0x70, s23;
	s8 =	sshrl.u32 s24, $0x1;
	s7 =	sshll.u32 s9, $0xB  }
0xb: {  	v0 =	vlaneseq.u32;
	s13 =	sadd.s32 s5, s0;
	s14 =	ssub.s32 s24, s8;
	s26 =	sshll.u32 s9, $0x6  }
0xc: {  	v1 =	vimm.f32 $0.0e+00;
	v2 =	vmul.u32 $0x10, v0;
	s24 =	simm.s32 $0x1;
	s3 =	sadd.s32 s0, s7;
	s6 =	sadd.s32 s1, s7  }
0xd: {  	v3 =	vor.u32 $0x400, v0;
	v4 =	vor.u32 $0x800, v0;
	v5 =	vor.u32 $0xC00, v0;
	s12 =	sor.u32 $0x400, s7;
	s7 =	sadd.s32 s4, s7;
	s14 =	smax.u32 s14, $0x1  }
0xe: {  	v6 =	vor.u32 $0x1000, v0;
	v7 =	vor.u32 $0x1400, v0;
	v8 =	vor.u32 $0x1, v2;
	s25 =	sadd.s32 $0x10000, s3;
	s5 =	sadd.s32 $0x20000, s3;
	s8 =	sadd.s32 s0, s12  }
0xf: {  	v9 =	vor.u32 $0x2, v2;
	v10 =	vor.u32 $0x3, v2;
	v11 =	vor.u32 $0x4, v2;
	s9 =	sadd.s32 $0x10400, s3;
	s10 =	sadd.s32 $0x20400, s3;
	s0 =	sand.u32 $0x600, s26  }
0x10: {  	v12 =	vor.u32 $0x5, v2;
	v13 =	vor.u32 $0x6, v2;
	v14 =	vor.u32 $0x7, v2;
	s11 =	sadd.s32 s1, s12;
	s12 =	sadd.s32 s4, s12;
	s26 =	simm.s32 $0x3  }
0x11: {  	v15 =	vor.u32 $0x8, v2;
	v16 =	vor.u32 $0x9, v2;
	v17 =	vor.u32 $0xA, v2;
	s1 =	simm.s32 $0x8;
	[dreg:$0x4] =	wrdreg s25;
	s0 =	sadd.s32 s0, s13  }
0x12: {  	v18 =	vor.u32 $0xB, v2;
	v19 =	vor.u32 $0xC, v2;
	v20 =	vor.u32 $0xD, v2;
	s25 =	simm.s32 $0x2;
	s13 =	sadd.s32 $0x30000, s0;
	s0 =	simm.s32 $0x7  }
.LBB2_1:
0x13: {  	[tilespmem:s2], [sflag:$0x1] =	stream.linear.gather [hbm4b:s3+s2], $0x2000, $0x38;
	[tilespmem:$0x15A00] =	vst v63  }
0x14: {  	s4 =	rddreg [dreg:$0x4];
	s17 =	simm.s32 $0x4000  }
0x15: {  	[tilespmem:s17], [sflag:$0x2] =	stream.linear.gather [hbm4b:s4+s2], $0x2000, $0x38;
	[tilespmem:$0x15A00] =	vst v63  }
0x16: {  	s19 =	simm.s32 $0x8000  }
0x17: {  	[tilespmem:s19], [sflag:$0x3] =	stream.linear.gather [hbm4b:s5+s2], $0x2000, $0x38;
	[tilespmem:$0x15A00] =	vst v63  }
0x18: {  	s22 =	simm.s32 $0xC000  }
0x19: {  	[tilespmem:s22], [sflag:$0x4] =	stream.linear.gather [hbm4b:s6+s2], $0x2000, $0x38;
	[tilespmem:$0x15A00] =	vst v63  }
0x1a: {  	s23 =	simm.s32 $0x10000  }
0x1b: {  	[tilespmem:s23], [sflag:$0x5] =	stream.linear.gather [hbm4b:s7+s2], $0x2000, $0x38;
	[tilespmem:$0x15A00] =	vst v63  }
0x1c: {  	s17 =	simm.s32 $0x2000  }
0x1d: {  	[tilespmem:s17], [sflag:$0x6] =	stream.linear.gather [hbm4b:s8+s2], $0x2000, $0x38;
	[tilespmem:$0x15A00] =	vst v63  }
0x1e: {  	s18 =	simm.s32 $0x6000  }
0x1f: {  	[tilespmem:s18], [sflag:$0x7] =	stream.linear.gather [hbm4b:s9+s2], $0x2000, $0x38;
	[tilespmem:$0x15A00] =	vst v63  }
0x20: {  	s19 =	simm.s32 $0xA000  }
0x21: {  	[tilespmem:s19], [sflag:$0x8] =	stream.linear.gather [hbm4b:s10+s2], $0x2000, $0x38;
	[tilespmem:$0x15A00] =	vst v63  }
0x22: {  	s22 =	simm.s32 $0xE000  }
0x23: {  	[tilespmem:s22], [sflag:$0x9] =	stream.linear.gather [hbm4b:s11+s2], $0x2000, $0x38;
	[tilespmem:$0x15A00] =	vst v63  }
0x24: {  	s4 =	simm.s32 $0x0;
	s23 =	simm.s32 $0x12000;
	s17 =	simm.s32 $0x100  }
0x25: {  	[tilespmem:s23], [sflag:$0xA] =	stream.linear.gather [hbm4b:s12+s2], $0x2000, $0x38;
	[tilespmem:$0x15A00] =	vst v63  }
.LBB2_2:
0x26: {  	p0 =	sne.s32 s17, $0x5F00;
	[tilespmem:s4+$0x14030] =	vst v1;
	s18 =	smov.u32 s17;
	s17 =	sadd.s32 $0x100, s17  }
.Ltmp0:
0x27: {  	[tilespmem:s4+$0x14020] =	vst v1;
	(pc) =	sbr.rel @p0 .LBB2_2-.Ltmp0, $3  }
0x28: {  	[tilespmem:s4+$0x14000] =	vst v1  }
0x29: {  	[tilespmem:s4+$0x14010] =	vst v1;
	_ =	sdelay $0x1  }
0x2a: {  	s4 =	sshra.s32 s18, $0x2  }
0x2b: {  	[tilespmem:s4+$0x14030] =	vst v1  }
0x2c: {  	[tilespmem:s4+$0x14020] =	vst v1  }
0x2d: {  	[tilespmem:s4+$0x14000] =	vst v1  }
0x2e: {  	[tilespmem:s4+$0x14010] =	vst v1  }
0x2f: {  	_ =	swait.ge [sflag:s24], $0x2000  }
0x30: {  	[sflag:s24] =	ssyncset.done $0x0  }
0x31: {  	[sflag:s24] =	ssyncadd.s32 $0xFFFFE000  }
0x32: {  	_ =	swait.ge [sflag:s25], $0x2000  }
0x33: {  	[sflag:s25] =	ssyncset.done $0x0  }
0x34: {  	[sflag:s25] =	ssyncadd.s32 $0xFFFFE000  }
0x35: {  	_ =	swait.ge [sflag:s26], $0x2000  }
0x36: {  	[sflag:s26] =	ssyncset.done $0x0  }
0x37: {  	[sflag:s26] =	ssyncadd.s32 $0xFFFFE000  }
0x38: {  	_ =	swait.ge [sflag:s28], $0x2000  }
0x39: {  	[sflag:s28] =	ssyncset.done $0x0  }
0x3a: {  	[sflag:s28] =	ssyncadd.s32 $0xFFFFE000  }
0x3b: {  	_ =	swait.ge [sflag:s29], $0x2000  }
0x3c: {  	[sflag:s29] =	ssyncset.done $0x0  }
0x3d: {  	s19 =	simm.s32 $0x20;
	[sflag:s29] =	ssyncadd.s32 $0xFFFFE000  }
0x3e: {  	s22 =	simm.s32 $0x4020;
	v21 =	vld [tilespmem:s19+$0xFFFFFFE0]  }
0x3f: {  	s23 =	simm.s32 $0x8020;
	v22 =	vld [tilespmem:s22+$0xFFFFFFE0]  }
0x40: {  	v23 =	vld [tilespmem:s23+$0xFFFFFFE0]  }
0x41: {  	v24 =	vld [tilespmem:s19+$0xFFFFFFF0]  }
0x42: {  	v25 =	vld [tilespmem:s22+$0xFFFFFFF0]  }
0x43: {  	v26 =	vld [tilespmem:s23+$0xFFFFFFF0]  }
0x44: {  	s17 =	simm.s32 $0x10020;
	v27 =	vld [tilespmem:s19+$0x0]  }
0x45: {  	v28 =	vld [tilespmem:s17+$0xFFFFFFE0]  }
0x46: {  	v29 =	vld [tilespmem:s22+$0x0]  }
0x47: {  	s18 =	simm.s32 $0xC020;
	v30 =	vld [tilespmem:s23+$0x0]  }
0x48: {  	v31 =	vld [tilespmem:s18+$0xFFFFFFE0]  }
0x49: {  	v32 =	vld [tilespmem:s19+$0x10]  }
0x4a: {  	v33 =	vld [tilespmem:s18+$0xFFFFFFF0]  }
0x4b: {  	v35 =	vld [tilespmem:s17+$0xFFFFFFF0]  }
0x4c: {  	v36 =	vld [tilespmem:s18+$0x0];
	v28 =	vshll.u32 v28, $0x4  }
0x4d: {  	v38 =	vld [tilespmem:s22+$0x10];
	v34 =	vor.u32 v0, v28  }
0x4e: {  	v40 =	vld [tilespmem:s18+$0x10];
	v37 =	vadd.s32 v3, v28  }
0x4f: {  	v42 =	vld [tilespmem:s23+$0x10];
	v41 =	vadd.s32 v4, v28  }
0x50: {  	v59 =	vld [tilespmem:s17+$0x0];
	v39 =	vmul.f32 v31, v21;
	v44 =	vadd.s32 v5, v28  }
0x51: {  	v61 =	vld [tilespmem:s17+$0x10];
	v43 =	vmul.f32 v31, v22;
	v58 =	vadd.s32 v6, v28  }
0x52: {  	v45 =	vmul.f32 v31, v23;
	v35 =	vshll.u32 v35, $0x4;
	v28 =	vadd.s32 v7, v28;
	[tilespmem:v34+s30+$0x0] =	vst.idx.add.f32.msk $0xffff, v39  }
0x53: {  	v60 =	vor.u32 v0, v35;
	[tilespmem:v37+s30+$0x0] =	vst.idx.add.f32.msk $0xffff, v43  }
0x54: {  	v62 =	vadd.s32 v3, v35;
	[tilespmem:v41+s30+$0x0] =	vst.idx.add.f32.msk $0xffff, v45  }
0x55: {  	[tilespmem:v44+s30+$0x0] =	vst.idx.add.f32.msk $0xffff, v21;
	v21 =	vadd.s32 v4, v35  }
0x56: {  	v63 =	vmul.f32 v33, v24;
	[tilespmem:v58+s30+$0x0] =	vst.idx.add.f32.msk $0xffff, v22;
	v22 =	vadd.s32 v5, v35  }
0x57: {  	v47 =	vmul.f32 v33, v25;
	v49 =	vshll.u32 v59, $0x4;
	[tilespmem:v28+s30+$0x0] =	vst.idx.add.f32.msk $0xffff, v23;
	v23 =	vadd.s32 v6, v35  }
0x58: {  	v48 =	vmul.f32 v33, v26;
	v50 =	vor.u32 v0, v49;
	[tilespmem:v60+s30+$0x0] =	vst.idx.add.f32.msk $0xffff, v63  }
0x59: {  	[tilespmem:v62+s30+$0x0] =	vst.idx.add.f32.msk $0xffff, v47;
	v35 =	vadd.s32 v7, v35  }
0x5a: {  	[tilespmem:v21+s30+$0x0] =	vst.idx.add.f32.msk $0xffff, v48;
	v21 =	vadd.s32 v3, v49  }
0x5b: {  	v51 =	vmul.f32 v36, v27;
	[tilespmem:v22+s30+$0x0] =	vst.idx.add.f32.msk $0xffff, v24;
	v22 =	vadd.s32 v4, v49  }
0x5c: {  	[tilespmem:v23+s30+$0x0] =	vst.idx.add.f32.msk $0xffff, v25;
	v23 =	vadd.s32 v5, v49  }
0x5d: {  	v52 =	vmul.f32 v36, v29;
	v53 =	vadd.s32 v6, v49;
	[tilespmem:v50+s30+$0x0] =	vst.idx.add.f32.msk $0xffff, v51  }
0x5e: {  	v54 =	vmul.f32 v36, v30;
	v56 =	vshll.u32 v61, $0x4;
	v55 =	vadd.s32 v7, v49;
	[tilespmem:v35+s30+$0x0] =	vst.idx.add.f32.msk $0xffff, v26  }
0x5f: {  	[tilespmem:v21+s30+$0x0] =	vst.idx.add.f32.msk $0xffff, v52;
	v21 =	vor.u32 v0, v56  }
0x60: {  	[tilespmem:v22+s30+$0x0] =	vst.idx.add.f32.msk $0xffff, v54;
	v22 =	vadd.s32 v3, v56  }
0x61: {  	v59 =	vadd.s32 v5, v56;
	[tilespmem:v23+s30+$0x0] =	vst.idx.add.f32.msk $0xffff, v27;
	v23 =	vadd.s32 v4, v56  }
0x62: {  	v57 =	vimm.f32 $0.0e+00;
	v61 =	vadd.s32 v6, v56;
	v58 =	vmul.f32 v40, v32;
	[tilespmem:v53+s30+$0x0] =	vst.idx.add.f32.msk $0xffff, v29  }
0x63: {  	v60 =	vmul.f32 v40, v38;
	v25 =	vadd.f32 v31, v57;
	[tilespmem:v55+s30+$0x0] =	vst.idx.add.f32.msk $0xffff, v30  }
0x64: {  	v63 =	vadd.s32 v7, v56;
	v62 =	vmul.f32 v40, v42;
	[tilespmem:v21+s30+$0x0] =	vst.idx.add.f32.msk $0xffff, v58  }
0x65: {  	v21 =	vadd.f32 v33, v25;
	[tilespmem:v22+s30+$0x0] =	vst.idx.add.f32.msk $0xffff, v60  }
0x66: {  	[tilespmem:v23+s30+$0x0] =	vst.idx.add.f32.msk $0xffff, v62  }
0x67: {  	v21 =	vadd.f32 v36, v21;
	[tilespmem:v59+s30+$0x0] =	vst.idx.add.f32.msk $0xffff, v32  }
0x68: {  	[tilespmem:v61+s30+$0x0] =	vst.idx.add.f32.msk $0xffff, v38  }
0x69: {  	s4 =	simm.s32 $0x60;
	s19 =	simm.s32 $0x0;
	v21 =	vadd.f32 v40, v21;
	[tilespmem:v63+s30+$0x0] =	vst.idx.add.f32.msk $0xffff, v42  }
.LBB2_4:
0x6a: {  	v22 =	vld [tilespmem:s4+$0xFFFFFFE0];
	s22 =	sadd.s32 $0x40, s22  }
0x6b: {  	s23 =	sadd.s32 $0x40, s23;
	v23 =	vld [tilespmem:s22+$0xFFFFFFE0]  }
0x6c: {  	v24 =	vld [tilespmem:s23+$0xFFFFFFE0]  }
0x6d: {  	v25 =	vld [tilespmem:s4+$0xFFFFFFF0]  }
0x6e: {  	v26 =	vld [tilespmem:s22+$0xFFFFFFF0]  }
0x6f: {  	v27 =	vld [tilespmem:s23+$0xFFFFFFF0]  }
0x70: {  	s17 =	sadd.s32 $0x40, s17;
	v28 =	vld [tilespmem:s4+$0x0]  }
0x71: {  	v29 =	vld [tilespmem:s17+$0xFFFFFFE0]  }
0x72: {  	v30 =	vld [tilespmem:s22+$0x0]  }
0x73: {  	s18 =	sadd.s32 $0x40, s18;
	v31 =	vld [tilespmem:s23+$0x0]  }
0x74: {  	s19 =	sadd.s32 $0x40, s19;
	v32 =	vld [tilespmem:s18+$0xFFFFFFE0]  }
0x75: {  	p0 =	slt.u32 s19, $0x1FC0;
	v33 =	vld [tilespmem:s4+$0x10]  }
0x76: {  	v29 =	vshll.u32 v29, $0x4;
	v34 =	vld [tilespmem:s18+$0xFFFFFFF0]  }
0x77: {  	v35 =	vor.u32 v0, v29;
	v36 =	vld [tilespmem:s17+$0xFFFFFFF0]  }
0x78: {  	v37 =	vadd.s32 v3, v29;
	v38 =	vadd.s32 v4, v29;
	v39 =	vld [tilespmem:s18+$0x0]  }
0x79: {  	v40 =	vmul.f32 v32, v22;
	v41 =	vmul.f32 v32, v23;
	v21 =	vadd.f32 v32, v21;
	v42 =	vld [tilespmem:s22+$0x10]  }
0x7a: {  	v43 =	vadd.s32 v5, v29;
	v44 =	vadd.s32 v6, v29;
	v32 =	vmul.f32 v32, v24;
	v45 =	vld [tilespmem:s18+$0x10]  }
0x7b: {  	v46 =	vmul.f32 v34, v25;
	v47 =	vmul.f32 v34, v26;
	v21 =	vadd.f32 v34, v21;
	v48 =	vld [tilespmem:s23+$0x10]  }
0x7c: {  	v29 =	vadd.s32 v7, v29;
	v34 =	vmul.f32 v34, v27;
	[tilespmem:v35+s30+$0x0] =	vst.idx.add.f32.msk $0xffff, v40;
	v35 =	vshll.u32 v36, $0x4  }
0x7d: {  	v36 =	vld [tilespmem:s17+$0x0];
	v40 =	vmul.f32 v39, v28;
	v49 =	vmul.f32 v39, v30;
	v21 =	vadd.f32 v39, v21  }
0x7e: {  	v39 =	vmul.f32 v39, v31;
	[tilespmem:v37+s30+$0x0] =	vst.idx.add.f32.msk $0xffff, v41;
	v37 =	vor.u32 v0, v35  }
0x7f: {  	v41 =	vld [tilespmem:s17+$0x10];
	v50 =	vmul.f32 v45, v33;
	v51 =	vmul.f32 v45, v42;
	v21 =	vadd.f32 v45, v21  }
0x80: {  	[tilespmem:v38+s30+$0x0] =	vst.idx.add.f32.msk $0xffff, v32;
	v32 =	vadd.s32 v3, v35;
	v38 =	vmul.f32 v45, v48  }
0x81: {  	[tilespmem:v43+s30+$0x0] =	vst.idx.add.f32.msk $0xffff, v22;
	v22 =	vadd.s32 v4, v35  }
0x82: {  	[tilespmem:v44+s30+$0x0] =	vst.idx.add.f32.msk $0xffff, v23;
	v23 =	vadd.s32 v5, v35  }
0x83: {  	[tilespmem:v29+s30+$0x0] =	vst.idx.add.f32.msk $0xffff, v24;
	v24 =	vadd.s32 v6, v35  }
0x84: {  	v29 =	vadd.s32 v7, v35;
	v35 =	vshll.u32 v36, $0x4;
	[tilespmem:v37+s30+$0x0] =	vst.idx.add.f32.msk $0xffff, v46  }
0x85: {  	[tilespmem:v32+s30+$0x0] =	vst.idx.add.f32.msk $0xffff, v47;
	v32 =	vor.u32 v0, v35  }
0x86: {  	[tilespmem:v22+s30+$0x0] =	vst.idx.add.f32.msk $0xffff, v34;
	v22 =	vadd.s32 v3, v35  }
0x87: {  	[tilespmem:v23+s30+$0x0] =	vst.idx.add.f32.msk $0xffff, v25;
	v23 =	vadd.s32 v4, v35  }
0x88: {  	[tilespmem:v24+s30+$0x0] =	vst.idx.add.f32.msk $0xffff, v26;
	v24 =	vadd.s32 v5, v35  }
0x89: {  	v25 =	vadd.s32 v6, v35;
	[tilespmem:v29+s30+$0x0] =	vst.idx.add.f32.msk $0xffff, v27  }
0x8a: {  	v26 =	vadd.s32 v7, v35;
	v27 =	vshll.u32 v41, $0x4;
	[tilespmem:v32+s30+$0x0] =	vst.idx.add.f32.msk $0xffff, v40  }
0x8b: {  	[tilespmem:v22+s30+$0x0] =	vst.idx.add.f32.msk $0xffff, v49;
	v22 =	vor.u32 v0, v27  }
0x8c: {  	[tilespmem:v23+s30+$0x0] =	vst.idx.add.f32.msk $0xffff, v39;
	v23 =	vadd.s32 v3, v27  }
0x8d: {  	[tilespmem:v24+s30+$0x0] =	vst.idx.add.f32.msk $0xffff, v28;
	v24 =	vadd.s32 v4, v27  }
0x8e: {  	[tilespmem:v25+s30+$0x0] =	vst.idx.add.f32.msk $0xffff, v30;
	v25 =	vadd.s32 v5, v27  }
0x8f: {  	[tilespmem:v26+s30+$0x0] =	vst.idx.add.f32.msk $0xffff, v31;
	v26 =	vadd.s32 v6, v27  }
0x90: {  	[tilespmem:v22+s30+$0x0] =	vst.idx.add.f32.msk $0xffff, v50;
	v22 =	vadd.s32 v7, v27  }
.Ltmp1:
0x91: {  	[tilespmem:v23+s30+$0x0] =	vst.idx.add.f32.msk $0xffff, v51;
	(pc) =	sbr.rel @p0 .LBB2_4-.Ltmp1, $4  }
0x92: {  	[tilespmem:v24+s30+$0x0] =	vst.idx.add.f32.msk $0xffff, v38  }
0x93: {  	[tilespmem:v25+s30+$0x0] =	vst.idx.add.f32.msk $0xffff, v33  }
0x94: {  	[tilespmem:v26+s30+$0x0] =	vst.idx.add.f32.msk $0xffff, v42  }
0x95: {  	s4 =	sadd.s32 $0x40, s4;
	[tilespmem:v22+s30+$0x0] =	vst.idx.add.f32.msk $0xffff, v48  }
0x96: {  	_ =	swait.ge [sflag:s31], $0x2000  }
0x97: {  	[sflag:s31] =	ssyncset.done $0x0  }
0x98: {  	[sflag:s31] =	ssyncadd.s32 $0xFFFFE000  }
0x99: {  	_ =	swait.ge [sflag:s0], $0x2000  }
0x9a: {  	[sflag:s0] =	ssyncset.done $0x0  }
0x9b: {  	[sflag:s0] =	ssyncadd.s32 $0xFFFFE000  }
0x9c: {  	_ =	swait.ge [sflag:s1], $0x2000  }
0x9d: {  	[sflag:s1] =	ssyncset.done $0x0  }
0x9e: {  	[sflag:s1] =	ssyncadd.s32 $0xFFFFE000  }
0x9f: {  	_ =	swait.ge [sflag:s15], $0x2000  }
0xa0: {  	[sflag:s15] =	ssyncset.done $0x0  }
0xa1: {  	[sflag:s15] =	ssyncadd.s32 $0xFFFFE000  }
0xa2: {  	_ =	swait.ge [sflag:s16], $0x2000  }
0xa3: {  	[sflag:s16] =	ssyncset.done $0x0  }
0xa4: {  	s4 =	simm.s32 $0x2030;
	[sflag:s16] =	ssyncadd.s32 $0xFFFFE000  }
0xa5: {  	s22 =	simm.s32 $0x6030;
	v22 =	vld [tilespmem:s4+$0xFFFFFFD0]  }
0xa6: {  	s23 =	simm.s32 $0xA030;
	v23 =	vld [tilespmem:s22+$0xFFFFFFD0]  }
0xa7: {  	v24 =	vld [tilespmem:s23+$0xFFFFFFD0]  }
0xa8: {  	v25 =	vld [tilespmem:s4+$0xFFFFFFE0]  }
0xa9: {  	v26 =	vld [tilespmem:s22+$0xFFFFFFE0]  }
0xaa: {  	v27 =	vld [tilespmem:s23+$0xFFFFFFE0]  }
0xab: {  	s17 =	simm.s32 $0x12030;
	v28 =	vld [tilespmem:s4+$0xFFFFFFF0]  }
0xac: {  	v29 =	vld [tilespmem:s17+$0xFFFFFFD0]  }
0xad: {  	v30 =	vld [tilespmem:s22+$0xFFFFFFF0]  }
0xae: {  	s18 =	simm.s32 $0xE030;
	v31 =	vld [tilespmem:s23+$0xFFFFFFF0]  }
0xaf: {  	v32 =	vld [tilespmem:s18+$0xFFFFFFD0]  }
0xb0: {  	v33 =	vld [tilespmem:s4+$0x0]  }
0xb1: {  	v34 =	vld [tilespmem:s18+$0xFFFFFFE0]  }
0xb2: {  	v36 =	vld [tilespmem:s17+$0xFFFFFFE0]  }
0xb3: {  	v37 =	vld [tilespmem:s18+$0xFFFFFFF0];
	v29 =	vshll.u32 v29, $0x4  }
0xb4: {  	v59 =	vld [tilespmem:s17+$0xFFFFFFF0];
	v35 =	vor.u32 v0, v29  }
0xb5: {  	v39 =	vld [tilespmem:s22+$0x0];
	v38 =	vadd.s32 v3, v29  }
0xb6: {  	v41 =	vld [tilespmem:s18+$0x0];
	v42 =	vadd.s32 v4, v29  }
0xb7: {  	v43 =	vld [tilespmem:s23+$0x0];
	v40 =	vmul.f32 v32, v22;
	v45 =	vadd.s32 v5, v29  }
0xb8: {  	v61 =	vld [tilespmem:s17+$0x0];
	v44 =	vmul.f32 v32, v23;
	v36 =	vshll.u32 v36, $0x4;
	v58 =	vadd.s32 v6, v29  }
0xb9: {  	v46 =	vmul.f32 v32, v24;
	v49 =	vshll.u32 v59, $0x4;
	v60 =	vor.u32 v0, v36;
	[tilespmem:v35+s30+$0x0] =	vst.idx.add.f32.msk $0xffff, v40  }
0xba: {  	v50 =	vor.u32 v0, v49;
	[tilespmem:v38+s30+$0x0] =	vst.idx.add.f32.msk $0xffff, v44  }
0xbb: {  	v62 =	vadd.s32 v3, v36;
	[tilespmem:v42+s30+$0x0] =	vst.idx.add.f32.msk $0xffff, v46  }
0xbc: {  	v63 =	vmul.f32 v34, v25;
	[tilespmem:v45+s30+$0x0] =	vst.idx.add.f32.msk $0xffff, v22;
	v22 =	vadd.s32 v4, v36  }
0xbd: {  	v51 =	vmul.f32 v37, v28;
	[tilespmem:v58+s30+$0x0] =	vst.idx.add.f32.msk $0xffff, v23;
	v23 =	vadd.s32 v5, v36  }
0xbe: {  	v29 =	vadd.s32 v7, v29;
	[tilespmem:v60+s30+$0x0] =	vst.idx.add.f32.msk $0xffff, v63;
	v46 =	vmul.f32 v34, v26  }
0xbf: {  	v48 =	vmul.f32 v34, v27;
	v47 =	vadd.s32 v6, v36;
	[tilespmem:v50+s30+$0x0] =	vst.idx.add.f32.msk $0xffff, v51  }
0xc0: {  	v36 =	vadd.s32 v7, v36;
	[tilespmem:v62+s30+$0x0] =	vst.idx.add.f32.msk $0xffff, v46  }
0xc1: {  	[tilespmem:v22+s30+$0x0] =	vst.idx.add.f32.msk $0xffff, v48;
	v22 =	vadd.s32 v3, v49  }
0xc2: {  	[tilespmem:v23+s30+$0x0] =	vst.idx.add.f32.msk $0xffff, v25;
	v23 =	vadd.s32 v4, v49  }
0xc3: {  	v52 =	vadd.s32 v5, v49;
	[tilespmem:v29+s30+$0x0] =	vst.idx.add.f32.msk $0xffff, v24  }
0xc4: {  	v53 =	vmul.f32 v37, v30;
	v54 =	vadd.s32 v6, v49;
	[tilespmem:v47+s30+$0x0] =	vst.idx.add.f32.msk $0xffff, v26  }
0xc5: {  	v55 =	vmul.f32 v37, v31;
	v57 =	vshll.u32 v61, $0x4;
	v56 =	vadd.s32 v7, v49;
	[tilespmem:v36+s30+$0x0] =	vst.idx.add.f32.msk $0xffff, v27  }
0xc6: {  	[tilespmem:v22+s30+$0x0] =	vst.idx.add.f32.msk $0xffff, v53;
	v22 =	vor.u32 v0, v57  }
0xc7: {  	[tilespmem:v23+s30+$0x0] =	vst.idx.add.f32.msk $0xffff, v55;
	v23 =	vadd.s32 v3, v57  }
0xc8: {  	v21 =	vadd.f32 v32, v21;
	v58 =	vadd.s32 v4, v57;
	[tilespmem:v52+s30+$0x0] =	vst.idx.add.f32.msk $0xffff, v28  }
0xc9: {  	v59 =	vmul.f32 v41, v33;
	v60 =	vadd.s32 v5, v57;
	[tilespmem:v54+s30+$0x0] =	vst.idx.add.f32.msk $0xffff, v30  }
0xca: {  	v61 =	vmul.f32 v41, v39;
	v62 =	vadd.s32 v6, v57;
	[tilespmem:v56+s30+$0x0] =	vst.idx.add.f32.msk $0xffff, v31  }
0xcb: {  	v63 =	vmul.f32 v41, v43;
	[tilespmem:v22+s30+$0x0] =	vst.idx.add.f32.msk $0xffff, v59;
	v22 =	vadd.s32 v7, v57  }
0xcc: {  	v21 =	vadd.f32 v34, v21;
	[tilespmem:v23+s30+$0x0] =	vst.idx.add.f32.msk $0xffff, v61  }
0xcd: {  	[tilespmem:v58+s30+$0x0] =	vst.idx.add.f32.msk $0xffff, v63  }
0xce: {  	v21 =	vadd.f32 v37, v21;
	[tilespmem:v60+s30+$0x0] =	vst.idx.add.f32.msk $0xffff, v33  }
0xcf: {  	[tilespmem:v62+s30+$0x0] =	vst.idx.add.f32.msk $0xffff, v39  }
0xd0: {  	s19 =	simm.s32 $0x2000;
	s4 =	simm.s32 $0x2070;
	v21 =	vadd.f32 v41, v21;
	[tilespmem:v22+s30+$0x0] =	vst.idx.add.f32.msk $0xffff, v43  }
.LBB2_6:
0xd1: {  	v22 =	vld [tilespmem:s4+$0xFFFFFFD0];
	s22 =	sadd.s32 $0x40, s22  }
0xd2: {  	s23 =	sadd.s32 $0x40, s23;
	v23 =	vld [tilespmem:s22+$0xFFFFFFD0]  }
0xd3: {  	v24 =	vld [tilespmem:s23+$0xFFFFFFD0]  }
0xd4: {  	v25 =	vld [tilespmem:s4+$0xFFFFFFE0]  }
0xd5: {  	v26 =	vld [tilespmem:s22+$0xFFFFFFE0]  }
0xd6: {  	v27 =	vld [tilespmem:s23+$0xFFFFFFE0]  }
0xd7: {  	s17 =	sadd.s32 $0x40, s17;
	v28 =	vld [tilespmem:s4+$0xFFFFFFF0]  }
0xd8: {  	v29 =	vld [tilespmem:s17+$0xFFFFFFD0]  }
0xd9: {  	v30 =	vld [tilespmem:s22+$0xFFFFFFF0]  }
0xda: {  	s18 =	sadd.s32 $0x40, s18;
	v31 =	vld [tilespmem:s23+$0xFFFFFFF0]  }
0xdb: {  	s19 =	sadd.s32 $0x40, s19;
	v32 =	vld [tilespmem:s18+$0xFFFFFFD0]  }
0xdc: {  	p0 =	slt.u32 s19, $0x3FC0;
	v33 =	vld [tilespmem:s4+$0x0]  }
0xdd: {  	v29 =	vshll.u32 v29, $0x4;
	v34 =	vld [tilespmem:s18+$0xFFFFFFE0]  }
0xde: {  	v35 =	vor.u32 v0, v29;
	v36 =	vld [tilespmem:s17+$0xFFFFFFE0]  }
0xdf: {  	v37 =	vadd.s32 v3, v29;
	v38 =	vadd.s32 v4, v29;
	v39 =	vld [tilespmem:s18+$0xFFFFFFF0]  }
0xe0: {  	v40 =	vmul.f32 v32, v22;
	v41 =	vmul.f32 v32, v23;
	v21 =	vadd.f32 v32, v21;
	v42 =	vld [tilespmem:s22+$0x0]  }
0xe1: {  	v43 =	vadd.s32 v5, v29;
	v44 =	vadd.s32 v6, v29;
	v32 =	vmul.f32 v32, v24;
	v45 =	vld [tilespmem:s18+$0x0]  }
0xe2: {  	v46 =	vmul.f32 v34, v25;
	v47 =	vmul.f32 v34, v26;
	v21 =	vadd.f32 v34, v21;
	v48 =	vld [tilespmem:s23+$0x0]  }
0xe3: {  	v29 =	vadd.s32 v7, v29;
	v34 =	vmul.f32 v34, v27;
	[tilespmem:v35+s30+$0x0] =	vst.idx.add.f32.msk $0xffff, v40;
	v35 =	vshll.u32 v36, $0x4  }
0xe4: {  	v36 =	vld [tilespmem:s17+$0xFFFFFFF0];
	v40 =	vmul.f32 v39, v28;
	v49 =	vmul.f32 v39, v30;
	v21 =	vadd.f32 v39, v21  }
0xe5: {  	v39 =	vmul.f32 v39, v31;
	[tilespmem:v37+s30+$0x0] =	vst.idx.add.f32.msk $0xffff, v41;
	v37 =	vor.u32 v0, v35  }
0xe6: {  	v41 =	vld [tilespmem:s17+$0x0];
	v50 =	vmul.f32 v45, v33;
	v51 =	vmul.f32 v45, v42;
	v21 =	vadd.f32 v45, v21  }
0xe7: {  	[tilespmem:v38+s30+$0x0] =	vst.idx.add.f32.msk $0xffff, v32;
	v32 =	vadd.s32 v3, v35;
	v38 =	vmul.f32 v45, v48  }
0xe8: {  	[tilespmem:v43+s30+$0x0] =	vst.idx.add.f32.msk $0xffff, v22;
	v22 =	vadd.s32 v4, v35  }
0xe9: {  	[tilespmem:v44+s30+$0x0] =	vst.idx.add.f32.msk $0xffff, v23;
	v23 =	vadd.s32 v5, v35  }
0xea: {  	[tilespmem:v29+s30+$0x0] =	vst.idx.add.f32.msk $0xffff, v24;
	v24 =	vadd.s32 v6, v35  }
0xeb: {  	v29 =	vadd.s32 v7, v35;
	v35 =	vshll.u32 v36, $0x4;
	[tilespmem:v37+s30+$0x0] =	vst.idx.add.f32.msk $0xffff, v46  }
0xec: {  	[tilespmem:v32+s30+$0x0] =	vst.idx.add.f32.msk $0xffff, v47;
	v32 =	vor.u32 v0, v35  }
0xed: {  	[tilespmem:v22+s30+$0x0] =	vst.idx.add.f32.msk $0xffff, v34;
	v22 =	vadd.s32 v3, v35  }
0xee: {  	[tilespmem:v23+s30+$0x0] =	vst.idx.add.f32.msk $0xffff, v25;
	v23 =	vadd.s32 v4, v35  }
0xef: {  	[tilespmem:v24+s30+$0x0] =	vst.idx.add.f32.msk $0xffff, v26;
	v24 =	vadd.s32 v5, v35  }
0xf0: {  	v25 =	vadd.s32 v6, v35;
	[tilespmem:v29+s30+$0x0] =	vst.idx.add.f32.msk $0xffff, v27  }
0xf1: {  	v26 =	vadd.s32 v7, v35;
	v27 =	vshll.u32 v41, $0x4;
	[tilespmem:v32+s30+$0x0] =	vst.idx.add.f32.msk $0xffff, v40  }
0xf2: {  	[tilespmem:v22+s30+$0x0] =	vst.idx.add.f32.msk $0xffff, v49;
	v22 =	vor.u32 v0, v27  }
0xf3: {  	[tilespmem:v23+s30+$0x0] =	vst.idx.add.f32.msk $0xffff, v39;
	v23 =	vadd.s32 v3, v27  }
0xf4: {  	[tilespmem:v24+s30+$0x0] =	vst.idx.add.f32.msk $0xffff, v28;
	v24 =	vadd.s32 v4, v27  }
0xf5: {  	[tilespmem:v25+s30+$0x0] =	vst.idx.add.f32.msk $0xffff, v30;
	v25 =	vadd.s32 v5, v27  }
0xf6: {  	[tilespmem:v26+s30+$0x0] =	vst.idx.add.f32.msk $0xffff, v31;
	v26 =	vadd.s32 v6, v27  }
0xf7: {  	[tilespmem:v22+s30+$0x0] =	vst.idx.add.f32.msk $0xffff, v50;
	v22 =	vadd.s32 v7, v27  }
.Ltmp2:
0xf8: {  	[tilespmem:v23+s30+$0x0] =	vst.idx.add.f32.msk $0xffff, v51;
	(pc) =	sbr.rel @p0 .LBB2_6-.Ltmp2, $4  }
0xf9: {  	[tilespmem:v24+s30+$0x0] =	vst.idx.add.f32.msk $0xffff, v38  }
0xfa: {  	[tilespmem:v25+s30+$0x0] =	vst.idx.add.f32.msk $0xffff, v33  }
0xfb: {  	[tilespmem:v26+s30+$0x0] =	vst.idx.add.f32.msk $0xffff, v42  }
0xfc: {  	s4 =	sadd.s32 $0x40, s4;
	[tilespmem:v22+s30+$0x0] =	vst.idx.add.f32.msk $0xffff, v48  }
0xfd: {  	_ =	sdelay $0x3  }
0xfe: {  	v22 =	vld.idx.msk [tilespmem:v2+s30+$0x0], $0xffff;
	_ =	sdelay $0x1  }
0xff: {  	v23 =	vld.idx.msk [tilespmem:v8+s30+$0x0], $0xffff;
	_ =	sdelay $0x1  }
0x100: {  	v24 =	vld.idx.msk [tilespmem:v9+s30+$0x0], $0xffff  }
0x101: {  	v22 =	vadd.f32 $0.0e+00, v22  }
0x102: {  	v25 =	vld.idx.msk [tilespmem:v10+s30+$0x0], $0xffff  }
0x103: {  	v22 =	vadd.f32 v23, v22  }
0x104: {  	v23 =	vld.idx.msk [tilespmem:v11+s30+$0x0], $0xffff  }
0x105: {  	v22 =	vadd.f32 v24, v22  }
0x106: {  	v35 =	vld.idx.msk [tilespmem:v12+s30+$0x0], $0xffff  }
0x107: {  	v22 =	vadd.f32 v25, v22  }
0x108: {  	v36 =	vld.idx.msk [tilespmem:v13+s30+$0x0], $0xffff  }
0x109: {  	v22 =	vadd.f32 v23, v22  }
0x10a: {  	v23 =	vld.idx.msk [tilespmem:v14+s30+$0x0], $0xffff  }
0x10b: {  	v22 =	vadd.f32 v35, v22  }
0x10c: {  	v37 =	vld.idx.msk [tilespmem:v15+s30+$0x0], $0xffff  }
0x10d: {  	v22 =	vadd.f32 v36, v22  }
0x10e: {  	v38 =	vld.idx.msk [tilespmem:v16+s30+$0x0], $0xffff  }
0x10f: {  	v22 =	vadd.f32 v23, v22  }
0x110: {  	v23 =	vld.idx.msk [tilespmem:v17+s30+$0x0], $0xffff  }
0x111: {  	v22 =	vadd.f32 v37, v22  }
0x112: {  	v39 =	vld.idx.msk [tilespmem:v18+s30+$0x0], $0xffff  }
0x113: {  	v40 =	vor.u32 $0xE, v2;
	v22 =	vadd.f32 v38, v22  }
0x114: {  	v26 =	vld.idx.msk [tilespmem:v19+s30+$0x0], $0xffff  }
0x115: {  	v22 =	vadd.f32 v23, v22;
	v23 =	vor.u32 $0xF, v2  }
0x116: {  	v27 =	vld.idx.msk [tilespmem:v20+s30+$0x0], $0xffff  }
0x117: {  	v22 =	vadd.f32 v39, v22  }
0x118: {  	v41 =	vld.idx.msk [tilespmem:v40+s30+$0x0], $0xffff  }
0x119: {  	v22 =	vadd.f32 v26, v22  }
0x11a: {  	v23 =	vld.idx.msk [tilespmem:v23+s30+$0x0], $0xffff  }
0x11b: {  	v22 =	vadd.f32 v27, v22;
	_ =	sdelay $0x1  }
0x11c: {  	v42 =	vor.u32 $0x100, v2;
	v22 =	vadd.f32 v41, v22;
	_ =	sdelay $0x1  }
0x11d: {  	v22 =	vadd.f32 v23, v22;
	v23 =	vor.u32 $0x101, v2;
	_ =	sdelay $0x1  }
0x11e: {  	[tilespmem:$0x15800] =	vst v22;
	v22 =	vor.u32 $0x102, v2  }
0x11f: {  	v24 =	vld.idx.msk [tilespmem:v42+s30+$0x0], $0xffff  }
0x120: {  	v43 =	vor.u32 $0x103, v2  }
0x121: {  	v23 =	vld.idx.msk [tilespmem:v23+s30+$0x0], $0xffff  }
0x122: {  	v44 =	vor.u32 $0x104, v2  }
0x123: {  	v22 =	vld.idx.msk [tilespmem:v22+s30+$0x0], $0xffff  }
0x124: {  	v45 =	vor.u32 $0x105, v2;
	v24 =	vadd.f32 $0.0e+00, v24  }
0x125: {  	v25 =	vld.idx.msk [tilespmem:v43+s30+$0x0], $0xffff  }
0x126: {  	v46 =	vor.u32 $0x106, v2;
	v23 =	vadd.f32 v23, v24  }
0x127: {  	v26 =	vld.idx.msk [tilespmem:v44+s30+$0x0], $0xffff  }
0x128: {  	v22 =	vadd.f32 v22, v23;
	v23 =	vor.u32 $0x107, v2  }
0x129: {  	v27 =	vld.idx.msk [tilespmem:v45+s30+$0x0], $0xffff  }
0x12a: {  	v47 =	vor.u32 $0x108, v2;
	v22 =	vadd.f32 v25, v22  }
0x12b: {  	v24 =	vld.idx.msk [tilespmem:v46+s30+$0x0], $0xffff  }
0x12c: {  	v48 =	vor.u32 $0x109, v2;
	v22 =	vadd.f32 v26, v22  }
0x12d: {  	v23 =	vld.idx.msk [tilespmem:v23+s30+$0x0], $0xffff  }
0x12e: {  	v49 =	vor.u32 $0x10A, v2;
	v22 =	vadd.f32 v27, v22  }
0x12f: {  	v25 =	vld.idx.msk [tilespmem:v47+s30+$0x0], $0xffff  }
0x130: {  	v50 =	vor.u32 $0x10B, v2;
	v22 =	vadd.f32 v24, v22  }
0x131: {  	v26 =	vld.idx.msk [tilespmem:v48+s30+$0x0], $0xffff  }
0x132: {  	v22 =	vadd.f32 v23, v22;
	v23 =	vor.u32 $0x10C, v2  }
0x133: {  	v27 =	vld.idx.msk [tilespmem:v49+s30+$0x0], $0xffff  }
0x134: {  	v51 =	vor.u32 $0x10D, v2;
	v22 =	vadd.f32 v25, v22  }
0x135: {  	v24 =	vld.idx.msk [tilespmem:v50+s30+$0x0], $0xffff  }
0x136: {  	v52 =	vor.u32 $0x10E, v2;
	v22 =	vadd.f32 v26, v22  }
0x137: {  	v23 =	vld.idx.msk [tilespmem:v23+s30+$0x0], $0xffff  }
0x138: {  	v53 =	vor.u32 $0x10F, v2;
	v22 =	vadd.f32 v27, v22  }
0x139: {  	v25 =	vld.idx.msk [tilespmem:v51+s30+$0x0], $0xffff  }
0x13a: {  	v22 =	vadd.f32 v24, v22  }
0x13b: {  	v54 =	vld.idx.msk [tilespmem:v52+s30+$0x0], $0xffff  }
0x13c: {  	v22 =	vadd.f32 v23, v22  }
0x13d: {  	v23 =	vld.idx.msk [tilespmem:v53+s30+$0x0], $0xffff  }
0x13e: {  	v22 =	vadd.f32 v25, v22;
	_ =	sdelay $0x1  }
0x13f: {  	v55 =	vor.u32 $0x200, v2;
	v22 =	vadd.f32 v54, v22;
	_ =	sdelay $0x1  }
0x140: {  	v22 =	vadd.f32 v23, v22;
	v23 =	vor.u32 $0x201, v2;
	_ =	sdelay $0x1  }
0x141: {  	[tilespmem:$0x15810] =	vst v22;
	v22 =	vor.u32 $0x202, v2  }
0x142: {  	v24 =	vld.idx.msk [tilespmem:v55+s30+$0x0], $0xffff  }
0x143: {  	v56 =	vor.u32 $0x203, v2  }
0x144: {  	v23 =	vld.idx.msk [tilespmem:v23+s30+$0x0], $0xffff  }
0x145: {  	v57 =	vor.u32 $0x204, v2  }
0x146: {  	v22 =	vld.idx.msk [tilespmem:v22+s30+$0x0], $0xffff  }
0x147: {  	v58 =	vor.u32 $0x205, v2;
	v24 =	vadd.f32 $0.0e+00, v24  }
0x148: {  	v25 =	vld.idx.msk [tilespmem:v56+s30+$0x0], $0xffff  }
0x149: {  	v59 =	vor.u32 $0x206, v2;
	v23 =	vadd.f32 v23, v24  }
0x14a: {  	v26 =	vld.idx.msk [tilespmem:v57+s30+$0x0], $0xffff  }
0x14b: {  	v22 =	vadd.f32 v22, v23;
	v23 =	vor.u32 $0x207, v2  }
0x14c: {  	v27 =	vld.idx.msk [tilespmem:v58+s30+$0x0], $0xffff  }
0x14d: {  	v60 =	vor.u32 $0x208, v2;
	v22 =	vadd.f32 v25, v22  }
0x14e: {  	v24 =	vld.idx.msk [tilespmem:v59+s30+$0x0], $0xffff  }
0x14f: {  	v61 =	vor.u32 $0x209, v2;
	v22 =	vadd.f32 v26, v22  }
0x150: {  	v23 =	vld.idx.msk [tilespmem:v23+s30+$0x0], $0xffff  }
0x151: {  	v62 =	vor.u32 $0x20A, v2;
	v22 =	vadd.f32 v27, v22  }
0x152: {  	v25 =	vld.idx.msk [tilespmem:v60+s30+$0x0], $0xffff  }
0x153: {  	v63 =	vor.u32 $0x20B, v2;
	v22 =	vadd.f32 v24, v22  }
0x154: {  	v26 =	vld.idx.msk [tilespmem:v61+s30+$0x0], $0xffff  }
0x155: {  	v22 =	vadd.f32 v23, v22;
	v23 =	vor.u32 $0x20C, v2  }
0x156: {  	v27 =	vld.idx.msk [tilespmem:v62+s30+$0x0], $0xffff  }
0x157: {  	v30 =	vor.u32 $0x20D, v2;
	v22 =	vadd.f32 v25, v22  }
0x158: {  	v24 =	vld.idx.msk [tilespmem:v63+s30+$0x0], $0xffff  }
0x159: {  	v31 =	vor.u32 $0x20E, v2;
	v22 =	vadd.f32 v26, v22  }
0x15a: {  	v23 =	vld.idx.msk [tilespmem:v23+s30+$0x0], $0xffff  }
0x15b: {  	v32 =	vor.u32 $0x20F, v2;
	v22 =	vadd.f32 v27, v22  }
0x15c: {  	v25 =	vld.idx.msk [tilespmem:v30+s30+$0x0], $0xffff  }
0x15d: {  	v22 =	vadd.f32 v24, v22  }
0x15e: {  	v33 =	vld.idx.msk [tilespmem:v31+s30+$0x0], $0xffff  }
0x15f: {  	v22 =	vadd.f32 v23, v22  }
0x160: {  	v23 =	vld.idx.msk [tilespmem:v32+s30+$0x0], $0xffff  }
0x161: {  	v22 =	vadd.f32 v25, v22;
	_ =	sdelay $0x1  }
0x162: {  	v34 =	vor.u32 $0x300, v2;
	v22 =	vadd.f32 v33, v22;
	_ =	sdelay $0x1  }
0x163: {  	v22 =	vadd.f32 v23, v22;
	v23 =	vor.u32 $0x301, v2;
	_ =	sdelay $0x1  }
0x164: {  	[tilespmem:$0x15820] =	vst v22;
	v22 =	vor.u32 $0x302, v2  }
0x165: {  	v24 =	vld.idx.msk [tilespmem:v34+s30+$0x0], $0xffff  }
0x166: {  	v35 =	vor.u32 $0x303, v2  }
0x167: {  	v23 =	vld.idx.msk [tilespmem:v23+s30+$0x0], $0xffff  }
0x168: {  	v36 =	vor.u32 $0x304, v2  }
0x169: {  	v22 =	vld.idx.msk [tilespmem:v22+s30+$0x0], $0xffff  }
0x16a: {  	v37 =	vor.u32 $0x305, v2;
	v24 =	vadd.f32 $0.0e+00, v24  }
0x16b: {  	v25 =	vld.idx.msk [tilespmem:v35+s30+$0x0], $0xffff  }
0x16c: {  	v38 =	vor.u32 $0x306, v2;
	v23 =	vadd.f32 v23, v24  }
0x16d: {  	v26 =	vld.idx.msk [tilespmem:v36+s30+$0x0], $0xffff  }
0x16e: {  	v22 =	vadd.f32 v22, v23;
	v23 =	vor.u32 $0x307, v2  }
0x16f: {  	v27 =	vld.idx.msk [tilespmem:v37+s30+$0x0], $0xffff  }
0x170: {  	v39 =	vor.u32 $0x308, v2;
	v22 =	vadd.f32 v25, v22  }
0x171: {  	v24 =	vld.idx.msk [tilespmem:v38+s30+$0x0], $0xffff  }
0x172: {  	v40 =	vor.u32 $0x309, v2;
	v22 =	vadd.f32 v26, v22  }
0x173: {  	v23 =	vld.idx.msk [tilespmem:v23+s30+$0x0], $0xffff  }
0x174: {  	v41 =	vor.u32 $0x30A, v2;
	v22 =	vadd.f32 v27, v22  }
0x175: {  	v25 =	vld.idx.msk [tilespmem:v39+s30+$0x0], $0xffff  }
0x176: {  	v42 =	vor.u32 $0x30B, v2;
	v22 =	vadd.f32 v24, v22  }
0x177: {  	v26 =	vld.idx.msk [tilespmem:v40+s30+$0x0], $0xffff  }
0x178: {  	v22 =	vadd.f32 v23, v22;
	v23 =	vor.u32 $0x30C, v2  }
0x179: {  	v27 =	vld.idx.msk [tilespmem:v41+s30+$0x0], $0xffff  }
0x17a: {  	v43 =	vor.u32 $0x30D, v2;
	v22 =	vadd.f32 v25, v22  }
0x17b: {  	v24 =	vld.idx.msk [tilespmem:v42+s30+$0x0], $0xffff  }
0x17c: {  	v44 =	vor.u32 $0x30E, v2;
	v22 =	vadd.f32 v26, v22  }
0x17d: {  	v23 =	vld.idx.msk [tilespmem:v23+s30+$0x0], $0xffff  }
0x17e: {  	v45 =	vor.u32 $0x30F, v2;
	v22 =	vadd.f32 v27, v22  }
0x17f: {  	v25 =	vld.idx.msk [tilespmem:v43+s30+$0x0], $0xffff  }
0x180: {  	v22 =	vadd.f32 v24, v22  }
0x181: {  	v46 =	vld.idx.msk [tilespmem:v44+s30+$0x0], $0xffff  }
0x182: {  	v22 =	vadd.f32 v23, v22  }
0x183: {  	v23 =	vld.idx.msk [tilespmem:v45+s30+$0x0], $0xffff  }
0x184: {  	v22 =	vadd.f32 v25, v22;
	_ =	sdelay $0x1  }
0x185: {  	v47 =	vor.u32 $0x400, v2;
	v22 =	vadd.f32 v46, v22;
	_ =	sdelay $0x1  }
0x186: {  	v22 =	vadd.f32 v23, v22;
	v23 =	vor.u32 $0x401, v2;
	_ =	sdelay $0x1  }
0x187: {  	[tilespmem:$0x15830] =	vst v22;
	v22 =	vor.u32 $0x402, v2  }
0x188: {  	v24 =	vld.idx.msk [tilespmem:v47+s30+$0x0], $0xffff  }
0x189: {  	v48 =	vor.u32 $0x403, v2  }
0x18a: {  	v23 =	vld.idx.msk [tilespmem:v23+s30+$0x0], $0xffff  }
0x18b: {  	v49 =	vor.u32 $0x404, v2  }
0x18c: {  	v22 =	vld.idx.msk [tilespmem:v22+s30+$0x0], $0xffff  }
0x18d: {  	v50 =	vor.u32 $0x405, v2;
	v24 =	vadd.f32 $0.0e+00, v24  }
0x18e: {  	v25 =	vld.idx.msk [tilespmem:v48+s30+$0x0], $0xffff  }
0x18f: {  	v51 =	vor.u32 $0x406, v2;
	v23 =	vadd.f32 v23, v24  }
0x190: {  	v26 =	vld.idx.msk [tilespmem:v49+s30+$0x0], $0xffff  }
0x191: {  	v22 =	vadd.f32 v22, v23;
	v23 =	vor.u32 $0x407, v2  }
0x192: {  	v27 =	vld.idx.msk [tilespmem:v50+s30+$0x0], $0xffff  }
0x193: {  	v52 =	vor.u32 $0x408, v2;
	v22 =	vadd.f32 v25, v22  }
0x194: {  	v24 =	vld.idx.msk [tilespmem:v51+s30+$0x0], $0xffff  }
0x195: {  	v53 =	vor.u32 $0x409, v2;
	v22 =	vadd.f32 v26, v22  }
0x196: {  	v23 =	vld.idx.msk [tilespmem:v23+s30+$0x0], $0xffff  }
0x197: {  	v54 =	vor.u32 $0x40A, v2;
	v22 =	vadd.f32 v27, v22  }
0x198: {  	v25 =	vld.idx.msk [tilespmem:v52+s30+$0x0], $0xffff  }
0x199: {  	v55 =	vor.u32 $0x40B, v2;
	v22 =	vadd.f32 v24, v22  }
0x19a: {  	v26 =	vld.idx.msk [tilespmem:v53+s30+$0x0], $0xffff  }
0x19b: {  	v22 =	vadd.f32 v23, v22;
	v23 =	vor.u32 $0x40C, v2  }
0x19c: {  	v27 =	vld.idx.msk [tilespmem:v54+s30+$0x0], $0xffff  }
0x19d: {  	v56 =	vor.u32 $0x40D, v2;
	v22 =	vadd.f32 v25, v22  }
0x19e: {  	v24 =	vld.idx.msk [tilespmem:v55+s30+$0x0], $0xffff  }
0x19f: {  	v57 =	vor.u32 $0x40E, v2;
	v22 =	vadd.f32 v26, v22  }
0x1a0: {  	v23 =	vld.idx.msk [tilespmem:v23+s30+$0x0], $0xffff  }
0x1a1: {  	v58 =	vor.u32 $0x40F, v2;
	v22 =	vadd.f32 v27, v22  }
0x1a2: {  	v25 =	vld.idx.msk [tilespmem:v56+s30+$0x0], $0xffff  }
0x1a3: {  	v22 =	vadd.f32 v24, v22  }
0x1a4: {  	v59 =	vld.idx.msk [tilespmem:v57+s30+$0x0], $0xffff  }
0x1a5: {  	v22 =	vadd.f32 v23, v22  }
0x1a6: {  	v23 =	vld.idx.msk [tilespmem:v58+s30+$0x0], $0xffff  }
0x1a7: {  	v22 =	vadd.f32 v25, v22;
	_ =	sdelay $0x1  }
0x1a8: {  	v60 =	vor.u32 $0x500, v2;
	v22 =	vadd.f32 v59, v22;
	_ =	sdelay $0x1  }
0x1a9: {  	v22 =	vadd.f32 v23, v22;
	v23 =	vor.u32 $0x501, v2;
	_ =	sdelay $0x1  }
0x1aa: {  	[tilespmem:$0x15840] =	vst v22;
	v22 =	vor.u32 $0x502, v2  }
0x1ab: {  	v24 =	vld.idx.msk [tilespmem:v60+s30+$0x0], $0xffff  }
0x1ac: {  	v61 =	vor.u32 $0x503, v2  }
0x1ad: {  	v23 =	vld.idx.msk [tilespmem:v23+s30+$0x0], $0xffff  }
0x1ae: {  	v62 =	vor.u32 $0x504, v2  }
0x1af: {  	v22 =	vld.idx.msk [tilespmem:v22+s30+$0x0], $0xffff  }
0x1b0: {  	v63 =	vor.u32 $0x505, v2;
	v24 =	vadd.f32 $0.0e+00, v24  }
0x1b1: {  	v25 =	vld.idx.msk [tilespmem:v61+s30+$0x0], $0xffff  }
0x1b2: {  	v30 =	vor.u32 $0x506, v2;
	v23 =	vadd.f32 v23, v24  }
0x1b3: {  	v26 =	vld.idx.msk [tilespmem:v62+s30+$0x0], $0xffff  }
0x1b4: {  	v22 =	vadd.f32 v22, v23;
	v23 =	vor.u32 $0x507, v2  }
0x1b5: {  	v27 =	vld.idx.msk [tilespmem:v63+s30+$0x0], $0xffff  }
0x1b6: {  	v31 =	vor.u32 $0x508, v2;
	v22 =	vadd.f32 v25, v22  }
0x1b7: {  	v24 =	vld.idx.msk [tilespmem:v30+s30+$0x0], $0xffff  }
0x1b8: {  	v32 =	vor.u32 $0x509, v2;
	v22 =	vadd.f32 v26, v22  }
0x1b9: {  	v23 =	vld.idx.msk [tilespmem:v23+s30+$0x0], $0xffff  }
0x1ba: {  	v33 =	vor.u32 $0x50A, v2;
	v22 =	vadd.f32 v27, v22  }
0x1bb: {  	v25 =	vld.idx.msk [tilespmem:v31+s30+$0x0], $0xffff  }
0x1bc: {  	v34 =	vor.u32 $0x50B, v2;
	v22 =	vadd.f32 v24, v22  }
0x1bd: {  	v26 =	vld.idx.msk [tilespmem:v32+s30+$0x0], $0xffff  }
0x1be: {  	v22 =	vadd.f32 v23, v22;
	v23 =	vor.u32 $0x50C, v2  }
0x1bf: {  	v27 =	vld.idx.msk [tilespmem:v33+s30+$0x0], $0xffff  }
0x1c0: {  	v35 =	vor.u32 $0x50D, v2;
	v22 =	vadd.f32 v25, v22  }
0x1c1: {  	v24 =	vld.idx.msk [tilespmem:v34+s30+$0x0], $0xffff  }
0x1c2: {  	v36 =	vor.u32 $0x50E, v2;
	v22 =	vadd.f32 v26, v22  }
0x1c3: {  	v23 =	vld.idx.msk [tilespmem:v23+s30+$0x0], $0xffff  }
0x1c4: {  	v37 =	vor.u32 $0x50F, v2;
	v22 =	vadd.f32 v27, v22  }
0x1c5: {  	v25 =	vld.idx.msk [tilespmem:v35+s30+$0x0], $0xffff  }
0x1c6: {  	v22 =	vadd.f32 v24, v22  }
0x1c7: {  	v38 =	vld.idx.msk [tilespmem:v36+s30+$0x0], $0xffff  }
0x1c8: {  	v22 =	vadd.f32 v23, v22  }
0x1c9: {  	v23 =	vld.idx.msk [tilespmem:v37+s30+$0x0], $0xffff  }
0x1ca: {  	v22 =	vadd.f32 v25, v22;
	_ =	sdelay $0x1  }
0x1cb: {  	v39 =	vor.u32 $0x600, v2;
	v22 =	vadd.f32 v38, v22;
	_ =	sdelay $0x1  }
0x1cc: {  	v22 =	vadd.f32 v23, v22;
	v23 =	vor.u32 $0x601, v2;
	_ =	sdelay $0x1  }
0x1cd: {  	[tilespmem:$0x15850] =	vst v22;
	v22 =	vor.u32 $0x602, v2  }
0x1ce: {  	v24 =	vld.idx.msk [tilespmem:v39+s30+$0x0], $0xffff  }
0x1cf: {  	v40 =	vor.u32 $0x603, v2  }
0x1d0: {  	v23 =	vld.idx.msk [tilespmem:v23+s30+$0x0], $0xffff  }
0x1d1: {  	v41 =	vor.u32 $0x604, v2  }
0x1d2: {  	v22 =	vld.idx.msk [tilespmem:v22+s30+$0x0], $0xffff  }
0x1d3: {  	v42 =	vor.u32 $0x605, v2;
	v24 =	vadd.f32 $0.0e+00, v24  }
0x1d4: {  	v25 =	vld.idx.msk [tilespmem:v40+s30+$0x0], $0xffff  }
0x1d5: {  	v43 =	vor.u32 $0x606, v2;
	v23 =	vadd.f32 v23, v24  }
0x1d6: {  	v26 =	vld.idx.msk [tilespmem:v41+s30+$0x0], $0xffff  }
0x1d7: {  	v22 =	vadd.f32 v22, v23;
	v23 =	vor.u32 $0x607, v2  }
0x1d8: {  	v27 =	vld.idx.msk [tilespmem:v42+s30+$0x0], $0xffff  }
0x1d9: {  	v44 =	vor.u32 $0x608, v2;
	v22 =	vadd.f32 v25, v22  }
0x1da: {  	v24 =	vld.idx.msk [tilespmem:v43+s30+$0x0], $0xffff  }
0x1db: {  	v45 =	vor.u32 $0x609, v2;
	v22 =	vadd.f32 v26, v22  }
0x1dc: {  	v23 =	vld.idx.msk [tilespmem:v23+s30+$0x0], $0xffff  }
0x1dd: {  	v46 =	vor.u32 $0x60A, v2;
	v22 =	vadd.f32 v27, v22  }
0x1de: {  	v25 =	vld.idx.msk [tilespmem:v44+s30+$0x0], $0xffff  }
0x1df: {  	v47 =	vor.u32 $0x60B, v2;
	v22 =	vadd.f32 v24, v22  }
0x1e0: {  	v26 =	vld.idx.msk [tilespmem:v45+s30+$0x0], $0xffff  }
0x1e1: {  	v22 =	vadd.f32 v23, v22;
	v23 =	vor.u32 $0x60C, v2  }
0x1e2: {  	v27 =	vld.idx.msk [tilespmem:v46+s30+$0x0], $0xffff  }
0x1e3: {  	v48 =	vor.u32 $0x60D, v2;
	v22 =	vadd.f32 v25, v22  }
0x1e4: {  	v24 =	vld.idx.msk [tilespmem:v47+s30+$0x0], $0xffff  }
0x1e5: {  	v49 =	vor.u32 $0x60E, v2;
	v22 =	vadd.f32 v26, v22  }
0x1e6: {  	v23 =	vld.idx.msk [tilespmem:v23+s30+$0x0], $0xffff  }
0x1e7: {  	v50 =	vor.u32 $0x60F, v2;
	v22 =	vadd.f32 v27, v22  }
0x1e8: {  	v25 =	vld.idx.msk [tilespmem:v48+s30+$0x0], $0xffff  }
0x1e9: {  	v22 =	vadd.f32 v24, v22  }
0x1ea: {  	v51 =	vld.idx.msk [tilespmem:v49+s30+$0x0], $0xffff  }
0x1eb: {  	v22 =	vadd.f32 v23, v22  }
0x1ec: {  	v23 =	vld.idx.msk [tilespmem:v50+s30+$0x0], $0xffff  }
0x1ed: {  	v22 =	vadd.f32 v25, v22;
	_ =	sdelay $0x1  }
0x1ee: {  	v52 =	vor.u32 $0x700, v2;
	v22 =	vadd.f32 v51, v22;
	_ =	sdelay $0x1  }
0x1ef: {  	v22 =	vadd.f32 v23, v22;
	v23 =	vor.u32 $0x701, v2;
	_ =	sdelay $0x1  }
0x1f0: {  	[tilespmem:$0x15860] =	vst v22;
	v22 =	vor.u32 $0x702, v2  }
0x1f1: {  	v24 =	vld.idx.msk [tilespmem:v52+s30+$0x0], $0xffff  }
0x1f2: {  	v53 =	vor.u32 $0x703, v2  }
0x1f3: {  	v23 =	vld.idx.msk [tilespmem:v23+s30+$0x0], $0xffff  }
0x1f4: {  	v54 =	vor.u32 $0x704, v2  }
0x1f5: {  	v22 =	vld.idx.msk [tilespmem:v22+s30+$0x0], $0xffff  }
0x1f6: {  	v55 =	vor.u32 $0x705, v2;
	v24 =	vadd.f32 $0.0e+00, v24  }
0x1f7: {  	v25 =	vld.idx.msk [tilespmem:v53+s30+$0x0], $0xffff  }
0x1f8: {  	v56 =	vor.u32 $0x706, v2;
	v23 =	vadd.f32 v23, v24  }
0x1f9: {  	v26 =	vld.idx.msk [tilespmem:v54+s30+$0x0], $0xffff  }
0x1fa: {  	v22 =	vadd.f32 v22, v23;
	v23 =	vor.u32 $0x707, v2  }
0x1fb: {  	v27 =	vld.idx.msk [tilespmem:v55+s30+$0x0], $0xffff  }
0x1fc: {  	v57 =	vor.u32 $0x708, v2;
	v22 =	vadd.f32 v25, v22  }
0x1fd: {  	v24 =	vld.idx.msk [tilespmem:v56+s30+$0x0], $0xffff  }
0x1fe: {  	v58 =	vor.u32 $0x709, v2;
	v22 =	vadd.f32 v26, v22  }
0x1ff: {  	v23 =	vld.idx.msk [tilespmem:v23+s30+$0x0], $0xffff  }
0x200: {  	v59 =	vor.u32 $0x70A, v2;
	v22 =	vadd.f32 v27, v22  }
0x201: {  	v25 =	vld.idx.msk [tilespmem:v57+s30+$0x0], $0xffff  }
0x202: {  	v60 =	vor.u32 $0x70B, v2;
	v22 =	vadd.f32 v24, v22  }
0x203: {  	v26 =	vld.idx.msk [tilespmem:v58+s30+$0x0], $0xffff  }
0x204: {  	v22 =	vadd.f32 v23, v22;
	v23 =	vor.u32 $0x70C, v2  }
0x205: {  	v27 =	vld.idx.msk [tilespmem:v59+s30+$0x0], $0xffff  }
0x206: {  	v61 =	vor.u32 $0x70D, v2;
	v22 =	vadd.f32 v25, v22  }
0x207: {  	v24 =	vld.idx.msk [tilespmem:v60+s30+$0x0], $0xffff  }
0x208: {  	v62 =	vor.u32 $0x70E, v2;
	v22 =	vadd.f32 v26, v22  }
0x209: {  	v23 =	vld.idx.msk [tilespmem:v23+s30+$0x0], $0xffff  }
0x20a: {  	v63 =	vor.u32 $0x70F, v2;
	v22 =	vadd.f32 v27, v22  }
0x20b: {  	v25 =	vld.idx.msk [tilespmem:v61+s30+$0x0], $0xffff  }
0x20c: {  	v22 =	vadd.f32 v24, v22  }
0x20d: {  	v28 =	vld.idx.msk [tilespmem:v62+s30+$0x0], $0xffff  }
0x20e: {  	v22 =	vadd.f32 v23, v22  }
0x20f: {  	v23 =	vld.idx.msk [tilespmem:v63+s30+$0x0], $0xffff  }
0x210: {  	v22 =	vadd.f32 v25, v22;
	_ =	sdelay $0x1  }
0x211: {  	v29 =	vor.u32 $0x800, v2;
	v22 =	vadd.f32 v28, v22;
	_ =	sdelay $0x1  }
0x212: {  	v22 =	vadd.f32 v23, v22;
	v23 =	vor.u32 $0x801, v2;
	_ =	sdelay $0x1  }
0x213: {  	[tilespmem:$0x15870] =	vst v22;
	v22 =	vor.u32 $0x802, v2  }
0x214: {  	v24 =	vld.idx.msk [tilespmem:v29+s30+$0x0], $0xffff  }
0x215: {  	v30 =	vor.u32 $0x803, v2  }
0x216: {  	v23 =	vld.idx.msk [tilespmem:v23+s30+$0x0], $0xffff  }
0x217: {  	v31 =	vor.u32 $0x804, v2  }
0x218: {  	v22 =	vld.idx.msk [tilespmem:v22+s30+$0x0], $0xffff  }
0x219: {  	v32 =	vor.u32 $0x805, v2;
	v24 =	vadd.f32 $0.0e+00, v24  }
0x21a: {  	v25 =	vld.idx.msk [tilespmem:v30+s30+$0x0], $0xffff  }
0x21b: {  	v33 =	vor.u32 $0x806, v2;
	v23 =	vadd.f32 v23, v24  }
0x21c: {  	v26 =	vld.idx.msk [tilespmem:v31+s30+$0x0], $0xffff  }
0x21d: {  	v22 =	vadd.f32 v22, v23;
	v23 =	vor.u32 $0x807, v2  }
0x21e: {  	v27 =	vld.idx.msk [tilespmem:v32+s30+$0x0], $0xffff  }
0x21f: {  	v34 =	vor.u32 $0x808, v2;
	v22 =	vadd.f32 v25, v22  }
0x220: {  	v24 =	vld.idx.msk [tilespmem:v33+s30+$0x0], $0xffff  }
0x221: {  	v35 =	vor.u32 $0x809, v2;
	v22 =	vadd.f32 v26, v22  }
0x222: {  	v23 =	vld.idx.msk [tilespmem:v23+s30+$0x0], $0xffff  }
0x223: {  	v36 =	vor.u32 $0x80A, v2;
	v22 =	vadd.f32 v27, v22  }
0x224: {  	v25 =	vld.idx.msk [tilespmem:v34+s30+$0x0], $0xffff  }
0x225: {  	v37 =	vor.u32 $0x80B, v2;
	v22 =	vadd.f32 v24, v22  }
0x226: {  	v26 =	vld.idx.msk [tilespmem:v35+s30+$0x0], $0xffff  }
0x227: {  	v22 =	vadd.f32 v23, v22;
	v23 =	vor.u32 $0x80C, v2  }
0x228: {  	v27 =	vld.idx.msk [tilespmem:v36+s30+$0x0], $0xffff  }
0x229: {  	v38 =	vor.u32 $0x80D, v2;
	v22 =	vadd.f32 v25, v22  }
0x22a: {  	v24 =	vld.idx.msk [tilespmem:v37+s30+$0x0], $0xffff  }
0x22b: {  	v39 =	vor.u32 $0x80E, v2;
	v22 =	vadd.f32 v26, v22  }
0x22c: {  	v23 =	vld.idx.msk [tilespmem:v23+s30+$0x0], $0xffff  }
0x22d: {  	v40 =	vor.u32 $0x80F, v2;
	v22 =	vadd.f32 v27, v22  }
0x22e: {  	v25 =	vld.idx.msk [tilespmem:v38+s30+$0x0], $0xffff  }
0x22f: {  	v22 =	vadd.f32 v24, v22  }
0x230: {  	v41 =	vld.idx.msk [tilespmem:v39+s30+$0x0], $0xffff  }
0x231: {  	v22 =	vadd.f32 v23, v22  }
0x232: {  	v23 =	vld.idx.msk [tilespmem:v40+s30+$0x0], $0xffff  }
0x233: {  	v22 =	vadd.f32 v25, v22;
	_ =	sdelay $0x1  }
0x234: {  	v42 =	vor.u32 $0x900, v2;
	v22 =	vadd.f32 v41, v22;
	_ =	sdelay $0x1  }
0x235: {  	v22 =	vadd.f32 v23, v22;
	v23 =	vor.u32 $0x901, v2;
	_ =	sdelay $0x1  }
0x236: {  	[tilespmem:$0x15880] =	vst v22;
	v22 =	vor.u32 $0x902, v2  }
0x237: {  	v24 =	vld.idx.msk [tilespmem:v42+s30+$0x0], $0xffff  }
0x238: {  	v43 =	vor.u32 $0x903, v2  }
0x239: {  	v23 =	vld.idx.msk [tilespmem:v23+s30+$0x0], $0xffff  }
0x23a: {  	v44 =	vor.u32 $0x904, v2  }
0x23b: {  	v22 =	vld.idx.msk [tilespmem:v22+s30+$0x0], $0xffff  }
0x23c: {  	v45 =	vor.u32 $0x905, v2;
	v24 =	vadd.f32 $0.0e+00, v24  }
0x23d: {  	v25 =	vld.idx.msk [tilespmem:v43+s30+$0x0], $0xffff  }
0x23e: {  	v46 =	vor.u32 $0x906, v2;
	v23 =	vadd.f32 v23, v24  }
0x23f: {  	v26 =	vld.idx.msk [tilespmem:v44+s30+$0x0], $0xffff  }
0x240: {  	v22 =	vadd.f32 v22, v23;
	v23 =	vor.u32 $0x907, v2  }
0x241: {  	v27 =	vld.idx.msk [tilespmem:v45+s30+$0x0], $0xffff  }
0x242: {  	v47 =	vor.u32 $0x908, v2;
	v22 =	vadd.f32 v25, v22  }
0x243: {  	v24 =	vld.idx.msk [tilespmem:v46+s30+$0x0], $0xffff  }
0x244: {  	v48 =	vor.u32 $0x909, v2;
	v22 =	vadd.f32 v26, v22  }
0x245: {  	v23 =	vld.idx.msk [tilespmem:v23+s30+$0x0], $0xffff  }
0x246: {  	v49 =	vor.u32 $0x90A, v2;
	v22 =	vadd.f32 v27, v22  }
0x247: {  	v25 =	vld.idx.msk [tilespmem:v47+s30+$0x0], $0xffff  }
0x248: {  	v50 =	vor.u32 $0x90B, v2;
	v22 =	vadd.f32 v24, v22  }
0x249: {  	v26 =	vld.idx.msk [tilespmem:v48+s30+$0x0], $0xffff  }
0x24a: {  	v22 =	vadd.f32 v23, v22;
	v23 =	vor.u32 $0x90C, v2  }
0x24b: {  	v27 =	vld.idx.msk [tilespmem:v49+s30+$0x0], $0xffff  }
0x24c: {  	v51 =	vor.u32 $0x90D, v2;
	v22 =	vadd.f32 v25, v22  }
0x24d: {  	v24 =	vld.idx.msk [tilespmem:v50+s30+$0x0], $0xffff  }
0x24e: {  	v52 =	vor.u32 $0x90E, v2;
	v22 =	vadd.f32 v26, v22  }
0x24f: {  	v23 =	vld.idx.msk [tilespmem:v23+s30+$0x0], $0xffff  }
0x250: {  	v53 =	vor.u32 $0x90F, v2;
	v22 =	vadd.f32 v27, v22  }
0x251: {  	v25 =	vld.idx.msk [tilespmem:v51+s30+$0x0], $0xffff  }
0x252: {  	v22 =	vadd.f32 v24, v22  }
0x253: {  	v54 =	vld.idx.msk [tilespmem:v52+s30+$0x0], $0xffff  }
0x254: {  	v22 =	vadd.f32 v23, v22  }
0x255: {  	v23 =	vld.idx.msk [tilespmem:v53+s30+$0x0], $0xffff  }
0x256: {  	v22 =	vadd.f32 v25, v22;
	_ =	sdelay $0x1  }
0x257: {  	v55 =	vor.u32 $0xA00, v2;
	v22 =	vadd.f32 v54, v22;
	_ =	sdelay $0x1  }
0x258: {  	v22 =	vadd.f32 v23, v22;
	v23 =	vor.u32 $0xA01, v2;
	_ =	sdelay $0x1  }
0x259: {  	[tilespmem:$0x15890] =	vst v22;
	v22 =	vor.u32 $0xA02, v2  }
0x25a: {  	v24 =	vld.idx.msk [tilespmem:v55+s30+$0x0], $0xffff  }
0x25b: {  	v56 =	vor.u32 $0xA03, v2  }
0x25c: {  	v23 =	vld.idx.msk [tilespmem:v23+s30+$0x0], $0xffff  }
0x25d: {  	v57 =	vor.u32 $0xA04, v2  }
0x25e: {  	v22 =	vld.idx.msk [tilespmem:v22+s30+$0x0], $0xffff  }
0x25f: {  	v58 =	vor.u32 $0xA05, v2;
	v24 =	vadd.f32 $0.0e+00, v24  }
0x260: {  	v25 =	vld.idx.msk [tilespmem:v56+s30+$0x0], $0xffff  }
0x261: {  	v59 =	vor.u32 $0xA06, v2;
	v23 =	vadd.f32 v23, v24  }
0x262: {  	v26 =	vld.idx.msk [tilespmem:v57+s30+$0x0], $0xffff  }
0x263: {  	v22 =	vadd.f32 v22, v23;
	v23 =	vor.u32 $0xA07, v2  }
0x264: {  	v27 =	vld.idx.msk [tilespmem:v58+s30+$0x0], $0xffff  }
0x265: {  	v60 =	vor.u32 $0xA08, v2;
	v22 =	vadd.f32 v25, v22  }
0x266: {  	v24 =	vld.idx.msk [tilespmem:v59+s30+$0x0], $0xffff  }
0x267: {  	v61 =	vor.u32 $0xA09, v2;
	v22 =	vadd.f32 v26, v22  }
0x268: {  	v23 =	vld.idx.msk [tilespmem:v23+s30+$0x0], $0xffff  }
0x269: {  	v62 =	vor.u32 $0xA0A, v2;
	v22 =	vadd.f32 v27, v22  }
0x26a: {  	v25 =	vld.idx.msk [tilespmem:v60+s30+$0x0], $0xffff  }
0x26b: {  	v63 =	vor.u32 $0xA0B, v2;
	v22 =	vadd.f32 v24, v22  }
0x26c: {  	v26 =	vld.idx.msk [tilespmem:v61+s30+$0x0], $0xffff  }
0x26d: {  	v22 =	vadd.f32 v23, v22;
	v23 =	vor.u32 $0xA0C, v2  }
0x26e: {  	v27 =	vld.idx.msk [tilespmem:v62+s30+$0x0], $0xffff  }
0x26f: {  	v30 =	vor.u32 $0xA0D, v2;
	v22 =	vadd.f32 v25, v22  }
0x270: {  	v24 =	vld.idx.msk [tilespmem:v63+s30+$0x0], $0xffff  }
0x271: {  	v31 =	vor.u32 $0xA0E, v2;
	v22 =	vadd.f32 v26, v22  }
0x272: {  	v23 =	vld.idx.msk [tilespmem:v23+s30+$0x0], $0xffff  }
0x273: {  	v32 =	vor.u32 $0xA0F, v2;
	v22 =	vadd.f32 v27, v22  }
0x274: {  	v25 =	vld.idx.msk [tilespmem:v30+s30+$0x0], $0xffff  }
0x275: {  	v22 =	vadd.f32 v24, v22  }
0x276: {  	v33 =	vld.idx.msk [tilespmem:v31+s30+$0x0], $0xffff  }
0x277: {  	v22 =	vadd.f32 v23, v22  }
0x278: {  	v23 =	vld.idx.msk [tilespmem:v32+s30+$0x0], $0xffff  }
0x279: {  	v22 =	vadd.f32 v25, v22;
	_ =	sdelay $0x1  }
0x27a: {  	v34 =	vor.u32 $0xB00, v2;
	v22 =	vadd.f32 v33, v22;
	_ =	sdelay $0x1  }
0x27b: {  	v22 =	vadd.f32 v23, v22;
	v23 =	vor.u32 $0xB01, v2;
	_ =	sdelay $0x1  }
0x27c: {  	[tilespmem:$0x158A0] =	vst v22;
	v22 =	vor.u32 $0xB02, v2  }
0x27d: {  	v24 =	vld.idx.msk [tilespmem:v34+s30+$0x0], $0xffff  }
0x27e: {  	v35 =	vor.u32 $0xB03, v2  }
0x27f: {  	v23 =	vld.idx.msk [tilespmem:v23+s30+$0x0], $0xffff  }
0x280: {  	v36 =	vor.u32 $0xB04, v2  }
0x281: {  	v22 =	vld.idx.msk [tilespmem:v22+s30+$0x0], $0xffff  }
0x282: {  	v37 =	vor.u32 $0xB05, v2;
	v24 =	vadd.f32 $0.0e+00, v24  }
0x283: {  	v25 =	vld.idx.msk [tilespmem:v35+s30+$0x0], $0xffff  }
0x284: {  	v38 =	vor.u32 $0xB06, v2;
	v23 =	vadd.f32 v23, v24  }
0x285: {  	v26 =	vld.idx.msk [tilespmem:v36+s30+$0x0], $0xffff  }
0x286: {  	v22 =	vadd.f32 v22, v23;
	v23 =	vor.u32 $0xB07, v2  }
0x287: {  	v27 =	vld.idx.msk [tilespmem:v37+s30+$0x0], $0xffff  }
0x288: {  	v39 =	vor.u32 $0xB08, v2;
	v22 =	vadd.f32 v25, v22  }
0x289: {  	v24 =	vld.idx.msk [tilespmem:v38+s30+$0x0], $0xffff  }
0x28a: {  	v40 =	vor.u32 $0xB09, v2;
	v22 =	vadd.f32 v26, v22  }
0x28b: {  	v23 =	vld.idx.msk [tilespmem:v23+s30+$0x0], $0xffff  }
0x28c: {  	v41 =	vor.u32 $0xB0A, v2;
	v22 =	vadd.f32 v27, v22  }
0x28d: {  	v25 =	vld.idx.msk [tilespmem:v39+s30+$0x0], $0xffff  }
0x28e: {  	v42 =	vor.u32 $0xB0B, v2;
	v22 =	vadd.f32 v24, v22  }
0x28f: {  	v26 =	vld.idx.msk [tilespmem:v40+s30+$0x0], $0xffff  }
0x290: {  	v22 =	vadd.f32 v23, v22;
	v23 =	vor.u32 $0xB0C, v2  }
0x291: {  	v27 =	vld.idx.msk [tilespmem:v41+s30+$0x0], $0xffff  }
0x292: {  	v43 =	vor.u32 $0xB0D, v2;
	v22 =	vadd.f32 v25, v22  }
0x293: {  	v24 =	vld.idx.msk [tilespmem:v42+s30+$0x0], $0xffff  }
0x294: {  	v44 =	vor.u32 $0xB0E, v2;
	v22 =	vadd.f32 v26, v22  }
0x295: {  	v23 =	vld.idx.msk [tilespmem:v23+s30+$0x0], $0xffff  }
0x296: {  	v45 =	vor.u32 $0xB0F, v2;
	v22 =	vadd.f32 v27, v22  }
0x297: {  	v25 =	vld.idx.msk [tilespmem:v43+s30+$0x0], $0xffff  }
0x298: {  	v22 =	vadd.f32 v24, v22  }
0x299: {  	v46 =	vld.idx.msk [tilespmem:v44+s30+$0x0], $0xffff  }
0x29a: {  	v22 =	vadd.f32 v23, v22  }
0x29b: {  	v23 =	vld.idx.msk [tilespmem:v45+s30+$0x0], $0xffff  }
0x29c: {  	v22 =	vadd.f32 v25, v22;
	_ =	sdelay $0x1  }
0x29d: {  	v47 =	vor.u32 $0xC00, v2;
	v22 =	vadd.f32 v46, v22;
	_ =	sdelay $0x1  }
0x29e: {  	v22 =	vadd.f32 v23, v22;
	v23 =	vor.u32 $0xC01, v2;
	_ =	sdelay $0x1  }
0x29f: {  	[tilespmem:$0x158B0] =	vst v22;
	v22 =	vor.u32 $0xC02, v2  }
0x2a0: {  	v24 =	vld.idx.msk [tilespmem:v47+s30+$0x0], $0xffff  }
0x2a1: {  	v48 =	vor.u32 $0xC03, v2  }
0x2a2: {  	v23 =	vld.idx.msk [tilespmem:v23+s30+$0x0], $0xffff  }
0x2a3: {  	v49 =	vor.u32 $0xC04, v2  }
0x2a4: {  	v22 =	vld.idx.msk [tilespmem:v22+s30+$0x0], $0xffff  }
0x2a5: {  	v50 =	vor.u32 $0xC05, v2;
	v24 =	vadd.f32 $0.0e+00, v24  }
0x2a6: {  	v25 =	vld.idx.msk [tilespmem:v48+s30+$0x0], $0xffff  }
0x2a7: {  	v51 =	vor.u32 $0xC06, v2;
	v23 =	vadd.f32 v23, v24  }
0x2a8: {  	v26 =	vld.idx.msk [tilespmem:v49+s30+$0x0], $0xffff  }
0x2a9: {  	v22 =	vadd.f32 v22, v23;
	v23 =	vor.u32 $0xC07, v2  }
0x2aa: {  	v27 =	vld.idx.msk [tilespmem:v50+s30+$0x0], $0xffff  }
0x2ab: {  	v52 =	vor.u32 $0xC08, v2;
	v22 =	vadd.f32 v25, v22  }
0x2ac: {  	v24 =	vld.idx.msk [tilespmem:v51+s30+$0x0], $0xffff  }
0x2ad: {  	v53 =	vor.u32 $0xC09, v2;
	v22 =	vadd.f32 v26, v22  }
0x2ae: {  	v23 =	vld.idx.msk [tilespmem:v23+s30+$0x0], $0xffff  }
0x2af: {  	v54 =	vor.u32 $0xC0A, v2;
	v22 =	vadd.f32 v27, v22  }
0x2b0: {  	v25 =	vld.idx.msk [tilespmem:v52+s30+$0x0], $0xffff  }
0x2b1: {  	v55 =	vor.u32 $0xC0B, v2;
	v22 =	vadd.f32 v24, v22  }
0x2b2: {  	v26 =	vld.idx.msk [tilespmem:v53+s30+$0x0], $0xffff  }
0x2b3: {  	v22 =	vadd.f32 v23, v22;
	v23 =	vor.u32 $0xC0C, v2  }
0x2b4: {  	v27 =	vld.idx.msk [tilespmem:v54+s30+$0x0], $0xffff  }
0x2b5: {  	v56 =	vor.u32 $0xC0D, v2;
	v22 =	vadd.f32 v25, v22  }
0x2b6: {  	v24 =	vld.idx.msk [tilespmem:v55+s30+$0x0], $0xffff  }
0x2b7: {  	v57 =	vor.u32 $0xC0E, v2;
	v22 =	vadd.f32 v26, v22  }
0x2b8: {  	v23 =	vld.idx.msk [tilespmem:v23+s30+$0x0], $0xffff  }
0x2b9: {  	v58 =	vor.u32 $0xC0F, v2;
	v22 =	vadd.f32 v27, v22  }
0x2ba: {  	v25 =	vld.idx.msk [tilespmem:v56+s30+$0x0], $0xffff  }
0x2bb: {  	v22 =	vadd.f32 v24, v22  }
0x2bc: {  	v59 =	vld.idx.msk [tilespmem:v57+s30+$0x0], $0xffff  }
0x2bd: {  	v22 =	vadd.f32 v23, v22  }
0x2be: {  	v23 =	vld.idx.msk [tilespmem:v58+s30+$0x0], $0xffff  }
0x2bf: {  	v22 =	vadd.f32 v25, v22;
	_ =	sdelay $0x1  }
0x2c0: {  	v60 =	vor.u32 $0xD00, v2;
	v22 =	vadd.f32 v59, v22;
	_ =	sdelay $0x1  }
0x2c1: {  	v22 =	vadd.f32 v23, v22;
	v23 =	vor.u32 $0xD01, v2;
	_ =	sdelay $0x1  }
0x2c2: {  	[tilespmem:$0x158C0] =	vst v22;
	v22 =	vor.u32 $0xD02, v2  }
0x2c3: {  	v24 =	vld.idx.msk [tilespmem:v60+s30+$0x0], $0xffff  }
0x2c4: {  	v61 =	vor.u32 $0xD03, v2  }
0x2c5: {  	v23 =	vld.idx.msk [tilespmem:v23+s30+$0x0], $0xffff  }
0x2c6: {  	v62 =	vor.u32 $0xD04, v2  }
0x2c7: {  	v22 =	vld.idx.msk [tilespmem:v22+s30+$0x0], $0xffff  }
0x2c8: {  	v63 =	vor.u32 $0xD05, v2;
	v24 =	vadd.f32 $0.0e+00, v24  }
0x2c9: {  	v25 =	vld.idx.msk [tilespmem:v61+s30+$0x0], $0xffff  }
0x2ca: {  	v30 =	vor.u32 $0xD06, v2;
	v23 =	vadd.f32 v23, v24  }
0x2cb: {  	v26 =	vld.idx.msk [tilespmem:v62+s30+$0x0], $0xffff  }
0x2cc: {  	v22 =	vadd.f32 v22, v23;
	v23 =	vor.u32 $0xD07, v2  }
0x2cd: {  	v27 =	vld.idx.msk [tilespmem:v63+s30+$0x0], $0xffff  }
0x2ce: {  	v31 =	vor.u32 $0xD08, v2;
	v22 =	vadd.f32 v25, v22  }
0x2cf: {  	v24 =	vld.idx.msk [tilespmem:v30+s30+$0x0], $0xffff  }
0x2d0: {  	v32 =	vor.u32 $0xD09, v2;
	v22 =	vadd.f32 v26, v22  }
0x2d1: {  	v23 =	vld.idx.msk [tilespmem:v23+s30+$0x0], $0xffff  }
0x2d2: {  	v33 =	vor.u32 $0xD0A, v2;
	v22 =	vadd.f32 v27, v22  }
0x2d3: {  	v25 =	vld.idx.msk [tilespmem:v31+s30+$0x0], $0xffff  }
0x2d4: {  	v34 =	vor.u32 $0xD0B, v2;
	v22 =	vadd.f32 v24, v22  }
0x2d5: {  	v26 =	vld.idx.msk [tilespmem:v32+s30+$0x0], $0xffff  }
0x2d6: {  	v22 =	vadd.f32 v23, v22;
	v23 =	vor.u32 $0xD0C, v2  }
0x2d7: {  	v27 =	vld.idx.msk [tilespmem:v33+s30+$0x0], $0xffff  }
0x2d8: {  	v35 =	vor.u32 $0xD0D, v2;
	v22 =	vadd.f32 v25, v22  }
0x2d9: {  	v24 =	vld.idx.msk [tilespmem:v34+s30+$0x0], $0xffff  }
0x2da: {  	v36 =	vor.u32 $0xD0E, v2;
	v22 =	vadd.f32 v26, v22  }
0x2db: {  	v23 =	vld.idx.msk [tilespmem:v23+s30+$0x0], $0xffff  }
0x2dc: {  	v37 =	vor.u32 $0xD0F, v2;
	v22 =	vadd.f32 v27, v22  }
0x2dd: {  	v25 =	vld.idx.msk [tilespmem:v35+s30+$0x0], $0xffff  }
0x2de: {  	v22 =	vadd.f32 v24, v22  }
0x2df: {  	v38 =	vld.idx.msk [tilespmem:v36+s30+$0x0], $0xffff  }
0x2e0: {  	v22 =	vadd.f32 v23, v22  }
0x2e1: {  	v23 =	vld.idx.msk [tilespmem:v37+s30+$0x0], $0xffff  }
0x2e2: {  	v22 =	vadd.f32 v25, v22;
	_ =	sdelay $0x1  }
0x2e3: {  	v39 =	vor.u32 $0xE00, v2;
	v22 =	vadd.f32 v38, v22;
	_ =	sdelay $0x1  }
0x2e4: {  	v22 =	vadd.f32 v23, v22;
	v23 =	vor.u32 $0xE01, v2;
	_ =	sdelay $0x1  }
0x2e5: {  	[tilespmem:$0x158D0] =	vst v22;
	v22 =	vor.u32 $0xE02, v2  }
0x2e6: {  	v24 =	vld.idx.msk [tilespmem:v39+s30+$0x0], $0xffff  }
0x2e7: {  	v40 =	vor.u32 $0xE03, v2  }
0x2e8: {  	v23 =	vld.idx.msk [tilespmem:v23+s30+$0x0], $0xffff  }
0x2e9: {  	v41 =	vor.u32 $0xE04, v2  }
0x2ea: {  	v22 =	vld.idx.msk [tilespmem:v22+s30+$0x0], $0xffff  }
0x2eb: {  	v42 =	vor.u32 $0xE05, v2;
	v24 =	vadd.f32 $0.0e+00, v24  }
0x2ec: {  	v25 =	vld.idx.msk [tilespmem:v40+s30+$0x0], $0xffff  }
0x2ed: {  	v43 =	vor.u32 $0xE06, v2;
	v23 =	vadd.f32 v23, v24  }
0x2ee: {  	v26 =	vld.idx.msk [tilespmem:v41+s30+$0x0], $0xffff  }
0x2ef: {  	v22 =	vadd.f32 v22, v23;
	v23 =	vor.u32 $0xE07, v2  }
0x2f0: {  	v27 =	vld.idx.msk [tilespmem:v42+s30+$0x0], $0xffff  }
0x2f1: {  	v44 =	vor.u32 $0xE08, v2;
	v22 =	vadd.f32 v25, v22  }
0x2f2: {  	v24 =	vld.idx.msk [tilespmem:v43+s30+$0x0], $0xffff  }
0x2f3: {  	v45 =	vor.u32 $0xE09, v2;
	v22 =	vadd.f32 v26, v22  }
0x2f4: {  	v23 =	vld.idx.msk [tilespmem:v23+s30+$0x0], $0xffff  }
0x2f5: {  	v46 =	vor.u32 $0xE0A, v2;
	v22 =	vadd.f32 v27, v22  }
0x2f6: {  	v25 =	vld.idx.msk [tilespmem:v44+s30+$0x0], $0xffff  }
0x2f7: {  	v47 =	vor.u32 $0xE0B, v2;
	v22 =	vadd.f32 v24, v22  }
0x2f8: {  	v26 =	vld.idx.msk [tilespmem:v45+s30+$0x0], $0xffff  }
0x2f9: {  	v22 =	vadd.f32 v23, v22;
	v23 =	vor.u32 $0xE0C, v2  }
0x2fa: {  	v27 =	vld.idx.msk [tilespmem:v46+s30+$0x0], $0xffff  }
0x2fb: {  	v48 =	vor.u32 $0xE0D, v2;
	v22 =	vadd.f32 v25, v22  }
0x2fc: {  	v24 =	vld.idx.msk [tilespmem:v47+s30+$0x0], $0xffff  }
0x2fd: {  	v49 =	vor.u32 $0xE0E, v2;
	v22 =	vadd.f32 v26, v22  }
0x2fe: {  	v23 =	vld.idx.msk [tilespmem:v23+s30+$0x0], $0xffff  }
0x2ff: {  	v50 =	vor.u32 $0xE0F, v2;
	v22 =	vadd.f32 v27, v22  }
0x300: {  	v25 =	vld.idx.msk [tilespmem:v48+s30+$0x0], $0xffff  }
0x301: {  	v22 =	vadd.f32 v24, v22  }
0x302: {  	v51 =	vld.idx.msk [tilespmem:v49+s30+$0x0], $0xffff  }
0x303: {  	v22 =	vadd.f32 v23, v22  }
0x304: {  	v23 =	vld.idx.msk [tilespmem:v50+s30+$0x0], $0xffff  }
0x305: {  	v22 =	vadd.f32 v25, v22;
	_ =	sdelay $0x1  }
0x306: {  	v52 =	vor.u32 $0xF00, v2;
	v22 =	vadd.f32 v51, v22;
	_ =	sdelay $0x1  }
0x307: {  	v22 =	vadd.f32 v23, v22;
	v23 =	vor.u32 $0xF01, v2;
	_ =	sdelay $0x1  }
0x308: {  	[tilespmem:$0x158E0] =	vst v22;
	v22 =	vor.u32 $0xF02, v2  }
0x309: {  	v24 =	vld.idx.msk [tilespmem:v52+s30+$0x0], $0xffff  }
0x30a: {  	v53 =	vor.u32 $0xF03, v2  }
0x30b: {  	v23 =	vld.idx.msk [tilespmem:v23+s30+$0x0], $0xffff  }
0x30c: {  	v54 =	vor.u32 $0xF04, v2  }
0x30d: {  	v22 =	vld.idx.msk [tilespmem:v22+s30+$0x0], $0xffff  }
0x30e: {  	v55 =	vor.u32 $0xF05, v2;
	v24 =	vadd.f32 $0.0e+00, v24  }
0x30f: {  	v25 =	vld.idx.msk [tilespmem:v53+s30+$0x0], $0xffff  }
0x310: {  	v56 =	vor.u32 $0xF06, v2;
	v23 =	vadd.f32 v23, v24  }
0x311: {  	v26 =	vld.idx.msk [tilespmem:v54+s30+$0x0], $0xffff  }
0x312: {  	v22 =	vadd.f32 v22, v23;
	v23 =	vor.u32 $0xF07, v2  }
0x313: {  	v27 =	vld.idx.msk [tilespmem:v55+s30+$0x0], $0xffff  }
0x314: {  	v57 =	vor.u32 $0xF08, v2;
	v22 =	vadd.f32 v25, v22  }
0x315: {  	v24 =	vld.idx.msk [tilespmem:v56+s30+$0x0], $0xffff  }
0x316: {  	v58 =	vor.u32 $0xF09, v2;
	v22 =	vadd.f32 v26, v22  }
0x317: {  	v23 =	vld.idx.msk [tilespmem:v23+s30+$0x0], $0xffff  }
0x318: {  	v59 =	vor.u32 $0xF0A, v2;
	v22 =	vadd.f32 v27, v22  }
0x319: {  	v25 =	vld.idx.msk [tilespmem:v57+s30+$0x0], $0xffff  }
0x31a: {  	v60 =	vor.u32 $0xF0B, v2;
	v22 =	vadd.f32 v24, v22  }
0x31b: {  	v26 =	vld.idx.msk [tilespmem:v58+s30+$0x0], $0xffff  }
0x31c: {  	v22 =	vadd.f32 v23, v22;
	v23 =	vor.u32 $0xF0C, v2  }
0x31d: {  	v27 =	vld.idx.msk [tilespmem:v59+s30+$0x0], $0xffff  }
0x31e: {  	v61 =	vor.u32 $0xF0D, v2;
	v22 =	vadd.f32 v25, v22  }
0x31f: {  	v24 =	vld.idx.msk [tilespmem:v60+s30+$0x0], $0xffff  }
0x320: {  	v62 =	vor.u32 $0xF0E, v2;
	v22 =	vadd.f32 v26, v22  }
0x321: {  	v23 =	vld.idx.msk [tilespmem:v23+s30+$0x0], $0xffff  }
0x322: {  	v63 =	vor.u32 $0xF0F, v2;
	v22 =	vadd.f32 v27, v22  }
0x323: {  	v25 =	vld.idx.msk [tilespmem:v61+s30+$0x0], $0xffff  }
0x324: {  	v22 =	vadd.f32 v24, v22  }
0x325: {  	v28 =	vld.idx.msk [tilespmem:v62+s30+$0x0], $0xffff  }
0x326: {  	v22 =	vadd.f32 v23, v22  }
0x327: {  	v23 =	vld.idx.msk [tilespmem:v63+s30+$0x0], $0xffff  }
0x328: {  	v22 =	vadd.f32 v25, v22;
	_ =	sdelay $0x1  }
0x329: {  	v29 =	vor.u32 $0x1000, v2;
	v22 =	vadd.f32 v28, v22;
	_ =	sdelay $0x1  }
0x32a: {  	v22 =	vadd.f32 v23, v22;
	v23 =	vor.u32 $0x1001, v2;
	_ =	sdelay $0x1  }
0x32b: {  	[tilespmem:$0x158F0] =	vst v22;
	v22 =	vor.u32 $0x1002, v2  }
0x32c: {  	v24 =	vld.idx.msk [tilespmem:v29+s30+$0x0], $0xffff  }
0x32d: {  	v30 =	vor.u32 $0x1003, v2  }
0x32e: {  	v23 =	vld.idx.msk [tilespmem:v23+s30+$0x0], $0xffff  }
0x32f: {  	v31 =	vor.u32 $0x1004, v2  }
0x330: {  	v22 =	vld.idx.msk [tilespmem:v22+s30+$0x0], $0xffff  }
0x331: {  	v32 =	vor.u32 $0x1005, v2;
	v24 =	vadd.f32 $0.0e+00, v24  }
0x332: {  	v25 =	vld.idx.msk [tilespmem:v30+s30+$0x0], $0xffff  }
0x333: {  	v33 =	vor.u32 $0x1006, v2;
	v23 =	vadd.f32 v23, v24  }
0x334: {  	v26 =	vld.idx.msk [tilespmem:v31+s30+$0x0], $0xffff  }
0x335: {  	v22 =	vadd.f32 v22, v23;
	v23 =	vor.u32 $0x1007, v2  }
0x336: {  	v27 =	vld.idx.msk [tilespmem:v32+s30+$0x0], $0xffff  }
0x337: {  	v34 =	vor.u32 $0x1008, v2;
	v22 =	vadd.f32 v25, v22  }
0x338: {  	v24 =	vld.idx.msk [tilespmem:v33+s30+$0x0], $0xffff  }
0x339: {  	v35 =	vor.u32 $0x1009, v2;
	v22 =	vadd.f32 v26, v22  }
0x33a: {  	v23 =	vld.idx.msk [tilespmem:v23+s30+$0x0], $0xffff  }
0x33b: {  	v36 =	vor.u32 $0x100A, v2;
	v22 =	vadd.f32 v27, v22  }
0x33c: {  	v25 =	vld.idx.msk [tilespmem:v34+s30+$0x0], $0xffff  }
0x33d: {  	v37 =	vor.u32 $0x100B, v2;
	v22 =	vadd.f32 v24, v22  }
0x33e: {  	v26 =	vld.idx.msk [tilespmem:v35+s30+$0x0], $0xffff  }
0x33f: {  	v22 =	vadd.f32 v23, v22;
	v23 =	vor.u32 $0x100C, v2  }
0x340: {  	v27 =	vld.idx.msk [tilespmem:v36+s30+$0x0], $0xffff  }
0x341: {  	v38 =	vor.u32 $0x100D, v2;
	v22 =	vadd.f32 v25, v22  }
0x342: {  	v24 =	vld.idx.msk [tilespmem:v37+s30+$0x0], $0xffff  }
0x343: {  	v39 =	vor.u32 $0x100E, v2;
	v22 =	vadd.f32 v26, v22  }
0x344: {  	v23 =	vld.idx.msk [tilespmem:v23+s30+$0x0], $0xffff  }
0x345: {  	v40 =	vor.u32 $0x100F, v2;
	v22 =	vadd.f32 v27, v22  }
0x346: {  	v25 =	vld.idx.msk [tilespmem:v38+s30+$0x0], $0xffff  }
0x347: {  	v22 =	vadd.f32 v24, v22  }
0x348: {  	v41 =	vld.idx.msk [tilespmem:v39+s30+$0x0], $0xffff  }
0x349: {  	v22 =	vadd.f32 v23, v22  }
0x34a: {  	v23 =	vld.idx.msk [tilespmem:v40+s30+$0x0], $0xffff  }
0x34b: {  	v22 =	vadd.f32 v25, v22;
	_ =	sdelay $0x1  }
0x34c: {  	v42 =	vor.u32 $0x1100, v2;
	v22 =	vadd.f32 v41, v22;
	_ =	sdelay $0x1  }
0x34d: {  	v22 =	vadd.f32 v23, v22;
	v23 =	vor.u32 $0x1101, v2;
	_ =	sdelay $0x1  }
0x34e: {  	[tilespmem:$0x15900] =	vst v22;
	v22 =	vor.u32 $0x1102, v2  }
0x34f: {  	v24 =	vld.idx.msk [tilespmem:v42+s30+$0x0], $0xffff  }
0x350: {  	v43 =	vor.u32 $0x1103, v2  }
0x351: {  	v23 =	vld.idx.msk [tilespmem:v23+s30+$0x0], $0xffff  }
0x352: {  	v44 =	vor.u32 $0x1104, v2  }
0x353: {  	v22 =	vld.idx.msk [tilespmem:v22+s30+$0x0], $0xffff  }
0x354: {  	v45 =	vor.u32 $0x1105, v2;
	v24 =	vadd.f32 $0.0e+00, v24  }
0x355: {  	v25 =	vld.idx.msk [tilespmem:v43+s30+$0x0], $0xffff  }
0x356: {  	v46 =	vor.u32 $0x1106, v2;
	v23 =	vadd.f32 v23, v24  }
0x357: {  	v26 =	vld.idx.msk [tilespmem:v44+s30+$0x0], $0xffff  }
0x358: {  	v22 =	vadd.f32 v22, v23;
	v23 =	vor.u32 $0x1107, v2  }
0x359: {  	v27 =	vld.idx.msk [tilespmem:v45+s30+$0x0], $0xffff  }
0x35a: {  	v47 =	vor.u32 $0x1108, v2;
	v22 =	vadd.f32 v25, v22  }
0x35b: {  	v24 =	vld.idx.msk [tilespmem:v46+s30+$0x0], $0xffff  }
0x35c: {  	v48 =	vor.u32 $0x1109, v2;
	v22 =	vadd.f32 v26, v22  }
0x35d: {  	v23 =	vld.idx.msk [tilespmem:v23+s30+$0x0], $0xffff  }
0x35e: {  	v49 =	vor.u32 $0x110A, v2;
	v22 =	vadd.f32 v27, v22  }
0x35f: {  	v25 =	vld.idx.msk [tilespmem:v47+s30+$0x0], $0xffff  }
0x360: {  	v50 =	vor.u32 $0x110B, v2;
	v22 =	vadd.f32 v24, v22  }
0x361: {  	v26 =	vld.idx.msk [tilespmem:v48+s30+$0x0], $0xffff  }
0x362: {  	v22 =	vadd.f32 v23, v22;
	v23 =	vor.u32 $0x110C, v2  }
0x363: {  	v27 =	vld.idx.msk [tilespmem:v49+s30+$0x0], $0xffff  }
0x364: {  	v51 =	vor.u32 $0x110D, v2;
	v22 =	vadd.f32 v25, v22  }
0x365: {  	v24 =	vld.idx.msk [tilespmem:v50+s30+$0x0], $0xffff  }
0x366: {  	v52 =	vor.u32 $0x110E, v2;
	v22 =	vadd.f32 v26, v22  }
0x367: {  	v23 =	vld.idx.msk [tilespmem:v23+s30+$0x0], $0xffff  }
0x368: {  	v53 =	vor.u32 $0x110F, v2;
	v22 =	vadd.f32 v27, v22  }
0x369: {  	v25 =	vld.idx.msk [tilespmem:v51+s30+$0x0], $0xffff  }
0x36a: {  	v22 =	vadd.f32 v24, v22  }
0x36b: {  	v54 =	vld.idx.msk [tilespmem:v52+s30+$0x0], $0xffff  }
0x36c: {  	v22 =	vadd.f32 v23, v22  }
0x36d: {  	v23 =	vld.idx.msk [tilespmem:v53+s30+$0x0], $0xffff  }
0x36e: {  	v22 =	vadd.f32 v25, v22;
	_ =	sdelay $0x1  }
0x36f: {  	v55 =	vor.u32 $0x1200, v2;
	v22 =	vadd.f32 v54, v22;
	_ =	sdelay $0x1  }
0x370: {  	v22 =	vadd.f32 v23, v22;
	v23 =	vor.u32 $0x1201, v2;
	_ =	sdelay $0x1  }
0x371: {  	[tilespmem:$0x15910] =	vst v22;
	v22 =	vor.u32 $0x1202, v2  }
0x372: {  	v24 =	vld.idx.msk [tilespmem:v55+s30+$0x0], $0xffff  }
0x373: {  	v56 =	vor.u32 $0x1203, v2  }
0x374: {  	v23 =	vld.idx.msk [tilespmem:v23+s30+$0x0], $0xffff  }
0x375: {  	v57 =	vor.u32 $0x1204, v2  }
0x376: {  	v22 =	vld.idx.msk [tilespmem:v22+s30+$0x0], $0xffff  }
0x377: {  	v58 =	vor.u32 $0x1205, v2;
	v24 =	vadd.f32 $0.0e+00, v24  }
0x378: {  	v25 =	vld.idx.msk [tilespmem:v56+s30+$0x0], $0xffff  }
0x379: {  	v59 =	vor.u32 $0x1206, v2;
	v23 =	vadd.f32 v23, v24  }
0x37a: {  	v26 =	vld.idx.msk [tilespmem:v57+s30+$0x0], $0xffff  }
0x37b: {  	v22 =	vadd.f32 v22, v23;
	v23 =	vor.u32 $0x1207, v2  }
0x37c: {  	v27 =	vld.idx.msk [tilespmem:v58+s30+$0x0], $0xffff  }
0x37d: {  	v60 =	vor.u32 $0x1208, v2;
	v22 =	vadd.f32 v25, v22  }
0x37e: {  	v24 =	vld.idx.msk [tilespmem:v59+s30+$0x0], $0xffff  }
0x37f: {  	v61 =	vor.u32 $0x1209, v2;
	v22 =	vadd.f32 v26, v22  }
0x380: {  	v23 =	vld.idx.msk [tilespmem:v23+s30+$0x0], $0xffff  }
0x381: {  	v62 =	vor.u32 $0x120A, v2;
	v22 =	vadd.f32 v27, v22  }
0x382: {  	v25 =	vld.idx.msk [tilespmem:v60+s30+$0x0], $0xffff  }
0x383: {  	v63 =	vor.u32 $0x120B, v2;
	v22 =	vadd.f32 v24, v22  }
0x384: {  	v26 =	vld.idx.msk [tilespmem:v61+s30+$0x0], $0xffff  }
0x385: {  	v22 =	vadd.f32 v23, v22;
	v23 =	vor.u32 $0x120C, v2  }
0x386: {  	v27 =	vld.idx.msk [tilespmem:v62+s30+$0x0], $0xffff  }
0x387: {  	v30 =	vor.u32 $0x120D, v2;
	v22 =	vadd.f32 v25, v22  }
0x388: {  	v24 =	vld.idx.msk [tilespmem:v63+s30+$0x0], $0xffff  }
0x389: {  	v31 =	vor.u32 $0x120E, v2;
	v22 =	vadd.f32 v26, v22  }
0x38a: {  	v23 =	vld.idx.msk [tilespmem:v23+s30+$0x0], $0xffff  }
0x38b: {  	v32 =	vor.u32 $0x120F, v2;
	v22 =	vadd.f32 v27, v22  }
0x38c: {  	v25 =	vld.idx.msk [tilespmem:v30+s30+$0x0], $0xffff  }
0x38d: {  	v22 =	vadd.f32 v24, v22  }
0x38e: {  	v33 =	vld.idx.msk [tilespmem:v31+s30+$0x0], $0xffff  }
0x38f: {  	v22 =	vadd.f32 v23, v22  }
0x390: {  	v23 =	vld.idx.msk [tilespmem:v32+s30+$0x0], $0xffff  }
0x391: {  	v22 =	vadd.f32 v25, v22;
	_ =	sdelay $0x1  }
0x392: {  	v34 =	vor.u32 $0x1300, v2;
	v22 =	vadd.f32 v33, v22;
	_ =	sdelay $0x1  }
0x393: {  	v22 =	vadd.f32 v23, v22;
	v23 =	vor.u32 $0x1301, v2;
	_ =	sdelay $0x1  }
0x394: {  	[tilespmem:$0x15920] =	vst v22;
	v22 =	vor.u32 $0x1302, v2  }
0x395: {  	v24 =	vld.idx.msk [tilespmem:v34+s30+$0x0], $0xffff  }
0x396: {  	v35 =	vor.u32 $0x1303, v2  }
0x397: {  	v23 =	vld.idx.msk [tilespmem:v23+s30+$0x0], $0xffff  }
0x398: {  	v36 =	vor.u32 $0x1304, v2  }
0x399: {  	v22 =	vld.idx.msk [tilespmem:v22+s30+$0x0], $0xffff  }
0x39a: {  	v37 =	vor.u32 $0x1305, v2;
	v24 =	vadd.f32 $0.0e+00, v24  }
0x39b: {  	v25 =	vld.idx.msk [tilespmem:v35+s30+$0x0], $0xffff  }
0x39c: {  	v38 =	vor.u32 $0x1306, v2;
	v23 =	vadd.f32 v23, v24  }
0x39d: {  	v26 =	vld.idx.msk [tilespmem:v36+s30+$0x0], $0xffff  }
0x39e: {  	v22 =	vadd.f32 v22, v23;
	v23 =	vor.u32 $0x1307, v2  }
0x39f: {  	v27 =	vld.idx.msk [tilespmem:v37+s30+$0x0], $0xffff  }
0x3a0: {  	v39 =	vor.u32 $0x1308, v2;
	v22 =	vadd.f32 v25, v22  }
0x3a1: {  	v24 =	vld.idx.msk [tilespmem:v38+s30+$0x0], $0xffff  }
0x3a2: {  	v40 =	vor.u32 $0x1309, v2;
	v22 =	vadd.f32 v26, v22  }
0x3a3: {  	v23 =	vld.idx.msk [tilespmem:v23+s30+$0x0], $0xffff  }
0x3a4: {  	v41 =	vor.u32 $0x130A, v2;
	v22 =	vadd.f32 v27, v22  }
0x3a5: {  	v25 =	vld.idx.msk [tilespmem:v39+s30+$0x0], $0xffff  }
0x3a6: {  	v42 =	vor.u32 $0x130B, v2;
	v22 =	vadd.f32 v24, v22  }
0x3a7: {  	v26 =	vld.idx.msk [tilespmem:v40+s30+$0x0], $0xffff  }
0x3a8: {  	v22 =	vadd.f32 v23, v22;
	v23 =	vor.u32 $0x130C, v2  }
0x3a9: {  	v27 =	vld.idx.msk [tilespmem:v41+s30+$0x0], $0xffff  }
0x3aa: {  	v43 =	vor.u32 $0x130D, v2;
	v22 =	vadd.f32 v25, v22  }
0x3ab: {  	v24 =	vld.idx.msk [tilespmem:v42+s30+$0x0], $0xffff  }
0x3ac: {  	v44 =	vor.u32 $0x130E, v2;
	v22 =	vadd.f32 v26, v22  }
0x3ad: {  	v23 =	vld.idx.msk [tilespmem:v23+s30+$0x0], $0xffff  }
0x3ae: {  	v45 =	vor.u32 $0x130F, v2;
	v22 =	vadd.f32 v27, v22  }
0x3af: {  	v25 =	vld.idx.msk [tilespmem:v43+s30+$0x0], $0xffff  }
0x3b0: {  	v22 =	vadd.f32 v24, v22  }
0x3b1: {  	v46 =	vld.idx.msk [tilespmem:v44+s30+$0x0], $0xffff  }
0x3b2: {  	v22 =	vadd.f32 v23, v22  }
0x3b3: {  	v23 =	vld.idx.msk [tilespmem:v45+s30+$0x0], $0xffff  }
0x3b4: {  	v22 =	vadd.f32 v25, v22;
	_ =	sdelay $0x1  }
0x3b5: {  	v47 =	vor.u32 $0x1400, v2;
	v22 =	vadd.f32 v46, v22;
	_ =	sdelay $0x1  }
0x3b6: {  	v22 =	vadd.f32 v23, v22;
	v23 =	vor.u32 $0x1401, v2;
	_ =	sdelay $0x1  }
0x3b7: {  	[tilespmem:$0x15930] =	vst v22;
	v22 =	vor.u32 $0x1402, v2  }
0x3b8: {  	v24 =	vld.idx.msk [tilespmem:v47+s30+$0x0], $0xffff  }
0x3b9: {  	v48 =	vor.u32 $0x1403, v2  }
0x3ba: {  	v23 =	vld.idx.msk [tilespmem:v23+s30+$0x0], $0xffff  }
0x3bb: {  	v49 =	vor.u32 $0x1404, v2  }
0x3bc: {  	v22 =	vld.idx.msk [tilespmem:v22+s30+$0x0], $0xffff  }
0x3bd: {  	v50 =	vor.u32 $0x1405, v2;
	v24 =	vadd.f32 $0.0e+00, v24  }
0x3be: {  	v25 =	vld.idx.msk [tilespmem:v48+s30+$0x0], $0xffff  }
0x3bf: {  	v51 =	vor.u32 $0x1406, v2;
	v23 =	vadd.f32 v23, v24  }
0x3c0: {  	v26 =	vld.idx.msk [tilespmem:v49+s30+$0x0], $0xffff  }
0x3c1: {  	v22 =	vadd.f32 v22, v23;
	v23 =	vor.u32 $0x1407, v2  }
0x3c2: {  	v27 =	vld.idx.msk [tilespmem:v50+s30+$0x0], $0xffff  }
0x3c3: {  	v52 =	vor.u32 $0x1408, v2;
	v22 =	vadd.f32 v25, v22  }
0x3c4: {  	v24 =	vld.idx.msk [tilespmem:v51+s30+$0x0], $0xffff  }
0x3c5: {  	v53 =	vor.u32 $0x1409, v2;
	v22 =	vadd.f32 v26, v22  }
0x3c6: {  	v23 =	vld.idx.msk [tilespmem:v23+s30+$0x0], $0xffff  }
0x3c7: {  	v54 =	vor.u32 $0x140A, v2;
	v22 =	vadd.f32 v27, v22  }
0x3c8: {  	v25 =	vld.idx.msk [tilespmem:v52+s30+$0x0], $0xffff  }
0x3c9: {  	v55 =	vor.u32 $0x140B, v2;
	v22 =	vadd.f32 v24, v22  }
0x3ca: {  	v26 =	vld.idx.msk [tilespmem:v53+s30+$0x0], $0xffff  }
0x3cb: {  	v22 =	vadd.f32 v23, v22;
	v23 =	vor.u32 $0x140C, v2  }
0x3cc: {  	v27 =	vld.idx.msk [tilespmem:v54+s30+$0x0], $0xffff  }
0x3cd: {  	v56 =	vor.u32 $0x140D, v2;
	v22 =	vadd.f32 v25, v22  }
0x3ce: {  	v24 =	vld.idx.msk [tilespmem:v55+s30+$0x0], $0xffff  }
0x3cf: {  	v57 =	vor.u32 $0x140E, v2;
	v22 =	vadd.f32 v26, v22  }
0x3d0: {  	v23 =	vld.idx.msk [tilespmem:v23+s30+$0x0], $0xffff  }
0x3d1: {  	v58 =	vor.u32 $0x140F, v2;
	v22 =	vadd.f32 v27, v22  }
0x3d2: {  	v25 =	vld.idx.msk [tilespmem:v56+s30+$0x0], $0xffff  }
0x3d3: {  	v22 =	vadd.f32 v24, v22  }
0x3d4: {  	v59 =	vld.idx.msk [tilespmem:v57+s30+$0x0], $0xffff  }
0x3d5: {  	v22 =	vadd.f32 v23, v22  }
0x3d6: {  	v23 =	vld.idx.msk [tilespmem:v58+s30+$0x0], $0xffff  }
0x3d7: {  	v22 =	vadd.f32 v25, v22;
	_ =	sdelay $0x1  }
0x3d8: {  	v60 =	vor.u32 $0x1500, v2;
	v22 =	vadd.f32 v59, v22;
	_ =	sdelay $0x1  }
0x3d9: {  	v22 =	vadd.f32 v23, v22;
	v23 =	vor.u32 $0x1501, v2;
	_ =	sdelay $0x1  }
0x3da: {  	[tilespmem:$0x15940] =	vst v22;
	v22 =	vor.u32 $0x1502, v2  }
0x3db: {  	v24 =	vld.idx.msk [tilespmem:v60+s30+$0x0], $0xffff  }
0x3dc: {  	v61 =	vor.u32 $0x1503, v2  }
0x3dd: {  	v23 =	vld.idx.msk [tilespmem:v23+s30+$0x0], $0xffff  }
0x3de: {  	v62 =	vor.u32 $0x1504, v2  }
0x3df: {  	v22 =	vld.idx.msk [tilespmem:v22+s30+$0x0], $0xffff  }
0x3e0: {  	v63 =	vor.u32 $0x1505, v2;
	v24 =	vadd.f32 $0.0e+00, v24  }
0x3e1: {  	v25 =	vld.idx.msk [tilespmem:v61+s30+$0x0], $0xffff  }
0x3e2: {  	v30 =	vor.u32 $0x1506, v2;
	v23 =	vadd.f32 v23, v24  }
0x3e3: {  	v26 =	vld.idx.msk [tilespmem:v62+s30+$0x0], $0xffff  }
0x3e4: {  	v22 =	vadd.f32 v22, v23;
	v23 =	vor.u32 $0x1507, v2  }
0x3e5: {  	v27 =	vld.idx.msk [tilespmem:v63+s30+$0x0], $0xffff  }
0x3e6: {  	v31 =	vor.u32 $0x1508, v2;
	v22 =	vadd.f32 v25, v22  }
0x3e7: {  	v24 =	vld.idx.msk [tilespmem:v30+s30+$0x0], $0xffff  }
0x3e8: {  	v32 =	vor.u32 $0x1509, v2;
	v22 =	vadd.f32 v26, v22  }
0x3e9: {  	v23 =	vld.idx.msk [tilespmem:v23+s30+$0x0], $0xffff  }
0x3ea: {  	v33 =	vor.u32 $0x150A, v2;
	v22 =	vadd.f32 v27, v22  }
0x3eb: {  	v25 =	vld.idx.msk [tilespmem:v31+s30+$0x0], $0xffff  }
0x3ec: {  	v34 =	vor.u32 $0x150B, v2;
	v22 =	vadd.f32 v24, v22  }
0x3ed: {  	v26 =	vld.idx.msk [tilespmem:v32+s30+$0x0], $0xffff  }
0x3ee: {  	v22 =	vadd.f32 v23, v22;
	v23 =	vor.u32 $0x150C, v2  }
0x3ef: {  	v27 =	vld.idx.msk [tilespmem:v33+s30+$0x0], $0xffff  }
0x3f0: {  	v35 =	vor.u32 $0x150D, v2;
	v22 =	vadd.f32 v25, v22  }
0x3f1: {  	v24 =	vld.idx.msk [tilespmem:v34+s30+$0x0], $0xffff  }
0x3f2: {  	v36 =	vor.u32 $0x150E, v2;
	v22 =	vadd.f32 v26, v22  }
0x3f3: {  	v23 =	vld.idx.msk [tilespmem:v23+s30+$0x0], $0xffff  }
0x3f4: {  	v37 =	vor.u32 $0x150F, v2;
	v22 =	vadd.f32 v27, v22  }
0x3f5: {  	v25 =	vld.idx.msk [tilespmem:v35+s30+$0x0], $0xffff  }
0x3f6: {  	v22 =	vadd.f32 v24, v22  }
0x3f7: {  	v38 =	vld.idx.msk [tilespmem:v36+s30+$0x0], $0xffff  }
0x3f8: {  	v22 =	vadd.f32 v23, v22  }
0x3f9: {  	v23 =	vld.idx.msk [tilespmem:v37+s30+$0x0], $0xffff  }
0x3fa: {  	v22 =	vadd.f32 v25, v22;
	_ =	sdelay $0x1  }
0x3fb: {  	v39 =	vor.u32 $0x1600, v2;
	v22 =	vadd.f32 v38, v22;
	_ =	sdelay $0x1  }
0x3fc: {  	v22 =	vadd.f32 v23, v22;
	v23 =	vor.u32 $0x1601, v2;
	_ =	sdelay $0x1  }
0x3fd: {  	[tilespmem:$0x15950] =	vst v22;
	v22 =	vor.u32 $0x1602, v2  }
0x3fe: {  	v24 =	vld.idx.msk [tilespmem:v39+s30+$0x0], $0xffff  }
0x3ff: {  	v40 =	vor.u32 $0x1603, v2  }
0x400: {  	v23 =	vld.idx.msk [tilespmem:v23+s30+$0x0], $0xffff  }
0x401: {  	v41 =	vor.u32 $0x1604, v2  }
0x402: {  	v22 =	vld.idx.msk [tilespmem:v22+s30+$0x0], $0xffff  }
0x403: {  	v42 =	vor.u32 $0x1605, v2;
	v24 =	vadd.f32 $0.0e+00, v24  }
0x404: {  	v25 =	vld.idx.msk [tilespmem:v40+s30+$0x0], $0xffff  }
0x405: {  	v43 =	vor.u32 $0x1606, v2;
	v23 =	vadd.f32 v23, v24  }
0x406: {  	v26 =	vld.idx.msk [tilespmem:v41+s30+$0x0], $0xffff  }
0x407: {  	v22 =	vadd.f32 v22, v23;
	v23 =	vor.u32 $0x1607, v2  }
0x408: {  	v27 =	vld.idx.msk [tilespmem:v42+s30+$0x0], $0xffff  }
0x409: {  	v44 =	vor.u32 $0x1608, v2;
	v22 =	vadd.f32 v25, v22  }
0x40a: {  	v24 =	vld.idx.msk [tilespmem:v43+s30+$0x0], $0xffff  }
0x40b: {  	v45 =	vor.u32 $0x1609, v2;
	v22 =	vadd.f32 v26, v22  }
0x40c: {  	v23 =	vld.idx.msk [tilespmem:v23+s30+$0x0], $0xffff  }
0x40d: {  	v46 =	vor.u32 $0x160A, v2;
	v22 =	vadd.f32 v27, v22  }
0x40e: {  	v25 =	vld.idx.msk [tilespmem:v44+s30+$0x0], $0xffff  }
0x40f: {  	v47 =	vor.u32 $0x160B, v2;
	v22 =	vadd.f32 v24, v22  }
0x410: {  	v26 =	vld.idx.msk [tilespmem:v45+s30+$0x0], $0xffff  }
0x411: {  	v22 =	vadd.f32 v23, v22;
	v23 =	vor.u32 $0x160C, v2  }
0x412: {  	v27 =	vld.idx.msk [tilespmem:v46+s30+$0x0], $0xffff  }
0x413: {  	v48 =	vor.u32 $0x160D, v2;
	v22 =	vadd.f32 v25, v22  }
0x414: {  	v24 =	vld.idx.msk [tilespmem:v47+s30+$0x0], $0xffff  }
0x415: {  	v49 =	vor.u32 $0x160E, v2;
	v22 =	vadd.f32 v26, v22  }
0x416: {  	v23 =	vld.idx.msk [tilespmem:v23+s30+$0x0], $0xffff  }
0x417: {  	v50 =	vor.u32 $0x160F, v2;
	v22 =	vadd.f32 v27, v22  }
0x418: {  	v25 =	vld.idx.msk [tilespmem:v48+s30+$0x0], $0xffff  }
0x419: {  	v22 =	vadd.f32 v24, v22  }
0x41a: {  	v51 =	vld.idx.msk [tilespmem:v49+s30+$0x0], $0xffff  }
0x41b: {  	v22 =	vadd.f32 v23, v22  }
0x41c: {  	v23 =	vld.idx.msk [tilespmem:v50+s30+$0x0], $0xffff  }
0x41d: {  	v22 =	vadd.f32 v25, v22;
	_ =	sdelay $0x1  }
0x41e: {  	v52 =	vor.u32 $0x1700, v2;
	v22 =	vadd.f32 v51, v22;
	_ =	sdelay $0x1  }
0x41f: {  	v22 =	vadd.f32 v23, v22;
	v23 =	vor.u32 $0x1701, v2;
	_ =	sdelay $0x1  }
0x420: {  	[tilespmem:$0x15960] =	vst v22;
	v22 =	vor.u32 $0x1702, v2  }
0x421: {  	v24 =	vld.idx.msk [tilespmem:v52+s30+$0x0], $0xffff  }
0x422: {  	v53 =	vor.u32 $0x1703, v2  }
0x423: {  	v23 =	vld.idx.msk [tilespmem:v23+s30+$0x0], $0xffff  }
0x424: {  	v54 =	vor.u32 $0x1704, v2  }
0x425: {  	v22 =	vld.idx.msk [tilespmem:v22+s30+$0x0], $0xffff  }
0x426: {  	v55 =	vor.u32 $0x1705, v2;
	v24 =	vadd.f32 $0.0e+00, v24  }
0x427: {  	v25 =	vld.idx.msk [tilespmem:v53+s30+$0x0], $0xffff  }
0x428: {  	v56 =	vor.u32 $0x1706, v2;
	v23 =	vadd.f32 v23, v24  }
0x429: {  	v26 =	vld.idx.msk [tilespmem:v54+s30+$0x0], $0xffff  }
0x42a: {  	v22 =	vadd.f32 v22, v23;
	v23 =	vor.u32 $0x1707, v2  }
0x42b: {  	v27 =	vld.idx.msk [tilespmem:v55+s30+$0x0], $0xffff  }
0x42c: {  	v57 =	vor.u32 $0x1708, v2;
	v22 =	vadd.f32 v25, v22  }
0x42d: {  	v24 =	vld.idx.msk [tilespmem:v56+s30+$0x0], $0xffff  }
0x42e: {  	v58 =	vor.u32 $0x1709, v2;
	v22 =	vadd.f32 v26, v22  }
0x42f: {  	v23 =	vld.idx.msk [tilespmem:v23+s30+$0x0], $0xffff  }
0x430: {  	v59 =	vor.u32 $0x170A, v2;
	v22 =	vadd.f32 v27, v22  }
0x431: {  	v25 =	vld.idx.msk [tilespmem:v57+s30+$0x0], $0xffff  }
0x432: {  	v60 =	vor.u32 $0x170B, v2;
	v22 =	vadd.f32 v24, v22  }
0x433: {  	v26 =	vld.idx.msk [tilespmem:v58+s30+$0x0], $0xffff  }
0x434: {  	v22 =	vadd.f32 v23, v22;
	v23 =	vor.u32 $0x170C, v2  }
0x435: {  	v27 =	vld.idx.msk [tilespmem:v59+s30+$0x0], $0xffff  }
0x436: {  	v61 =	vor.u32 $0x170D, v2;
	v22 =	vadd.f32 v25, v22  }
0x437: {  	v24 =	vld.idx.msk [tilespmem:v60+s30+$0x0], $0xffff  }
0x438: {  	v62 =	vor.u32 $0x170E, v2;
	v22 =	vadd.f32 v26, v22  }
0x439: {  	v23 =	vld.idx.msk [tilespmem:v23+s30+$0x0], $0xffff  }
0x43a: {  	v22 =	vadd.f32 v27, v22  }
0x43b: {  	v25 =	vld.idx.msk [tilespmem:v61+s30+$0x0], $0xffff  }
0x43c: {  	(xrf2) =	vadd.scan.msk.f32 $0xffff, v21;
	v21 =	vor.u32 $0x170F, v2;
	v22 =	vadd.f32 v24, v22  }
0x43d: {  	v63 =	vld.idx.msk [tilespmem:v62+s30+$0x0], $0xffff  }
0x43e: {  	v22 =	vadd.f32 v23, v22;
	_ =	sdelay $0x1  }
0x43f: {  	v22 =	vadd.f32 v25, v22  }
0x440: {  	v21 =	vld.idx.msk [tilespmem:v21+s30+$0x0], $0xffff  }
0x441: {  	v22 =	vadd.f32 v63, v22;
	_ =	sdelay $0x1  }
0x442: {  	[tilespmem:$0x159C0] =	vst v1  }
0x443: {  	[tilespmem:$0x159D0] =	vst v1  }
0x444: {  	[tilespmem:$0x159E0] =	vst v1;
	v21 =	vadd.f32 v21, v22;
	v22, _, _ =	vpop (xrf2)  }
0x445: {  	[tilespmem:$0x159F0] =	vst v1;
	v22 =	vbroadcast v22, $0xF  }
0x446: {  	[tilespmem:$0x15970] =	vst v21  }
0x447: {  	[tilespmem:$0x15980] =	vst v22  }
0x448: {  	s21 =	sadd.s32 $0x1, s21;
	[tilespmem:$0x15990] =	vst v22  }
0x449: {  	s4 =	simm.s32 $0x80;
	p0 =	sne.s32 s21, s14;
	[tilespmem:$0x159A0] =	vst v22  }
.Ltmp3:
0x44a: {  	s17 =	simm.s32 $0x400;
	s18 =	simm.s32 $0x15800;
	[tilespmem:$0x159B0] =	vst v22;
	(pc) =	sbr.rel @p0 .LBB2_1-.Ltmp3, $4  }
0x44b: {  	[hbm4b:s13+s4] =	stream.strided.scatter [tilespmem:s18], [sflag:$0xB], $0x200, s17, s4, $0x38;
	[tilespmem:$0x15A00] =	vst v63  }
0x44c: {  	_ =	swait.ge [sflag:s20], $0x200  }
0x44d: {  	[sflag:s20] =	ssyncset.done $0x0  }
0x44e: {  	[sflag:s20] =	ssyncadd.s32 $0xFFFFFE00  }
0x44f: {  	_ =	sfence.sel $0x180000  }
0x450: {  	[bflag:$0x0] =	sbarrier.arrive $0xFFFF  }
0x451: {  	_ =	strace $0x90000047  }
0x452: {  	s0 =	stileid.u32;
	[bflag:$0x2] =	sbarrier.arrive $0xFFFF  }
0x453: {  	p0 =	sne.s32 s0, $0x0;
	s0 =	rddreg [dreg:$0x3]  }
0x454: {  	s0 =	sadd.s32 @!p0 $0x100000, s0  }
0x455: {  	[sflag:s0] =	ssyncadd.tile.s32 @!p0 $0x1;
	_ =	shalt  }
.Lfunc_end2:
_tile_overlayer_lowered:
.L_overlay_start_2:
0x456: {  	(tag) =	ssettag $0x2  }
0x457: {  	s0 =	rddreg [dreg:$0x0];
	s2 =	stileid.u32  }
0x458: {  	s1 =	rddreg [dreg:$0x1];
	p0 =	sne.s32 s2, $0x0  }
0x459: {  	s3 =	rddreg [dreg:$0x2];
	[bflag:$0x3] =	sbarrier.arrive $0xFFFF;
	s2 =	simm.s32 @!p0 $0x1C0B  }
0x45a: {  	[timem:s3], [sflag:s2] =	dma.local @!p0 [hbm:s0], s1  }
0x45b: {  	s0 =	simm.s32 @!p0 $0xB  }
0x45c: {  	_ =	swait.ge @!p0 [sflag:s0], s1  }
0x45d: {  	s1 =	ssub.s32 @!p0 $0x0, s1;
	[sflag:s0] =	ssyncset.done @!p0 $0x0  }
0x45e: {  	[sflag:s0] =	ssyncadd.s32 @!p0 s1  }
0x45f: {  	[bflag:$0x3] =	sbarrier.arrive $0xFFFF  }
0x460: {  	_ =	shalt  }

</sc_bundles>
